<compile_context>
chip_gen: v7x
topology: tpu7x:2x2x1
jax: 0.10.2.dev20260603
libtpu: 0.0.44.dev20260713+nightly
codegen_flags: <defaults>
</compile_context>

<pallas_src>
import functools

import jax
import jax.numpy as jnp
from jax import lax
from jax.experimental import pallas as pl
from jax.experimental.pallas import tpu as pltpu
from jax.experimental.pallas import tpu_sc as plsc

Q = 1024
D = 128
K_REAL = 100000
KT = 1024
K_PAD = 100352
N_TILES = K_PAD // KT
CW = 128
NCH = K_PAD // CW
NCH_PAD = 1024
NSEL = 128
NEG = float("-inf")


def _matmul_body(q_ref, k_ref, s_ref, m_ref):
    s = lax.dot_general(
        q_ref[...], k_ref[...],
        dimension_numbers=(((1,), (1,)), ((), ())),
        preferred_element_type=jnp.float32,
    )
    col = pl.program_id(0) * KT + lax.broadcasted_iota(jnp.int32, s.shape, 1)
    s = jnp.where(col < K_REAL, s, NEG)
    s_ref[...] = s
    m_ref[...] = jnp.max(s.reshape(Q, KT // CW, CW), axis=2)[None]


def _scores_and_chunkmax(q, keys_p):
    return pl.pallas_call(
        _matmul_body,
        grid=(N_TILES,),
        in_specs=[
            pl.BlockSpec((Q, D), lambda i: (0, 0)),
            pl.BlockSpec((KT, D), lambda i: (i, 0)),
        ],
        out_specs=[
            pl.BlockSpec((Q, KT), lambda i: (0, i)),
            pl.BlockSpec((1, Q, KT // CW), lambda i: (i, 0, 0)),
        ],
        out_shape=[
            jax.ShapeDtypeStruct((Q, K_PAD), jnp.float32),
            jax.ShapeDtypeStruct((N_TILES, Q, KT // CW), jnp.float32),
        ],
    )(q, keys_p)


def _ce3_dyn(v, ix, d, desc):
    ax = len(v.shape) - 1
    lane = lax.broadcasted_iota(jnp.int32, v.shape, ax)
    low = (lane & d) == 0
    pv = jnp.where(low, pltpu.roll(v, 128 - d, ax), pltpu.roll(v, d, ax))
    pi = jnp.where(low, pltpu.roll(ix, 128 - d, ax), pltpu.roll(ix, d, ax))
    win = (v > pv) | ((v == pv) & (ix < pi))
    keep = win ^ low ^ desc
    return jnp.where(keep, v, pv), jnp.where(keep, ix, pi)


def _sort_body(v_ref, ix_ref, ov_ref, oi_ref):
    qt, m = v_ref.shape
    r = m // 128
    v = v_ref[...].reshape(qt, r, 128)
    ix = ix_ref[...].reshape(qt, r, 128)
    run = lax.broadcasted_iota(jnp.int32, v.shape, 1)
    lane = lax.broadcasted_iota(jnp.int32, v.shape, 2)
    g = run * 128 + lane
    for k in range(1, 8):
        desc = ((g >> k) & 1) == 0

        def stage(t, carry, k=k, desc=desc):
            d = jnp.int32(1) << (k - 1 - t)
            return _ce3_dyn(*carry, d, desc)

        v, ix = lax.fori_loop(0, k, stage, (v, ix))
    ov_ref[...] = v
    oi_ref[...] = ix


def _sort_runs(vals, ixs, q_tile):
    m = vals.shape[1]
    r = m // 128
    return pl.pallas_call(
        _sort_body,
        grid=(Q // q_tile,),
        in_specs=[
            pl.BlockSpec((q_tile, m), lambda i: (i, 0)),
            pl.BlockSpec((q_tile, m), lambda i: (i, 0)),
        ],
        out_specs=[
            pl.BlockSpec((q_tile, r, 128), lambda i: (i, 0, 0)),
            pl.BlockSpec((q_tile, r, 128), lambda i: (i, 0, 0)),
        ],
        out_shape=[
            jax.ShapeDtypeStruct((Q, r, 128), jnp.float32),
            jax.ShapeDtypeStruct((Q, r, 128), jnp.int32),
        ],
    )(vals, ixs)


def _merge_body(v_ref, ix_ref, ov_ref, oi_ref):
    av, bv = v_ref[:, 0, 0, :], v_ref[:, 0, 1, :]
    ai, bi = ix_ref[:, 0, 0, :], ix_ref[:, 0, 1, :]
    win = (av > bv) | ((av == bv) & (ai < bi))
    v = jnp.where(win, av, bv)
    ix = jnp.where(win, ai, bi)
    lane = lax.broadcasted_iota(jnp.int32, v.shape, 1)
    desc = ((lane & 0) + (pl.program_id(1) & 1)) == 0
    for j in range(7, 0, -1):
        v, ix = _ce3_dyn(v, ix, jnp.int32(1 << (j - 1)), desc)
    ov_ref[:, 0, 0, :] = v
    oi_ref[:, 0, 0, :] = ix


def _merge_level(vals, ixs):
    r = vals.shape[1]
    v4 = vals.reshape(Q, r // 2, 2, 128)
    i4 = ixs.reshape(Q, r // 2, 2, 128)
    ov, oi = pl.pallas_call(
        _merge_body,
        grid=(Q // 32, r // 2),
        in_specs=[
            pl.BlockSpec((32, 1, 2, 128), lambda i, p: (i, p, 0, 0)),
            pl.BlockSpec((32, 1, 2, 128), lambda i, p: (i, p, 0, 0)),
        ],
        out_specs=[
            pl.BlockSpec((32, 1, 1, 128), lambda i, p: (i, p, 0, 0)),
            pl.BlockSpec((32, 1, 1, 128), lambda i, p: (i, p, 0, 0)),
        ],
        out_shape=[
            jax.ShapeDtypeStruct((Q, r // 2, 1, 128), jnp.float32),
            jax.ShapeDtypeStruct((Q, r // 2, 1, 128), jnp.int32),
        ],
    )(v4, i4)
    return ov.reshape(Q, r // 2, 128), oi.reshape(Q, r // 2, 128)


def _topk128(vals, ixs, q_tile):
    v, ix = _sort_runs(vals, ixs, q_tile)
    while v.shape[1] > 1:
        v, ix = _merge_level(v, ix)
    return v[:, 0, :], ix[:, 0, :]


def _sc_gather(table, idx):
    b = idx.shape[0]
    info = plsc.get_sparse_core_info()
    nw = info.num_cores * info.num_subcores
    b_per_w = b // nw
    ch = 128
    n_ch = b_per_w // ch
    mesh = plsc.VectorSubcoreMesh(core_axis_name="c", subcore_axis_name="s")

    @functools.partial(
        pl.kernel,
        mesh=mesh,
        out_type=jax.ShapeDtypeStruct((b, 128), jnp.float32),
        scratch_types=[
            pltpu.VMEM((b_per_w,), jnp.int32),
            pltpu.VMEM((ch, 128), jnp.float32),
            pltpu.SemaphoreType.DMA,
        ],
    )
    def k(table_hbm, idx_hbm, out_hbm, idx_v, rows_v, sem):
        wid = lax.axis_index("s") * info.num_cores + lax.axis_index("c")
        base = wid * b_per_w
        pltpu.sync_copy(idx_hbm.at[pl.ds(base, b_per_w)], idx_v)

        def body(c, carry):
            start = pl.multiple_of(c * ch, ch)
            pltpu.async_copy(
                table_hbm.at[idx_v.at[pl.ds(start, ch)]], rows_v, sem
            ).wait()
            pltpu.sync_copy(rows_v, out_hbm.at[pl.ds(base + start, ch)])
            return carry

        lax.fori_loop(0, n_ch, body, 0)

    return k(table, idx)


def kernel(queries, keys, topk):
    del topk
    keys_p = jnp.pad(keys, ((0, K_PAD - K_REAL), (0, 0)))
    scores, cmax3 = _scores_and_chunkmax(queries, keys_p)
    cmax = jnp.transpose(cmax3, (1, 0, 2)).reshape(Q, NCH)

    cmax_p = jnp.pad(cmax, ((0, 0), (0, NCH_PAD - NCH)), constant_values=NEG)
    lane = jnp.arange(NCH_PAD, dtype=jnp.int32)
    _, chunk_ids = _topk128(cmax_p, jnp.broadcast_to(lane, (Q, NCH_PAD)), 64)

    flat = (jnp.arange(Q, dtype=jnp.int32)[:, None] * NCH + chunk_ids).reshape(-1)
    cand = _sc_gather(scores.reshape(Q * NCH, CW), flat)
    cand_v = cand.reshape(Q, NSEL * CW)
    cand_ix = (
        chunk_ids[:, :, None] * CW + jnp.arange(CW, dtype=jnp.int32)[None, None, :]
    ).reshape(Q, NSEL * CW)

    top_vals, top_idx = _topk128(cand_v, cand_ix, 16)
    logits = top_vals[:, :100]
    tidx = top_idx[:, :100]

    emb = _sc_gather(keys, tidx.reshape(-1))
    return logits, tidx, emb.reshape(Q, 100, D)

# --- scband reference (transcript-rebuilt; emitter-appended) ---
"""Pipeline reference for scband-prior-model-37898791420331 (READ-ONLY COPY).

The authoritative reference and input builder live on the scoring server;
editing this copy changes nothing except your own understanding.
"""

import jax, jax.numpy as jnp
import numpy as np


def setup_inputs(seed: int = 0) -> dict:
    key = jax.random.key(seed)
    k1, k2 = jax.random.split(key)
    queries = jax.random.normal(k1, (1024, 128), dtype=jnp.float32)
    keys = jax.random.normal(k2, (100000, 128), dtype=jnp.float32)
    return {"queries": queries, "keys": keys, "topk": 100}


def reference(queries, keys, topk):
    # question_embeddings @ full passage index (faiss get_nearest_examples_batch equivalent)
    scores = queries @ keys.T                      # [Q, K] inner-product similarity
    top_vals, top_idx = jax.lax.top_k(scores, 100)  # retrieve top-k passages per query
    top_idx = top_idx + (topk - topk)
    # gather retrieved passage embeddings (document['embeddings'])
    topk_emb = jnp.take(keys, top_idx, axis=0)     # [Q, topk, d]
    # logits_ = question_embeddings[i] @ document_embeddings.T, per query
    logits = jnp.einsum('qd,qkd->qk', queries, topk_emb)  # [Q, topk]
    return logits, top_idx, topk_emb

if __name__ == "__main__":
    import jax
    _d = setup_inputs()
    print(jax.jit(kernel)(*tuple(_d.values())))

</pallas_src>

<mosaic_0001>
#map = affine_map<(d0, d1) -> (0, 0)>
#map1 = affine_map<(d0, d1) -> (0)>
module attributes {stable_mosaic.version = 14 : i64} {
  func.func @k(%arg0: i32, %arg1: i32, %arg2: memref<802816x128xf32, #tpu.memory_space<hbm>>, %arg3: memref<131072xi32, #tpu.memory_space<hbm>>, %arg4: memref<131072x128xf32, #tpu.memory_space<hbm>>, %arg5: memref<4096xi32, #tpu.memory_space<vmem>>, %arg6: memref<128x128xf32, #tpu.memory_space<vmem>>, %arg7: memref<!tpu.dma_semaphore, #tpu.memory_space<semaphore_mem>>) attributes {dimension_semantics = [#tpu.dimension_semantics<core_parallel>, #tpu.dimension_semantics<subcore_parallel>], iteration_bounds = array<i64: 2, 16>, scalar_prefetch = 0 : i64, scratch_operands = 3 : i64, tpu.core_type = #tpu.core_type<sc_vector_subcore>, window_params = [{transform_indices = #map}, {transform_indices = #map1}, {transform_indices = #map}]} {
    %mul3A = arith.constant 2 : i32
    %mul3A_0 = arith.muli %arg1, %mul3A : i32
    %add3A = arith.addi %mul3A_0, %arg0 : i32
    %mul3A_1 = arith.constant 4096 : i32
    %mul3A_2 = arith.muli %add3A, %mul3A_1 : i32
    "tpu.region"() ({
      %run_scoped3A = tpu.sem_alloc : memref<!tpu.dma_semaphore, #tpu.memory_space<semaphore_mem>>
      %dma_start3A = tpu.memref_slice %arg3[%mul3A_2] : memref<131072xi32, #tpu.memory_space<hbm>> -> memref<4096xi32, #tpu.memory_space<hbm>>
      %dma_start3A_8 = tpu.memref_slice %arg3[%mul3A_2] : memref<131072xi32, #tpu.memory_space<hbm>> -> memref<4096xi32, #tpu.memory_space<hbm>>
      tpu.enqueue_dma source(%dma_start3A_8 : memref<4096xi32, #tpu.memory_space<hbm>>) target(%arg5 : memref<4096xi32, #tpu.memory_space<vmem>>) target_semaphore(%run_scoped3A : memref<!tpu.dma_semaphore, #tpu.memory_space<semaphore_mem>>)
      %dma_wait3A = tpu.memref_slice %arg3[%mul3A_2] : memref<131072xi32, #tpu.memory_space<hbm>> -> memref<4096xi32, #tpu.memory_space<hbm>>
      %dma_wait3A_9 = tpu.memref_slice %arg3[%mul3A_2] : memref<131072xi32, #tpu.memory_space<hbm>> -> memref<4096xi32, #tpu.memory_space<hbm>>
      tpu.wait_dma2 semaphore(%run_scoped3A : memref<!tpu.dma_semaphore, #tpu.memory_space<semaphore_mem>>) src(%dma_wait3A_9 : memref<4096xi32, #tpu.memory_space<hbm>>) dst(%arg5 : memref<4096xi32, #tpu.memory_space<vmem>>)
      tpu.yield
    }) : () -> ()
    %scan3A = arith.constant 0 : i32
    %scan3A_3 = arith.constant 0 : i32
    %scan3A_4 = arith.constant 32 : i32
    %scan3A_5 = arith.addi %scan3A_3, %scan3A_4 : i32
    %scan3A_6 = arith.constant 1 : i32
    scf.for %scan3A_8 = %scan3A_3 to %scan3A_5 step %scan3A_6  : i32 {
      %mul3A_9 = arith.constant 128 : i32
      %mul3A_10 = arith.muli %scan3A_8, %mul3A_9 : i32
      %multiple_of3A = tpu.assume_multiple %mul3A_10, 128 : i32
      %dma_start3A = tpu.memref_slice %arg5[%multiple_of3A] : memref<4096xi32, #tpu.memory_space<vmem>> -> memref<128xi32, #tpu.memory_space<vmem>>
      %dma_start3A_11 = arith.constant 0 : i32
      %dma_start3A_12 = arith.constant 0 : i32
      %dma_start3A_13 = tpu.memref_slice %arg2[%dma_start3A_11, %dma_start3A_12] : memref<802816x128xf32, #tpu.memory_space<hbm>> -> memref<802816x128xf32, #tpu.memory_space<hbm>>
      tpu.enqueue_indirect_dma source(%dma_start3A_13 : memref<802816x128xf32, #tpu.memory_space<hbm>>) target(%arg6 : memref<128x128xf32, #tpu.memory_space<vmem>>) offsets(%dma_start3A : memref<128xi32, #tpu.memory_space<vmem>>) semaphore(%arg7 : memref<!tpu.dma_semaphore, #tpu.memory_space<semaphore_mem>>)
      %dma_wait3A = tpu.memref_slice %arg5[%multiple_of3A] : memref<4096xi32, #tpu.memory_space<vmem>> -> memref<128xi32, #tpu.memory_space<vmem>>
      %dma_wait3A_14 = arith.constant 0 : i32
      %dma_wait3A_15 = arith.constant 0 : i32
      %dma_wait3A_16 = tpu.memref_slice %arg2[%dma_wait3A_14, %dma_wait3A_15] : memref<802816x128xf32, #tpu.memory_space<hbm>> -> memref<802816x128xf32, #tpu.memory_space<hbm>>
      tpu.wait_indirect_dma semaphore(%arg7 : memref<!tpu.dma_semaphore, #tpu.memory_space<semaphore_mem>>) src(%dma_wait3A_16 : memref<802816x128xf32, #tpu.memory_space<hbm>>) dst(%arg6 : memref<128x128xf32, #tpu.memory_space<vmem>>)
      %add3A_17 = arith.addi %mul3A_2, %multiple_of3A : i32
      "tpu.region"() ({
        %run_scoped3A = tpu.sem_alloc : memref<!tpu.dma_semaphore, #tpu.memory_space<semaphore_mem>>
        %dma_start3A_18 = arith.constant 0 : i32
        %dma_start3A_19 = tpu.memref_slice %arg4[%add3A_17, %dma_start3A_18] : memref<131072x128xf32, #tpu.memory_space<hbm>> -> memref<128x128xf32, #tpu.memory_space<hbm>>
        %dma_start3A_20 = arith.constant 0 : i32
        %dma_start3A_21 = tpu.memref_slice %arg4[%add3A_17, %dma_start3A_20] : memref<131072x128xf32, #tpu.memory_space<hbm>> -> memref<128x128xf32, #tpu.memory_space<hbm>>
        tpu.enqueue_dma source(%arg6 : memref<128x128xf32, #tpu.memory_space<vmem>>) target(%dma_start3A_21 : memref<128x128xf32, #tpu.memory_space<hbm>>) target_semaphore(%run_scoped3A : memref<!tpu.dma_semaphore, #tpu.memory_space<semaphore_mem>>)
        %dma_wait3A_22 = arith.constant 0 : i32
        %dma_wait3A_23 = tpu.memref_slice %arg4[%add3A_17, %dma_wait3A_22] : memref<131072x128xf32, #tpu.memory_space<hbm>> -> memref<128x128xf32, #tpu.memory_space<hbm>>
        %dma_wait3A_24 = arith.constant 0 : i32
        %dma_wait3A_25 = tpu.memref_slice %arg4[%add3A_17, %dma_wait3A_24] : memref<131072x128xf32, #tpu.memory_space<hbm>> -> memref<128x128xf32, #tpu.memory_space<hbm>>
        tpu.wait_dma2 semaphore(%run_scoped3A : memref<!tpu.dma_semaphore, #tpu.memory_space<semaphore_mem>>) src(%arg6 : memref<128x128xf32, #tpu.memory_space<vmem>>) dst(%dma_wait3A_25 : memref<128x128xf32, #tpu.memory_space<hbm>>)
        tpu.yield
      }) : () -> ()
    }
    %scan3A_7 = arith.constant 32 : i32
    return
  }
}

#map = affine_map<(d0, d1) -> (0, 0)>
#map1 = affine_map<(d0, d1) -> (0)>
module attributes {stable_mosaic.version = 14 : i64} {
  func.func @k(%arg0: i32, %arg1: i32, %arg2: memref<100000x128xf32, #tpu.memory_space<hbm>>, %arg3: memref<102400xi32, #tpu.memory_space<hbm>>, %arg4: memref<102400x128xf32, #tpu.memory_space<hbm>>, %arg5: memref<3200xi32, #tpu.memory_space<vmem>>, %arg6: memref<128x128xf32, #tpu.memory_space<vmem>>, %arg7: memref<!tpu.dma_semaphore, #tpu.memory_space<semaphore_mem>>) attributes {dimension_semantics = [#tpu.dimension_semantics<core_parallel>, #tpu.dimension_semantics<subcore_parallel>], iteration_bounds = array<i64: 2, 16>, scalar_prefetch = 0 : i64, scratch_operands = 3 : i64, tpu.core_type = #tpu.core_type<sc_vector_subcore>, window_params = [{transform_indices = #map}, {transform_indices = #map1}, {transform_indices = #map}]} {
    %mul3A = arith.constant 2 : i32
    %mul3A_0 = arith.muli %arg1, %mul3A : i32
    %add3A = arith.addi %mul3A_0, %arg0 : i32
    %mul3A_1 = arith.constant 3200 : i32
    %mul3A_2 = arith.muli %add3A, %mul3A_1 : i32
    "tpu.region"() ({
      %run_scoped3A = tpu.sem_alloc : memref<!tpu.dma_semaphore, #tpu.memory_space<semaphore_mem>>
      %dma_start3A = tpu.memref_slice %arg3[%mul3A_2] : memref<102400xi32, #tpu.memory_space<hbm>> -> memref<3200xi32, #tpu.memory_space<hbm>>
      %dma_start3A_8 = tpu.memref_slice %arg3[%mul3A_2] : memref<102400xi32, #tpu.memory_space<hbm>> -> memref<3200xi32, #tpu.memory_space<hbm>>
      tpu.enqueue_dma source(%dma_start3A_8 : memref<3200xi32, #tpu.memory_space<hbm>>) target(%arg5 : memref<3200xi32, #tpu.memory_space<vmem>>) target_semaphore(%run_scoped3A : memref<!tpu.dma_semaphore, #tpu.memory_space<semaphore_mem>>)
      %dma_wait3A = tpu.memref_slice %arg3[%mul3A_2] : memref<102400xi32, #tpu.memory_space<hbm>> -> memref<3200xi32, #tpu.memory_space<hbm>>
      %dma_wait3A_9 = tpu.memref_slice %arg3[%mul3A_2] : memref<102400xi32, #tpu.memory_space<hbm>> -> memref<3200xi32, #tpu.memory_space<hbm>>
      tpu.wait_dma2 semaphore(%run_scoped3A : memref<!tpu.dma_semaphore, #tpu.memory_space<semaphore_mem>>) src(%dma_wait3A_9 : memref<3200xi32, #tpu.memory_space<hbm>>) dst(%arg5 : memref<3200xi32, #tpu.memory_space<vmem>>)
      tpu.yield
    }) : () -> ()
    %scan3A = arith.constant 0 : i32
    %scan3A_3 = arith.constant 0 : i32
    %scan3A_4 = arith.constant 25 : i32
    %scan3A_5 = arith.addi %scan3A_3, %scan3A_4 : i32
    %scan3A_6 = arith.constant 1 : i32
    scf.for %scan3A_8 = %scan3A_3 to %scan3A_5 step %scan3A_6  : i32 {
      %mul3A_9 = arith.constant 128 : i32
      %mul3A_10 = arith.muli %scan3A_8, %mul3A_9 : i32
      %multiple_of3A = tpu.assume_multiple %mul3A_10, 128 : i32
      %dma_start3A = tpu.memref_slice %arg5[%multiple_of3A] : memref<3200xi32, #tpu.memory_space<vmem>> -> memref<128xi32, #tpu.memory_space<vmem>>
      %dma_start3A_11 = arith.constant 0 : i32
      %dma_start3A_12 = arith.constant 0 : i32
      %dma_start3A_13 = tpu.memref_slice %arg2[%dma_start3A_11, %dma_start3A_12] : memref<100000x128xf32, #tpu.memory_space<hbm>> -> memref<100000x128xf32, #tpu.memory_space<hbm>>
      tpu.enqueue_indirect_dma source(%dma_start3A_13 : memref<100000x128xf32, #tpu.memory_space<hbm>>) target(%arg6 : memref<128x128xf32, #tpu.memory_space<vmem>>) offsets(%dma_start3A : memref<128xi32, #tpu.memory_space<vmem>>) semaphore(%arg7 : memref<!tpu.dma_semaphore, #tpu.memory_space<semaphore_mem>>)
      %dma_wait3A = tpu.memref_slice %arg5[%multiple_of3A] : memref<3200xi32, #tpu.memory_space<vmem>> -> memref<128xi32, #tpu.memory_space<vmem>>
      %dma_wait3A_14 = arith.constant 0 : i32
      %dma_wait3A_15 = arith.constant 0 : i32
      %dma_wait3A_16 = tpu.memref_slice %arg2[%dma_wait3A_14, %dma_wait3A_15] : memref<100000x128xf32, #tpu.memory_space<hbm>> -> memref<100000x128xf32, #tpu.memory_space<hbm>>
      tpu.wait_indirect_dma semaphore(%arg7 : memref<!tpu.dma_semaphore, #tpu.memory_space<semaphore_mem>>) src(%dma_wait3A_16 : memref<100000x128xf32, #tpu.memory_space<hbm>>) dst(%arg6 : memref<128x128xf32, #tpu.memory_space<vmem>>)
      %add3A_17 = arith.addi %mul3A_2, %multiple_of3A : i32
      "tpu.region"() ({
        %run_scoped3A = tpu.sem_alloc : memref<!tpu.dma_semaphore, #tpu.memory_space<semaphore_mem>>
        %dma_start3A_18 = arith.constant 0 : i32
        %dma_start3A_19 = tpu.memref_slice %arg4[%add3A_17, %dma_start3A_18] : memref<102400x128xf32, #tpu.memory_space<hbm>> -> memref<128x128xf32, #tpu.memory_space<hbm>>
        %dma_start3A_20 = arith.constant 0 : i32
        %dma_start3A_21 = tpu.memref_slice %arg4[%add3A_17, %dma_start3A_20] : memref<102400x128xf32, #tpu.memory_space<hbm>> -> memref<128x128xf32, #tpu.memory_space<hbm>>
        tpu.enqueue_dma source(%arg6 : memref<128x128xf32, #tpu.memory_space<vmem>>) target(%dma_start3A_21 : memref<128x128xf32, #tpu.memory_space<hbm>>) target_semaphore(%run_scoped3A : memref<!tpu.dma_semaphore, #tpu.memory_space<semaphore_mem>>)
        %dma_wait3A_22 = arith.constant 0 : i32
        %dma_wait3A_23 = tpu.memref_slice %arg4[%add3A_17, %dma_wait3A_22] : memref<102400x128xf32, #tpu.memory_space<hbm>> -> memref<128x128xf32, #tpu.memory_space<hbm>>
        %dma_wait3A_24 = arith.constant 0 : i32
        %dma_wait3A_25 = tpu.memref_slice %arg4[%add3A_17, %dma_wait3A_24] : memref<102400x128xf32, #tpu.memory_space<hbm>> -> memref<128x128xf32, #tpu.memory_space<hbm>>
        tpu.wait_dma2 semaphore(%run_scoped3A : memref<!tpu.dma_semaphore, #tpu.memory_space<semaphore_mem>>) src(%arg6 : memref<128x128xf32, #tpu.memory_space<vmem>>) dst(%dma_wait3A_25 : memref<128x128xf32, #tpu.memory_space<hbm>>)
        tpu.yield
      }) : () -> ()
    }
    %scan3A_7 = arith.constant 25 : i32
    return
  }
}

module attributes {stable_mosaic.version = 14 : i64} {
  func.func @_matmul_body(%arg0: i32, %arg1: memref<1024x128xf32, #tpu.memory_space<vmem>>, %arg2: memref<1024x128xf32, #tpu.memory_space<vmem>>, %arg3: memref<1024x1024xf32, #tpu.memory_space<vmem>>, %arg4: memref<1x1024x8xf32, #tpu.memory_space<vmem>>) attributes {dimension_semantics = [#tpu.dimension_semantics<arbitrary>], iteration_bounds = array<i64: 98>, scalar_prefetch = 0 : i64, scratch_operands = 0 : i64, tpu.core_type = #tpu.core_type<tc>, window_params = [{pipeline_mode = #tpu.pipeline_mode<synchronous>, transform_indices = @transform_0, window_bounds = array<i64: 1024, 128>}, {transform_indices = @transform_1, window_bounds = array<i64: 1024, 128>}, {transform_indices = @transform_2, window_bounds = array<i64: 1024, 1024>}, {transform_indices = @transform_3, window_bounds = array<i64: 1, 1024, 8>}]} {
    %get3A = arith.constant 0 : index
    %get3A_0 = arith.constant 0 : index
    %get3A_1 = vector.load %arg1[%get3A, %get3A_0] : memref<1024x128xf32, #tpu.memory_space<vmem>>, vector<1024x128xf32>
    %get3A_2 = arith.constant 0 : index
    %get3A_3 = arith.constant 0 : index
    %get3A_4 = vector.load %arg2[%get3A_2, %get3A_3] : memref<1024x128xf32, #tpu.memory_space<vmem>>, vector<1024x128xf32>
    %dot_general3A = arith.constant dense<0.000000e+00> : vector<1024x1024xf32>
    %dot_general3A_5 = tpu.matmul %get3A_1, %get3A_4, %dot_general3A {dimension_numbers = #tpu.dot_dimension_numbers<[1], [1], [0], [0], [0, 0, 1, 0], [], []>, transpose_lhs_hint = false} : vector<1024x128xf32>, vector<1024x128xf32>, vector<1024x1024xf32> -> vector<1024x1024xf32>
    %mul3A = arith.constant 1024 : i32
    %mul3A_6 = arith.muli %arg0, %mul3A : i32
    %iota3A = tpu.iota {dimensions = array<i32: 1>} : vector<1024x1024xi32>
    %add3A = vector.broadcast %mul3A_6 : i32 to vector<1024x1024xi32>
    %add3A_7 = arith.addi %add3A, %iota3A : vector<1024x1024xi32>
    %lt3A = arith.constant 100000 : i32
    %lt3A_8 = vector.broadcast %lt3A : i32 to vector<1024x1024xi32>
    %lt3A_9 = arith.cmpi slt, %add3A_7, %lt3A_8 : vector<1024x1024xi32>
    %jit3A = arith.constant 0xFF800000 : f32
    %broadcast_in_dim3A = vector.broadcast %jit3A : f32 to vector<1024x1024xf32>
    %select_n3A = arith.select %lt3A_9, %dot_general3A_5, %broadcast_in_dim3A : vector<1024x1024xi1>, vector<1024x1024xf32>
    %swap3A = arith.constant 0 : index
    %swap3A_10 = arith.constant 0 : index
    %swap3A_11 = vector.load %arg3[%swap3A, %swap3A_10] : memref<1024x1024xf32, #tpu.memory_space<vmem>>, vector<1024x1024xf32>
    tpu.vector_store %arg3[%swap3A, %swap3A_10], %select_n3A {strides = array<i32>} : memref<1024x1024xf32, #tpu.memory_space<vmem>>, vector<1024x1024xf32>,
    %reshape3A = vector.shape_cast %select_n3A : vector<1024x1024xf32> to vector<1024x8x128xf32>
    %reduce_max3A = arith.constant dense<0xFF800000> : vector<1024x8xf32>
    %reduce_max3A_12 = vector.multi_reduction <maximumf>, %reshape3A, %reduce_max3A [2] : vector<1024x8x128xf32> to vector<1024x8xf32>
    %broadcast_in_dim3A_13 = vector.shape_cast %reduce_max3A_12 : vector<1024x8xf32> to vector<1x1024x8xf32>
    %swap3A_14 = arith.constant 0 : index
    %swap3A_15 = arith.constant 0 : index
    %swap3A_16 = arith.constant 0 : index
    %swap3A_17 = vector.load %arg4[%swap3A_14, %swap3A_15, %swap3A_16] : memref<1x1024x8xf32, #tpu.memory_space<vmem>>, vector<1x1024x8xf32>
    tpu.vector_store %arg4[%swap3A_14, %swap3A_15, %swap3A_16], %broadcast_in_dim3A_13 {strides = array<i32>} : memref<1x1024x8xf32, #tpu.memory_space<vmem>>, vector<1x1024x8xf32>,
    return
  }
  func.func @transform_0(%arg0: i32) -> (i32, i32) {
    %c0_i32 = arith.constant 0 : i32
    %c0_i32_0 = arith.constant 0 : i32
    %c0_i32_1 = arith.constant 0 : i32
    return %c0_i32, %c0_i32_0 : i32, i32
  }
  func.func @transform_1(%arg0: i32) -> (i32, i32) {
    %c0_i32 = arith.constant 0 : i32
    %c0_i32_0 = arith.constant 0 : i32
    return %arg0, %c0_i32 : i32, i32
  }
  func.func @transform_2(%arg0: i32) -> (i32, i32) {
    %c0_i32 = arith.constant 0 : i32
    %c0_i32_0 = arith.constant 0 : i32
    return %c0_i32, %arg0 : i32, i32
  }
  func.func @transform_3(%arg0: i32) -> (i32, i32, i32) {
    %c0_i32 = arith.constant 0 : i32
    %c0_i32_0 = arith.constant 0 : i32
    %c0_i32_1 = arith.constant 0 : i32
    return %arg0, %c0_i32, %c0_i32_0 : i32, i32, i32
  }
}

module attributes {stable_mosaic.version = 14 : i64} {
  func.func @_sort_body(%arg0: i32, %arg1: memref<64x1024xf32, #tpu.memory_space<vmem>>, %arg2: memref<64x1024xi32, #tpu.memory_space<vmem>>, %arg3: memref<64x8x128xf32, #tpu.memory_space<vmem>>, %arg4: memref<64x8x128xi32, #tpu.memory_space<vmem>>) attributes {dimension_semantics = [#tpu.dimension_semantics<arbitrary>], iteration_bounds = array<i64: 16>, scalar_prefetch = 0 : i64, scratch_operands = 0 : i64, tpu.core_type = #tpu.core_type<tc>, window_params = [{transform_indices = @transform_0, window_bounds = array<i64: 64, 1024>}, {transform_indices = @transform_1, window_bounds = array<i64: 64, 1024>}, {transform_indices = @transform_2, window_bounds = array<i64: 64, 8, 128>}, {transform_indices = @transform_3, window_bounds = array<i64: 64, 8, 128>}]} {
    %get3A = arith.constant 0 : index
    %get3A_0 = arith.constant 0 : index
    %get3A_1 = vector.load %arg1[%get3A, %get3A_0] : memref<64x1024xf32, #tpu.memory_space<vmem>>, vector<64x1024xf32>
    %reshape3A = vector.shape_cast %get3A_1 : vector<64x1024xf32> to vector<64x8x128xf32>
    %get3A_2 = arith.constant 0 : index
    %get3A_3 = arith.constant 0 : index
    %get3A_4 = vector.load %arg2[%get3A_2, %get3A_3] : memref<64x1024xi32, #tpu.memory_space<vmem>>, vector<64x1024xi32>
    %reshape3A_5 = vector.shape_cast %get3A_4 : vector<64x1024xi32> to vector<64x8x128xi32>
    %iota3A = tpu.iota {dimensions = array<i32: 1>} : vector<64x8x128xi32>
    %iota3A_6 = tpu.iota {dimensions = array<i32: 2>} : vector<64x8x128xi32>
    %mul3A = arith.constant 128 : i32
    %mul3A_7 = vector.broadcast %mul3A : i32 to vector<64x8x128xi32>
    %mul3A_8 = arith.muli %iota3A, %mul3A_7 : vector<64x8x128xi32>
    %add3A = arith.addi %mul3A_8, %iota3A_6 : vector<64x8x128xi32>
    %shift_right_arithmetic3A = arith.constant 1 : i32
    %shift_right_arithmetic3A_9 = vector.broadcast %shift_right_arithmetic3A : i32 to vector<64x8x128xi32>
    %shift_right_arithmetic3A_10 = arith.shrsi %add3A, %shift_right_arithmetic3A_9 : vector<64x8x128xi32>
    %and3A = arith.constant 1 : i32
    %and3A_11 = vector.broadcast %and3A : i32 to vector<64x8x128xi32>
    %and3A_12 = arith.andi %shift_right_arithmetic3A_10, %and3A_11 : vector<64x8x128xi32>
    %eq3A = arith.constant 0 : i32
    %eq3A_13 = vector.broadcast %eq3A : i32 to vector<64x8x128xi32>
    %eq3A_14 = arith.cmpi eq, %and3A_12, %eq3A_13 : vector<64x8x128xi32>
    %scan3A = arith.constant 0 : i32
    %sub3A = arith.constant 0 : i32
    %sub3A_15 = arith.subi %sub3A, %scan3A : i32
    %shift_left3A = arith.constant 1 : i32
    %shift_left3A_16 = arith.shli %shift_left3A, %sub3A_15 : i32
    %iota3A_17 = tpu.iota {dimensions = array<i32: 2>} : vector<64x8x128xi32>
    %and3A_18 = vector.broadcast %shift_left3A_16 : i32 to vector<64x8x128xi32>
    %and3A_19 = arith.andi %iota3A_17, %and3A_18 : vector<64x8x128xi32>
    %eq3A_20 = arith.constant 0 : i32
    %eq3A_21 = vector.broadcast %eq3A_20 : i32 to vector<64x8x128xi32>
    %eq3A_22 = arith.cmpi eq, %and3A_19, %eq3A_21 : vector<64x8x128xi32>
    %sub3A_23 = arith.constant 128 : i32
    %sub3A_24 = arith.subi %sub3A_23, %shift_left3A_16 : i32
    %roll3A = tpu.dynamic_rotate %reshape3A by %sub3A_24 dim 2 : vector<64x8x128xf32>, i32 -> vector<64x8x128xf32>
    %roll3A_25 = tpu.dynamic_rotate %reshape3A by %shift_left3A_16 dim 2 : vector<64x8x128xf32>, i32 -> vector<64x8x128xf32>
    %select_n3A = arith.select %eq3A_22, %roll3A, %roll3A_25 : vector<64x8x128xi1>, vector<64x8x128xf32>
    %sub3A_26 = arith.constant 128 : i32
    %sub3A_27 = arith.subi %sub3A_26, %shift_left3A_16 : i32
    %roll3A_28 = tpu.dynamic_rotate %reshape3A_5 by %sub3A_27 dim 2 : vector<64x8x128xi32>, i32 -> vector<64x8x128xi32>
    %roll3A_29 = tpu.dynamic_rotate %reshape3A_5 by %shift_left3A_16 dim 2 : vector<64x8x128xi32>, i32 -> vector<64x8x128xi32>
    %select_n3A_30 = arith.select %eq3A_22, %roll3A_28, %roll3A_29 : vector<64x8x128xi1>, vector<64x8x128xi32>
    %gt3A = arith.cmpf ogt, %reshape3A, %select_n3A : vector<64x8x128xf32>
    %eq3A_31 = arith.cmpf oeq, %reshape3A, %select_n3A : vector<64x8x128xf32>
    %lt3A = arith.cmpi slt, %reshape3A_5, %select_n3A_30 : vector<64x8x128xi32>
    %and3A_32 = arith.andi %eq3A_31, %lt3A : vector<64x8x128xi1>
    %or3A = arith.ori %gt3A, %and3A_32 : vector<64x8x128xi1>
    %xor3A = arith.xori %or3A, %eq3A_22 : vector<64x8x128xi1>
    %xor3A_33 = arith.xori %xor3A, %eq3A_14 : vector<64x8x128xi1>
    %select_n3A_34 = arith.select %xor3A_33, %reshape3A, %select_n3A : vector<64x8x128xi1>, vector<64x8x128xf32>
    %select_n3A_35 = arith.select %xor3A_33, %reshape3A_5, %select_n3A_30 : vector<64x8x128xi1>, vector<64x8x128xi32>
    %scan3A_36 = arith.constant 1 : i32
    %shift_right_arithmetic3A_37 = arith.constant 2 : i32
    %shift_right_arithmetic3A_38 = vector.broadcast %shift_right_arithmetic3A_37 : i32 to vector<64x8x128xi32>
    %shift_right_arithmetic3A_39 = arith.shrsi %add3A, %shift_right_arithmetic3A_38 : vector<64x8x128xi32>
    %and3A_40 = arith.constant 1 : i32
    %and3A_41 = vector.broadcast %and3A_40 : i32 to vector<64x8x128xi32>
    %and3A_42 = arith.andi %shift_right_arithmetic3A_39, %and3A_41 : vector<64x8x128xi32>
    %eq3A_43 = arith.constant 0 : i32
    %eq3A_44 = vector.broadcast %eq3A_43 : i32 to vector<64x8x128xi32>
    %eq3A_45 = arith.cmpi eq, %and3A_42, %eq3A_44 : vector<64x8x128xi32>
    %scan3A_46 = arith.constant 0 : i32
    %scan3A_47 = arith.constant 2 : i32
    %scan3A_48 = arith.addi %scan3A_46, %scan3A_47 : i32
    %scan3A_49 = arith.constant 1 : i32
    %scan3A_50:2 = scf.for %scan3A_134 = %scan3A_46 to %scan3A_48 step %scan3A_49 iter_args(%scan3A_135 = %select_n3A_34, %scan3A_136 = %select_n3A_35) -> (vector<64x8x128xf32>, vector<64x8x128xi32>)  : i32 {
      %sub3A_137 = arith.constant 1 : i32
      %sub3A_138 = arith.subi %sub3A_137, %scan3A_134 : i32
      %shift_left3A_139 = arith.constant 1 : i32
      %shift_left3A_140 = arith.shli %shift_left3A_139, %sub3A_138 : i32
      %iota3A_141 = tpu.iota {dimensions = array<i32: 2>} : vector<64x8x128xi32>
      %and3A_142 = vector.broadcast %shift_left3A_140 : i32 to vector<64x8x128xi32>
      %and3A_143 = arith.andi %iota3A_141, %and3A_142 : vector<64x8x128xi32>
      %eq3A_144 = arith.constant 0 : i32
      %eq3A_145 = vector.broadcast %eq3A_144 : i32 to vector<64x8x128xi32>
      %eq3A_146 = arith.cmpi eq, %and3A_143, %eq3A_145 : vector<64x8x128xi32>
      %sub3A_147 = arith.constant 128 : i32
      %sub3A_148 = arith.subi %sub3A_147, %shift_left3A_140 : i32
      %roll3A_149 = tpu.dynamic_rotate %scan3A_135 by %sub3A_148 dim 2 : vector<64x8x128xf32>, i32 -> vector<64x8x128xf32>
      %roll3A_150 = tpu.dynamic_rotate %scan3A_135 by %shift_left3A_140 dim 2 : vector<64x8x128xf32>, i32 -> vector<64x8x128xf32>
      %select_n3A_151 = arith.select %eq3A_146, %roll3A_149, %roll3A_150 : vector<64x8x128xi1>, vector<64x8x128xf32>
      %sub3A_152 = arith.constant 128 : i32
      %sub3A_153 = arith.subi %sub3A_152, %shift_left3A_140 : i32
      %roll3A_154 = tpu.dynamic_rotate %scan3A_136 by %sub3A_153 dim 2 : vector<64x8x128xi32>, i32 -> vector<64x8x128xi32>
      %roll3A_155 = tpu.dynamic_rotate %scan3A_136 by %shift_left3A_140 dim 2 : vector<64x8x128xi32>, i32 -> vector<64x8x128xi32>
      %select_n3A_156 = arith.select %eq3A_146, %roll3A_154, %roll3A_155 : vector<64x8x128xi1>, vector<64x8x128xi32>
      %gt3A_157 = arith.cmpf ogt, %scan3A_135, %select_n3A_151 : vector<64x8x128xf32>
      %eq3A_158 = arith.cmpf oeq, %scan3A_135, %select_n3A_151 : vector<64x8x128xf32>
      %lt3A_159 = arith.cmpi slt, %scan3A_136, %select_n3A_156 : vector<64x8x128xi32>
      %and3A_160 = arith.andi %eq3A_158, %lt3A_159 : vector<64x8x128xi1>
      %or3A_161 = arith.ori %gt3A_157, %and3A_160 : vector<64x8x128xi1>
      %xor3A_162 = arith.xori %or3A_161, %eq3A_146 : vector<64x8x128xi1>
      %xor3A_163 = arith.xori %xor3A_162, %eq3A_45 : vector<64x8x128xi1>
      %select_n3A_164 = arith.select %xor3A_163, %scan3A_135, %select_n3A_151 : vector<64x8x128xi1>, vector<64x8x128xf32>
      %select_n3A_165 = arith.select %xor3A_163, %scan3A_136, %select_n3A_156 : vector<64x8x128xi1>, vector<64x8x128xi32>
      scf.yield %select_n3A_164, %select_n3A_165 : vector<64x8x128xf32>, vector<64x8x128xi32>
    }
    %scan3A_51 = arith.constant 2 : i32
    %shift_right_arithmetic3A_52 = arith.constant 3 : i32
    %shift_right_arithmetic3A_53 = vector.broadcast %shift_right_arithmetic3A_52 : i32 to vector<64x8x128xi32>
    %shift_right_arithmetic3A_54 = arith.shrsi %add3A, %shift_right_arithmetic3A_53 : vector<64x8x128xi32>
    %and3A_55 = arith.constant 1 : i32
    %and3A_56 = vector.broadcast %and3A_55 : i32 to vector<64x8x128xi32>
    %and3A_57 = arith.andi %shift_right_arithmetic3A_54, %and3A_56 : vector<64x8x128xi32>
    %eq3A_58 = arith.constant 0 : i32
    %eq3A_59 = vector.broadcast %eq3A_58 : i32 to vector<64x8x128xi32>
    %eq3A_60 = arith.cmpi eq, %and3A_57, %eq3A_59 : vector<64x8x128xi32>
    %scan3A_61 = arith.constant 0 : i32
    %scan3A_62 = arith.constant 3 : i32
    %scan3A_63 = arith.addi %scan3A_61, %scan3A_62 : i32
    %scan3A_64 = arith.constant 1 : i32
    %scan3A_65:2 = scf.for %scan3A_134 = %scan3A_61 to %scan3A_63 step %scan3A_64 iter_args(%scan3A_135 = %scan3A_50#0, %scan3A_136 = %scan3A_50#1) -> (vector<64x8x128xf32>, vector<64x8x128xi32>)  : i32 {
      %sub3A_137 = arith.constant 2 : i32
      %sub3A_138 = arith.subi %sub3A_137, %scan3A_134 : i32
      %shift_left3A_139 = arith.constant 1 : i32
      %shift_left3A_140 = arith.shli %shift_left3A_139, %sub3A_138 : i32
      %iota3A_141 = tpu.iota {dimensions = array<i32: 2>} : vector<64x8x128xi32>
      %and3A_142 = vector.broadcast %shift_left3A_140 : i32 to vector<64x8x128xi32>
      %and3A_143 = arith.andi %iota3A_141, %and3A_142 : vector<64x8x128xi32>
      %eq3A_144 = arith.constant 0 : i32
      %eq3A_145 = vector.broadcast %eq3A_144 : i32 to vector<64x8x128xi32>
      %eq3A_146 = arith.cmpi eq, %and3A_143, %eq3A_145 : vector<64x8x128xi32>
      %sub3A_147 = arith.constant 128 : i32
      %sub3A_148 = arith.subi %sub3A_147, %shift_left3A_140 : i32
      %roll3A_149 = tpu.dynamic_rotate %scan3A_135 by %sub3A_148 dim 2 : vector<64x8x128xf32>, i32 -> vector<64x8x128xf32>
      %roll3A_150 = tpu.dynamic_rotate %scan3A_135 by %shift_left3A_140 dim 2 : vector<64x8x128xf32>, i32 -> vector<64x8x128xf32>
      %select_n3A_151 = arith.select %eq3A_146, %roll3A_149, %roll3A_150 : vector<64x8x128xi1>, vector<64x8x128xf32>
      %sub3A_152 = arith.constant 128 : i32
      %sub3A_153 = arith.subi %sub3A_152, %shift_left3A_140 : i32
      %roll3A_154 = tpu.dynamic_rotate %scan3A_136 by %sub3A_153 dim 2 : vector<64x8x128xi32>, i32 -> vector<64x8x128xi32>
      %roll3A_155 = tpu.dynamic_rotate %scan3A_136 by %shift_left3A_140 dim 2 : vector<64x8x128xi32>, i32 -> vector<64x8x128xi32>
      %select_n3A_156 = arith.select %eq3A_146, %roll3A_154, %roll3A_155 : vector<64x8x128xi1>, vector<64x8x128xi32>
      %gt3A_157 = arith.cmpf ogt, %scan3A_135, %select_n3A_151 : vector<64x8x128xf32>
      %eq3A_158 = arith.cmpf oeq, %scan3A_135, %select_n3A_151 : vector<64x8x128xf32>
      %lt3A_159 = arith.cmpi slt, %scan3A_136, %select_n3A_156 : vector<64x8x128xi32>
      %and3A_160 = arith.andi %eq3A_158, %lt3A_159 : vector<64x8x128xi1>
      %or3A_161 = arith.ori %gt3A_157, %and3A_160 : vector<64x8x128xi1>
      %xor3A_162 = arith.xori %or3A_161, %eq3A_146 : vector<64x8x128xi1>
      %xor3A_163 = arith.xori %xor3A_162, %eq3A_60 : vector<64x8x128xi1>
      %select_n3A_164 = arith.select %xor3A_163, %scan3A_135, %select_n3A_151 : vector<64x8x128xi1>, vector<64x8x128xf32>
      %select_n3A_165 = arith.select %xor3A_163, %scan3A_136, %select_n3A_156 : vector<64x8x128xi1>, vector<64x8x128xi32>
      scf.yield %select_n3A_164, %select_n3A_165 : vector<64x8x128xf32>, vector<64x8x128xi32>
    }
    %scan3A_66 = arith.constant 3 : i32
    %shift_right_arithmetic3A_67 = arith.constant 4 : i32
    %shift_right_arithmetic3A_68 = vector.broadcast %shift_right_arithmetic3A_67 : i32 to vector<64x8x128xi32>
    %shift_right_arithmetic3A_69 = arith.shrsi %add3A, %shift_right_arithmetic3A_68 : vector<64x8x128xi32>
    %and3A_70 = arith.constant 1 : i32
    %and3A_71 = vector.broadcast %and3A_70 : i32 to vector<64x8x128xi32>
    %and3A_72 = arith.andi %shift_right_arithmetic3A_69, %and3A_71 : vector<64x8x128xi32>
    %eq3A_73 = arith.constant 0 : i32
    %eq3A_74 = vector.broadcast %eq3A_73 : i32 to vector<64x8x128xi32>
    %eq3A_75 = arith.cmpi eq, %and3A_72, %eq3A_74 : vector<64x8x128xi32>
    %scan3A_76 = arith.constant 0 : i32
    %scan3A_77 = arith.constant 4 : i32
    %scan3A_78 = arith.addi %scan3A_76, %scan3A_77 : i32
    %scan3A_79 = arith.constant 1 : i32
    %scan3A_80:2 = scf.for %scan3A_134 = %scan3A_76 to %scan3A_78 step %scan3A_79 iter_args(%scan3A_135 = %scan3A_65#0, %scan3A_136 = %scan3A_65#1) -> (vector<64x8x128xf32>, vector<64x8x128xi32>)  : i32 {
      %sub3A_137 = arith.constant 3 : i32
      %sub3A_138 = arith.subi %sub3A_137, %scan3A_134 : i32
      %shift_left3A_139 = arith.constant 1 : i32
      %shift_left3A_140 = arith.shli %shift_left3A_139, %sub3A_138 : i32
      %iota3A_141 = tpu.iota {dimensions = array<i32: 2>} : vector<64x8x128xi32>
      %and3A_142 = vector.broadcast %shift_left3A_140 : i32 to vector<64x8x128xi32>
      %and3A_143 = arith.andi %iota3A_141, %and3A_142 : vector<64x8x128xi32>
      %eq3A_144 = arith.constant 0 : i32
      %eq3A_145 = vector.broadcast %eq3A_144 : i32 to vector<64x8x128xi32>
      %eq3A_146 = arith.cmpi eq, %and3A_143, %eq3A_145 : vector<64x8x128xi32>
      %sub3A_147 = arith.constant 128 : i32
      %sub3A_148 = arith.subi %sub3A_147, %shift_left3A_140 : i32
      %roll3A_149 = tpu.dynamic_rotate %scan3A_135 by %sub3A_148 dim 2 : vector<64x8x128xf32>, i32 -> vector<64x8x128xf32>
      %roll3A_150 = tpu.dynamic_rotate %scan3A_135 by %shift_left3A_140 dim 2 : vector<64x8x128xf32>, i32 -> vector<64x8x128xf32>
      %select_n3A_151 = arith.select %eq3A_146, %roll3A_149, %roll3A_150 : vector<64x8x128xi1>, vector<64x8x128xf32>
      %sub3A_152 = arith.constant 128 : i32
      %sub3A_153 = arith.subi %sub3A_152, %shift_left3A_140 : i32
      %roll3A_154 = tpu.dynamic_rotate %scan3A_136 by %sub3A_153 dim 2 : vector<64x8x128xi32>, i32 -> vector<64x8x128xi32>
      %roll3A_155 = tpu.dynamic_rotate %scan3A_136 by %shift_left3A_140 dim 2 : vector<64x8x128xi32>, i32 -> vector<64x8x128xi32>
      %select_n3A_156 = arith.select %eq3A_146, %roll3A_154, %roll3A_155 : vector<64x8x128xi1>, vector<64x8x128xi32>
      %gt3A_157 = arith.cmpf ogt, %scan3A_135, %select_n3A_151 : vector<64x8x128xf32>
      %eq3A_158 = arith.cmpf oeq, %scan3A_135, %select_n3A_151 : vector<64x8x128xf32>
      %lt3A_159 = arith.cmpi slt, %scan3A_136, %select_n3A_156 : vector<64x8x128xi32>
      %and3A_160 = arith.andi %eq3A_158, %lt3A_159 : vector<64x8x128xi1>
      %or3A_161 = arith.ori %gt3A_157, %and3A_160 : vector<64x8x128xi1>
      %xor3A_162 = arith.xori %or3A_161, %eq3A_146 : vector<64x8x128xi1>
      %xor3A_163 = arith.xori %xor3A_162, %eq3A_75 : vector<64x8x128xi1>
      %select_n3A_164 = arith.select %xor3A_163, %scan3A_135, %select_n3A_151 : vector<64x8x128xi1>, vector<64x8x128xf32>
      %select_n3A_165 = arith.select %xor3A_163, %scan3A_136, %select_n3A_156 : vector<64x8x128xi1>, vector<64x8x128xi32>
      scf.yield %select_n3A_164, %select_n3A_165 : vector<64x8x128xf32>, vector<64x8x128xi32>
    }
    %scan3A_81 = arith.constant 4 : i32
    %shift_right_arithmetic3A_82 = arith.constant 5 : i32
    %shift_right_arithmetic3A_83 = vector.broadcast %shift_right_arithmetic3A_82 : i32 to vector<64x8x128xi32>
    %shift_right_arithmetic3A_84 = arith.shrsi %add3A, %shift_right_arithmetic3A_83 : vector<64x8x128xi32>
    %and3A_85 = arith.constant 1 : i32
    %and3A_86 = vector.broadcast %and3A_85 : i32 to vector<64x8x128xi32>
    %and3A_87 = arith.andi %shift_right_arithmetic3A_84, %and3A_86 : vector<64x8x128xi32>
    %eq3A_88 = arith.constant 0 : i32
    %eq3A_89 = vector.broadcast %eq3A_88 : i32 to vector<64x8x128xi32>
    %eq3A_90 = arith.cmpi eq, %and3A_87, %eq3A_89 : vector<64x8x128xi32>
    %scan3A_91 = arith.constant 0 : i32
    %scan3A_92 = arith.constant 5 : i32
    %scan3A_93 = arith.addi %scan3A_91, %scan3A_92 : i32
    %scan3A_94 = arith.constant 1 : i32
    %scan3A_95:2 = scf.for %scan3A_134 = %scan3A_91 to %scan3A_93 step %scan3A_94 iter_args(%scan3A_135 = %scan3A_80#0, %scan3A_136 = %scan3A_80#1) -> (vector<64x8x128xf32>, vector<64x8x128xi32>)  : i32 {
      %sub3A_137 = arith.constant 4 : i32
      %sub3A_138 = arith.subi %sub3A_137, %scan3A_134 : i32
      %shift_left3A_139 = arith.constant 1 : i32
      %shift_left3A_140 = arith.shli %shift_left3A_139, %sub3A_138 : i32
      %iota3A_141 = tpu.iota {dimensions = array<i32: 2>} : vector<64x8x128xi32>
      %and3A_142 = vector.broadcast %shift_left3A_140 : i32 to vector<64x8x128xi32>
      %and3A_143 = arith.andi %iota3A_141, %and3A_142 : vector<64x8x128xi32>
      %eq3A_144 = arith.constant 0 : i32
      %eq3A_145 = vector.broadcast %eq3A_144 : i32 to vector<64x8x128xi32>
      %eq3A_146 = arith.cmpi eq, %and3A_143, %eq3A_145 : vector<64x8x128xi32>
      %sub3A_147 = arith.constant 128 : i32
      %sub3A_148 = arith.subi %sub3A_147, %shift_left3A_140 : i32
      %roll3A_149 = tpu.dynamic_rotate %scan3A_135 by %sub3A_148 dim 2 : vector<64x8x128xf32>, i32 -> vector<64x8x128xf32>
      %roll3A_150 = tpu.dynamic_rotate %scan3A_135 by %shift_left3A_140 dim 2 : vector<64x8x128xf32>, i32 -> vector<64x8x128xf32>
      %select_n3A_151 = arith.select %eq3A_146, %roll3A_149, %roll3A_150 : vector<64x8x128xi1>, vector<64x8x128xf32>
      %sub3A_152 = arith.constant 128 : i32
      %sub3A_153 = arith.subi %sub3A_152, %shift_left3A_140 : i32
      %roll3A_154 = tpu.dynamic_rotate %scan3A_136 by %sub3A_153 dim 2 : vector<64x8x128xi32>, i32 -> vector<64x8x128xi32>
      %roll3A_155 = tpu.dynamic_rotate %scan3A_136 by %shift_left3A_140 dim 2 : vector<64x8x128xi32>, i32 -> vector<64x8x128xi32>
      %select_n3A_156 = arith.select %eq3A_146, %roll3A_154, %roll3A_155 : vector<64x8x128xi1>, vector<64x8x128xi32>
      %gt3A_157 = arith.cmpf ogt, %scan3A_135, %select_n3A_151 : vector<64x8x128xf32>
      %eq3A_158 = arith.cmpf oeq, %scan3A_135, %select_n3A_151 : vector<64x8x128xf32>
      %lt3A_159 = arith.cmpi slt, %scan3A_136, %select_n3A_156 : vector<64x8x128xi32>
      %and3A_160 = arith.andi %eq3A_158, %lt3A_159 : vector<64x8x128xi1>
      %or3A_161 = arith.ori %gt3A_157, %and3A_160 : vector<64x8x128xi1>
      %xor3A_162 = arith.xori %or3A_161, %eq3A_146 : vector<64x8x128xi1>
      %xor3A_163 = arith.xori %xor3A_162, %eq3A_90 : vector<64x8x128xi1>
      %select_n3A_164 = arith.select %xor3A_163, %scan3A_135, %select_n3A_151 : vector<64x8x128xi1>, vector<64x8x128xf32>
      %select_n3A_165 = arith.select %xor3A_163, %scan3A_136, %select_n3A_156 : vector<64x8x128xi1>, vector<64x8x128xi32>
      scf.yield %select_n3A_164, %select_n3A_165 : vector<64x8x128xf32>, vector<64x8x128xi32>
    }
    %scan3A_96 = arith.constant 5 : i32
    %shift_right_arithmetic3A_97 = arith.constant 6 : i32
    %shift_right_arithmetic3A_98 = vector.broadcast %shift_right_arithmetic3A_97 : i32 to vector<64x8x128xi32>
    %shift_right_arithmetic3A_99 = arith.shrsi %add3A, %shift_right_arithmetic3A_98 : vector<64x8x128xi32>
    %and3A_100 = arith.constant 1 : i32
    %and3A_101 = vector.broadcast %and3A_100 : i32 to vector<64x8x128xi32>
    %and3A_102 = arith.andi %shift_right_arithmetic3A_99, %and3A_101 : vector<64x8x128xi32>
    %eq3A_103 = arith.constant 0 : i32
    %eq3A_104 = vector.broadcast %eq3A_103 : i32 to vector<64x8x128xi32>
    %eq3A_105 = arith.cmpi eq, %and3A_102, %eq3A_104 : vector<64x8x128xi32>
    %scan3A_106 = arith.constant 0 : i32
    %scan3A_107 = arith.constant 6 : i32
    %scan3A_108 = arith.addi %scan3A_106, %scan3A_107 : i32
    %scan3A_109 = arith.constant 1 : i32
    %scan3A_110:2 = scf.for %scan3A_134 = %scan3A_106 to %scan3A_108 step %scan3A_109 iter_args(%scan3A_135 = %scan3A_95#0, %scan3A_136 = %scan3A_95#1) -> (vector<64x8x128xf32>, vector<64x8x128xi32>)  : i32 {
      %sub3A_137 = arith.constant 5 : i32
      %sub3A_138 = arith.subi %sub3A_137, %scan3A_134 : i32
      %shift_left3A_139 = arith.constant 1 : i32
      %shift_left3A_140 = arith.shli %shift_left3A_139, %sub3A_138 : i32
      %iota3A_141 = tpu.iota {dimensions = array<i32: 2>} : vector<64x8x128xi32>
      %and3A_142 = vector.broadcast %shift_left3A_140 : i32 to vector<64x8x128xi32>
      %and3A_143 = arith.andi %iota3A_141, %and3A_142 : vector<64x8x128xi32>
      %eq3A_144 = arith.constant 0 : i32
      %eq3A_145 = vector.broadcast %eq3A_144 : i32 to vector<64x8x128xi32>
      %eq3A_146 = arith.cmpi eq, %and3A_143, %eq3A_145 : vector<64x8x128xi32>
      %sub3A_147 = arith.constant 128 : i32
      %sub3A_148 = arith.subi %sub3A_147, %shift_left3A_140 : i32
      %roll3A_149 = tpu.dynamic_rotate %scan3A_135 by %sub3A_148 dim 2 : vector<64x8x128xf32>, i32 -> vector<64x8x128xf32>
      %roll3A_150 = tpu.dynamic_rotate %scan3A_135 by %shift_left3A_140 dim 2 : vector<64x8x128xf32>, i32 -> vector<64x8x128xf32>
      %select_n3A_151 = arith.select %eq3A_146, %roll3A_149, %roll3A_150 : vector<64x8x128xi1>, vector<64x8x128xf32>
      %sub3A_152 = arith.constant 128 : i32
      %sub3A_153 = arith.subi %sub3A_152, %shift_left3A_140 : i32
      %roll3A_154 = tpu.dynamic_rotate %scan3A_136 by %sub3A_153 dim 2 : vector<64x8x128xi32>, i32 -> vector<64x8x128xi32>
      %roll3A_155 = tpu.dynamic_rotate %scan3A_136 by %shift_left3A_140 dim 2 : vector<64x8x128xi32>, i32 -> vector<64x8x128xi32>
      %select_n3A_156 = arith.select %eq3A_146, %roll3A_154, %roll3A_155 : vector<64x8x128xi1>, vector<64x8x128xi32>
      %gt3A_157 = arith.cmpf ogt, %scan3A_135, %select_n3A_151 : vector<64x8x128xf32>
      %eq3A_158 = arith.cmpf oeq, %scan3A_135, %select_n3A_151 : vector<64x8x128xf32>
      %lt3A_159 = arith.cmpi slt, %scan3A_136, %select_n3A_156 : vector<64x8x128xi32>
      %and3A_160 = arith.andi %eq3A_158, %lt3A_159 : vector<64x8x128xi1>
      %or3A_161 = arith.ori %gt3A_157, %and3A_160 : vector<64x8x128xi1>
      %xor3A_162 = arith.xori %or3A_161, %eq3A_146 : vector<64x8x128xi1>
      %xor3A_163 = arith.xori %xor3A_162, %eq3A_105 : vector<64x8x128xi1>
      %select_n3A_164 = arith.select %xor3A_163, %scan3A_135, %select_n3A_151 : vector<64x8x128xi1>, vector<64x8x128xf32>
      %select_n3A_165 = arith.select %xor3A_163, %scan3A_136, %select_n3A_156 : vector<64x8x128xi1>, vector<64x8x128xi32>
      scf.yield %select_n3A_164, %select_n3A_165 : vector<64x8x128xf32>, vector<64x8x128xi32>
    }
    %scan3A_111 = arith.constant 6 : i32
    %shift_right_arithmetic3A_112 = arith.constant 7 : i32
    %shift_right_arithmetic3A_113 = vector.broadcast %shift_right_arithmetic3A_112 : i32 to vector<64x8x128xi32>
    %shift_right_arithmetic3A_114 = arith.shrsi %add3A, %shift_right_arithmetic3A_113 : vector<64x8x128xi32>
    %and3A_115 = arith.constant 1 : i32
    %and3A_116 = vector.broadcast %and3A_115 : i32 to vector<64x8x128xi32>
    %and3A_117 = arith.andi %shift_right_arithmetic3A_114, %and3A_116 : vector<64x8x128xi32>
    %eq3A_118 = arith.constant 0 : i32
    %eq3A_119 = vector.broadcast %eq3A_118 : i32 to vector<64x8x128xi32>
    %eq3A_120 = arith.cmpi eq, %and3A_117, %eq3A_119 : vector<64x8x128xi32>
    %scan3A_121 = arith.constant 0 : i32
    %scan3A_122 = arith.constant 7 : i32
    %scan3A_123 = arith.addi %scan3A_121, %scan3A_122 : i32
    %scan3A_124 = arith.constant 1 : i32
    %scan3A_125:2 = scf.for %scan3A_134 = %scan3A_121 to %scan3A_123 step %scan3A_124 iter_args(%scan3A_135 = %scan3A_110#0, %scan3A_136 = %scan3A_110#1) -> (vector<64x8x128xf32>, vector<64x8x128xi32>)  : i32 {
      %sub3A_137 = arith.constant 6 : i32
      %sub3A_138 = arith.subi %sub3A_137, %scan3A_134 : i32
      %shift_left3A_139 = arith.constant 1 : i32
      %shift_left3A_140 = arith.shli %shift_left3A_139, %sub3A_138 : i32
      %iota3A_141 = tpu.iota {dimensions = array<i32: 2>} : vector<64x8x128xi32>
      %and3A_142 = vector.broadcast %shift_left3A_140 : i32 to vector<64x8x128xi32>
      %and3A_143 = arith.andi %iota3A_141, %and3A_142 : vector<64x8x128xi32>
      %eq3A_144 = arith.constant 0 : i32
      %eq3A_145 = vector.broadcast %eq3A_144 : i32 to vector<64x8x128xi32>
      %eq3A_146 = arith.cmpi eq, %and3A_143, %eq3A_145 : vector<64x8x128xi32>
      %sub3A_147 = arith.constant 128 : i32
      %sub3A_148 = arith.subi %sub3A_147, %shift_left3A_140 : i32
      %roll3A_149 = tpu.dynamic_rotate %scan3A_135 by %sub3A_148 dim 2 : vector<64x8x128xf32>, i32 -> vector<64x8x128xf32>
      %roll3A_150 = tpu.dynamic_rotate %scan3A_135 by %shift_left3A_140 dim 2 : vector<64x8x128xf32>, i32 -> vector<64x8x128xf32>
      %select_n3A_151 = arith.select %eq3A_146, %roll3A_149, %roll3A_150 : vector<64x8x128xi1>, vector<64x8x128xf32>
      %sub3A_152 = arith.constant 128 : i32
      %sub3A_153 = arith.subi %sub3A_152, %shift_left3A_140 : i32
      %roll3A_154 = tpu.dynamic_rotate %scan3A_136 by %sub3A_153 dim 2 : vector<64x8x128xi32>, i32 -> vector<64x8x128xi32>
      %roll3A_155 = tpu.dynamic_rotate %scan3A_136 by %shift_left3A_140 dim 2 : vector<64x8x128xi32>, i32 -> vector<64x8x128xi32>
      %select_n3A_156 = arith.select %eq3A_146, %roll3A_154, %roll3A_155 : vector<64x8x128xi1>, vector<64x8x128xi32>
      %gt3A_157 = arith.cmpf ogt, %scan3A_135, %select_n3A_151 : vector<64x8x128xf32>
      %eq3A_158 = arith.cmpf oeq, %scan3A_135, %select_n3A_151 : vector<64x8x128xf32>
      %lt3A_159 = arith.cmpi slt, %scan3A_136, %select_n3A_156 : vector<64x8x128xi32>
      %and3A_160 = arith.andi %eq3A_158, %lt3A_159 : vector<64x8x128xi1>
      %or3A_161 = arith.ori %gt3A_157, %and3A_160 : vector<64x8x128xi1>
      %xor3A_162 = arith.xori %or3A_161, %eq3A_146 : vector<64x8x128xi1>
      %xor3A_163 = arith.xori %xor3A_162, %eq3A_120 : vector<64x8x128xi1>
      %select_n3A_164 = arith.select %xor3A_163, %scan3A_135, %select_n3A_151 : vector<64x8x128xi1>, vector<64x8x128xf32>
      %select_n3A_165 = arith.select %xor3A_163, %scan3A_136, %select_n3A_156 : vector<64x8x128xi1>, vector<64x8x128xi32>
      scf.yield %select_n3A_164, %select_n3A_165 : vector<64x8x128xf32>, vector<64x8x128xi32>
    }
    %scan3A_126 = arith.constant 7 : i32
    %swap3A = arith.constant 0 : index
    %swap3A_127 = arith.constant 0 : index
    %swap3A_128 = arith.constant 0 : index
    %swap3A_129 = vector.load %arg3[%swap3A, %swap3A_127, %swap3A_128] : memref<64x8x128xf32, #tpu.memory_space<vmem>>, vector<64x8x128xf32>
    tpu.vector_store %arg3[%swap3A, %swap3A_127, %swap3A_128], %scan3A_125#0 {strides = array<i32>} : memref<64x8x128xf32, #tpu.memory_space<vmem>>, vector<64x8x128xf32>,
    %swap3A_130 = arith.constant 0 : index
    %swap3A_131 = arith.constant 0 : index
    %swap3A_132 = arith.constant 0 : index
    %swap3A_133 = vector.load %arg4[%swap3A_130, %swap3A_131, %swap3A_132] : memref<64x8x128xi32, #tpu.memory_space<vmem>>, vector<64x8x128xi32>
    tpu.vector_store %arg4[%swap3A_130, %swap3A_131, %swap3A_132], %scan3A_125#1 {strides = array<i32>} : memref<64x8x128xi32, #tpu.memory_space<vmem>>, vector<64x8x128xi32>,
    return
  }
  func.func @transform_0(%arg0: i32) -> (i32, i32) {
    %c0_i32 = arith.constant 0 : i32
    %c0_i32_0 = arith.constant 0 : i32
    return %arg0, %c0_i32 : i32, i32
  }
  func.func @transform_1(%arg0: i32) -> (i32, i32) {
    %c0_i32 = arith.constant 0 : i32
    %c0_i32_0 = arith.constant 0 : i32
    return %arg0, %c0_i32 : i32, i32
  }
  func.func @transform_2(%arg0: i32) -> (i32, i32, i32) {
    %c0_i32 = arith.constant 0 : i32
    %c0_i32_0 = arith.constant 0 : i32
    %c0_i32_1 = arith.constant 0 : i32
    return %arg0, %c0_i32, %c0_i32_0 : i32, i32, i32
  }
  func.func @transform_3(%arg0: i32) -> (i32, i32, i32) {
    %c0_i32 = arith.constant 0 : i32
    %c0_i32_0 = arith.constant 0 : i32
    %c0_i32_1 = arith.constant 0 : i32
    return %arg0, %c0_i32, %c0_i32_0 : i32, i32, i32
  }
}

module attributes {stable_mosaic.version = 14 : i64} {
  func.func @_merge_body(%arg0: i32, %arg1: i32, %arg2: memref<32x1x2x128xf32, #tpu.memory_space<vmem>>, %arg3: memref<32x1x2x128xi32, #tpu.memory_space<vmem>>, %arg4: memref<32x1x1x128xf32, #tpu.memory_space<vmem>>, %arg5: memref<32x1x1x128xi32, #tpu.memory_space<vmem>>) attributes {dimension_semantics = [#tpu.dimension_semantics<arbitrary>, #tpu.dimension_semantics<arbitrary>], iteration_bounds = array<i64: 32, 4>, scalar_prefetch = 0 : i64, scratch_operands = 0 : i64, tpu.core_type = #tpu.core_type<tc>, window_params = [{transform_indices = @transform_0, window_bounds = array<i64: 32, 1, 2, 128>}, {transform_indices = @transform_1, window_bounds = array<i64: 32, 1, 2, 128>}, {transform_indices = @transform_2, window_bounds = array<i64: 32, 1, 1, 128>}, {transform_indices = @transform_3, window_bounds = array<i64: 32, 1, 1, 128>}]} {
    %get3A = arith.constant 0 : index
    %get3A_0 = arith.constant 0 : index
    %get3A_1 = arith.constant 0 : index
    %get3A_2 = arith.constant 0 : index
    %get3A_3 = vector.load %arg2[%get3A, %get3A_0, %get3A_1, %get3A_2] : memref<32x1x2x128xf32, #tpu.memory_space<vmem>>, vector<32x1x1x128xf32>
    %get3A_4 = vector.shape_cast %get3A_3 : vector<32x1x1x128xf32> to vector<32x128xf32>
    %get3A_5 = arith.constant 0 : index
    %get3A_6 = arith.constant 0 : index
    %get3A_7 = arith.constant 1 : index
    %get3A_8 = arith.constant 0 : index
    %get3A_9 = vector.load %arg2[%get3A_5, %get3A_6, %get3A_7, %get3A_8] : memref<32x1x2x128xf32, #tpu.memory_space<vmem>>, vector<32x1x1x128xf32>
    %get3A_10 = vector.shape_cast %get3A_9 : vector<32x1x1x128xf32> to vector<32x128xf32>
    %get3A_11 = arith.constant 0 : index
    %get3A_12 = arith.constant 0 : index
    %get3A_13 = arith.constant 0 : index
    %get3A_14 = arith.constant 0 : index
    %get3A_15 = vector.load %arg3[%get3A_11, %get3A_12, %get3A_13, %get3A_14] : memref<32x1x2x128xi32, #tpu.memory_space<vmem>>, vector<32x1x1x128xi32>
    %get3A_16 = vector.shape_cast %get3A_15 : vector<32x1x1x128xi32> to vector<32x128xi32>
    %get3A_17 = arith.constant 0 : index
    %get3A_18 = arith.constant 0 : index
    %get3A_19 = arith.constant 1 : index
    %get3A_20 = arith.constant 0 : index
    %get3A_21 = vector.load %arg3[%get3A_17, %get3A_18, %get3A_19, %get3A_20] : memref<32x1x2x128xi32, #tpu.memory_space<vmem>>, vector<32x1x1x128xi32>
    %get3A_22 = vector.shape_cast %get3A_21 : vector<32x1x1x128xi32> to vector<32x128xi32>
    %gt3A = arith.cmpf ogt, %get3A_4, %get3A_10 : vector<32x128xf32>
    %eq3A = arith.cmpf oeq, %get3A_4, %get3A_10 : vector<32x128xf32>
    %lt3A = arith.cmpi slt, %get3A_16, %get3A_22 : vector<32x128xi32>
    %and3A = arith.andi %eq3A, %lt3A : vector<32x128xi1>
    %or3A = arith.ori %gt3A, %and3A : vector<32x128xi1>
    %select_n3A = arith.select %or3A, %get3A_4, %get3A_10 : vector<32x128xi1>, vector<32x128xf32>
    %select_n3A_23 = arith.select %or3A, %get3A_16, %get3A_22 : vector<32x128xi1>, vector<32x128xi32>
    %iota3A = tpu.iota {dimensions = array<i32: 1>} : vector<32x128xi32>
    %and3A_24 = arith.constant 0 : i32
    %and3A_25 = vector.broadcast %and3A_24 : i32 to vector<32x128xi32>
    %and3A_26 = arith.andi %iota3A, %and3A_25 : vector<32x128xi32>
    %and3A_27 = arith.constant 1 : i32
    %and3A_28 = arith.andi %arg1, %and3A_27 : i32
    %add3A = vector.broadcast %and3A_28 : i32 to vector<32x128xi32>
    %add3A_29 = arith.addi %and3A_26, %add3A : vector<32x128xi32>
    %eq3A_30 = arith.constant 0 : i32
    %eq3A_31 = vector.broadcast %eq3A_30 : i32 to vector<32x128xi32>
    %eq3A_32 = arith.cmpi eq, %add3A_29, %eq3A_31 : vector<32x128xi32>
    %iota3A_33 = tpu.iota {dimensions = array<i32: 1>} : vector<32x128xi32>
    %and3A_34 = arith.constant 64 : i32
    %and3A_35 = vector.broadcast %and3A_34 : i32 to vector<32x128xi32>
    %and3A_36 = arith.andi %iota3A_33, %and3A_35 : vector<32x128xi32>
    %eq3A_37 = arith.constant 0 : i32
    %eq3A_38 = vector.broadcast %eq3A_37 : i32 to vector<32x128xi32>
    %eq3A_39 = arith.cmpi eq, %and3A_36, %eq3A_38 : vector<32x128xi32>
    %sub3A = arith.constant 128 : i32
    %sub3A_40 = arith.constant 64 : i32
    %sub3A_41 = arith.subi %sub3A, %sub3A_40 : i32
    %roll3A = tpu.dynamic_rotate %select_n3A by %sub3A_41 dim 1 : vector<32x128xf32>, i32 -> vector<32x128xf32>
    %roll3A_42 = arith.constant 64 : i32
    %roll3A_43 = tpu.dynamic_rotate %select_n3A by %roll3A_42 dim 1 : vector<32x128xf32>, i32 -> vector<32x128xf32>
    %select_n3A_44 = arith.select %eq3A_39, %roll3A, %roll3A_43 : vector<32x128xi1>, vector<32x128xf32>
    %sub3A_45 = arith.constant 128 : i32
    %sub3A_46 = arith.constant 64 : i32
    %sub3A_47 = arith.subi %sub3A_45, %sub3A_46 : i32
    %roll3A_48 = tpu.dynamic_rotate %select_n3A_23 by %sub3A_47 dim 1 : vector<32x128xi32>, i32 -> vector<32x128xi32>
    %roll3A_49 = arith.constant 64 : i32
    %roll3A_50 = tpu.dynamic_rotate %select_n3A_23 by %roll3A_49 dim 1 : vector<32x128xi32>, i32 -> vector<32x128xi32>
    %select_n3A_51 = arith.select %eq3A_39, %roll3A_48, %roll3A_50 : vector<32x128xi1>, vector<32x128xi32>
    %gt3A_52 = arith.cmpf ogt, %select_n3A, %select_n3A_44 : vector<32x128xf32>
    %eq3A_53 = arith.cmpf oeq, %select_n3A, %select_n3A_44 : vector<32x128xf32>
    %lt3A_54 = arith.cmpi slt, %select_n3A_23, %select_n3A_51 : vector<32x128xi32>
    %and3A_55 = arith.andi %eq3A_53, %lt3A_54 : vector<32x128xi1>
    %or3A_56 = arith.ori %gt3A_52, %and3A_55 : vector<32x128xi1>
    %xor3A = arith.xori %or3A_56, %eq3A_39 : vector<32x128xi1>
    %xor3A_57 = arith.xori %xor3A, %eq3A_32 : vector<32x128xi1>
    %select_n3A_58 = arith.select %xor3A_57, %select_n3A, %select_n3A_44 : vector<32x128xi1>, vector<32x128xf32>
    %select_n3A_59 = arith.select %xor3A_57, %select_n3A_23, %select_n3A_51 : vector<32x128xi1>, vector<32x128xi32>
    %iota3A_60 = tpu.iota {dimensions = array<i32: 1>} : vector<32x128xi32>
    %and3A_61 = arith.constant 32 : i32
    %and3A_62 = vector.broadcast %and3A_61 : i32 to vector<32x128xi32>
    %and3A_63 = arith.andi %iota3A_60, %and3A_62 : vector<32x128xi32>
    %eq3A_64 = arith.constant 0 : i32
    %eq3A_65 = vector.broadcast %eq3A_64 : i32 to vector<32x128xi32>
    %eq3A_66 = arith.cmpi eq, %and3A_63, %eq3A_65 : vector<32x128xi32>
    %sub3A_67 = arith.constant 128 : i32
    %sub3A_68 = arith.constant 32 : i32
    %sub3A_69 = arith.subi %sub3A_67, %sub3A_68 : i32
    %roll3A_70 = tpu.dynamic_rotate %select_n3A_58 by %sub3A_69 dim 1 : vector<32x128xf32>, i32 -> vector<32x128xf32>
    %roll3A_71 = arith.constant 32 : i32
    %roll3A_72 = tpu.dynamic_rotate %select_n3A_58 by %roll3A_71 dim 1 : vector<32x128xf32>, i32 -> vector<32x128xf32>
    %select_n3A_73 = arith.select %eq3A_66, %roll3A_70, %roll3A_72 : vector<32x128xi1>, vector<32x128xf32>
    %sub3A_74 = arith.constant 128 : i32
    %sub3A_75 = arith.constant 32 : i32
    %sub3A_76 = arith.subi %sub3A_74, %sub3A_75 : i32
    %roll3A_77 = tpu.dynamic_rotate %select_n3A_59 by %sub3A_76 dim 1 : vector<32x128xi32>, i32 -> vector<32x128xi32>
    %roll3A_78 = arith.constant 32 : i32
    %roll3A_79 = tpu.dynamic_rotate %select_n3A_59 by %roll3A_78 dim 1 : vector<32x128xi32>, i32 -> vector<32x128xi32>
    %select_n3A_80 = arith.select %eq3A_66, %roll3A_77, %roll3A_79 : vector<32x128xi1>, vector<32x128xi32>
    %gt3A_81 = arith.cmpf ogt, %select_n3A_58, %select_n3A_73 : vector<32x128xf32>
    %eq3A_82 = arith.cmpf oeq, %select_n3A_58, %select_n3A_73 : vector<32x128xf32>
    %lt3A_83 = arith.cmpi slt, %select_n3A_59, %select_n3A_80 : vector<32x128xi32>
    %and3A_84 = arith.andi %eq3A_82, %lt3A_83 : vector<32x128xi1>
    %or3A_85 = arith.ori %gt3A_81, %and3A_84 : vector<32x128xi1>
    %xor3A_86 = arith.xori %or3A_85, %eq3A_66 : vector<32x128xi1>
    %xor3A_87 = arith.xori %xor3A_86, %eq3A_32 : vector<32x128xi1>
    %select_n3A_88 = arith.select %xor3A_87, %select_n3A_58, %select_n3A_73 : vector<32x128xi1>, vector<32x128xf32>
    %select_n3A_89 = arith.select %xor3A_87, %select_n3A_59, %select_n3A_80 : vector<32x128xi1>, vector<32x128xi32>
    %iota3A_90 = tpu.iota {dimensions = array<i32: 1>} : vector<32x128xi32>
    %and3A_91 = arith.constant 16 : i32
    %and3A_92 = vector.broadcast %and3A_91 : i32 to vector<32x128xi32>
    %and3A_93 = arith.andi %iota3A_90, %and3A_92 : vector<32x128xi32>
    %eq3A_94 = arith.constant 0 : i32
    %eq3A_95 = vector.broadcast %eq3A_94 : i32 to vector<32x128xi32>
    %eq3A_96 = arith.cmpi eq, %and3A_93, %eq3A_95 : vector<32x128xi32>
    %sub3A_97 = arith.constant 128 : i32
    %sub3A_98 = arith.constant 16 : i32
    %sub3A_99 = arith.subi %sub3A_97, %sub3A_98 : i32
    %roll3A_100 = tpu.dynamic_rotate %select_n3A_88 by %sub3A_99 dim 1 : vector<32x128xf32>, i32 -> vector<32x128xf32>
    %roll3A_101 = arith.constant 16 : i32
    %roll3A_102 = tpu.dynamic_rotate %select_n3A_88 by %roll3A_101 dim 1 : vector<32x128xf32>, i32 -> vector<32x128xf32>
    %select_n3A_103 = arith.select %eq3A_96, %roll3A_100, %roll3A_102 : vector<32x128xi1>, vector<32x128xf32>
    %sub3A_104 = arith.constant 128 : i32
    %sub3A_105 = arith.constant 16 : i32
    %sub3A_106 = arith.subi %sub3A_104, %sub3A_105 : i32
    %roll3A_107 = tpu.dynamic_rotate %select_n3A_89 by %sub3A_106 dim 1 : vector<32x128xi32>, i32 -> vector<32x128xi32>
    %roll3A_108 = arith.constant 16 : i32
    %roll3A_109 = tpu.dynamic_rotate %select_n3A_89 by %roll3A_108 dim 1 : vector<32x128xi32>, i32 -> vector<32x128xi32>
    %select_n3A_110 = arith.select %eq3A_96, %roll3A_107, %roll3A_109 : vector<32x128xi1>, vector<32x128xi32>
    %gt3A_111 = arith.cmpf ogt, %select_n3A_88, %select_n3A_103 : vector<32x128xf32>
    %eq3A_112 = arith.cmpf oeq, %select_n3A_88, %select_n3A_103 : vector<32x128xf32>
    %lt3A_113 = arith.cmpi slt, %select_n3A_89, %select_n3A_110 : vector<32x128xi32>
    %and3A_114 = arith.andi %eq3A_112, %lt3A_113 : vector<32x128xi1>
    %or3A_115 = arith.ori %gt3A_111, %and3A_114 : vector<32x128xi1>
    %xor3A_116 = arith.xori %or3A_115, %eq3A_96 : vector<32x128xi1>
    %xor3A_117 = arith.xori %xor3A_116, %eq3A_32 : vector<32x128xi1>
    %select_n3A_118 = arith.select %xor3A_117, %select_n3A_88, %select_n3A_103 : vector<32x128xi1>, vector<32x128xf32>
    %select_n3A_119 = arith.select %xor3A_117, %select_n3A_89, %select_n3A_110 : vector<32x128xi1>, vector<32x128xi32>
    %iota3A_120 = tpu.iota {dimensions = array<i32: 1>} : vector<32x128xi32>
    %and3A_121 = arith.constant 8 : i32
    %and3A_122 = vector.broadcast %and3A_121 : i32 to vector<32x128xi32>
    %and3A_123 = arith.andi %iota3A_120, %and3A_122 : vector<32x128xi32>
    %eq3A_124 = arith.constant 0 : i32
    %eq3A_125 = vector.broadcast %eq3A_124 : i32 to vector<32x128xi32>
    %eq3A_126 = arith.cmpi eq, %and3A_123, %eq3A_125 : vector<32x128xi32>
    %sub3A_127 = arith.constant 128 : i32
    %sub3A_128 = arith.constant 8 : i32
    %sub3A_129 = arith.subi %sub3A_127, %sub3A_128 : i32
    %roll3A_130 = tpu.dynamic_rotate %select_n3A_118 by %sub3A_129 dim 1 : vector<32x128xf32>, i32 -> vector<32x128xf32>
    %roll3A_131 = arith.constant 8 : i32
    %roll3A_132 = tpu.dynamic_rotate %select_n3A_118 by %roll3A_131 dim 1 : vector<32x128xf32>, i32 -> vector<32x128xf32>
    %select_n3A_133 = arith.select %eq3A_126, %roll3A_130, %roll3A_132 : vector<32x128xi1>, vector<32x128xf32>
    %sub3A_134 = arith.constant 128 : i32
    %sub3A_135 = arith.constant 8 : i32
    %sub3A_136 = arith.subi %sub3A_134, %sub3A_135 : i32
    %roll3A_137 = tpu.dynamic_rotate %select_n3A_119 by %sub3A_136 dim 1 : vector<32x128xi32>, i32 -> vector<32x128xi32>
    %roll3A_138 = arith.constant 8 : i32
    %roll3A_139 = tpu.dynamic_rotate %select_n3A_119 by %roll3A_138 dim 1 : vector<32x128xi32>, i32 -> vector<32x128xi32>
    %select_n3A_140 = arith.select %eq3A_126, %roll3A_137, %roll3A_139 : vector<32x128xi1>, vector<32x128xi32>
    %gt3A_141 = arith.cmpf ogt, %select_n3A_118, %select_n3A_133 : vector<32x128xf32>
    %eq3A_142 = arith.cmpf oeq, %select_n3A_118, %select_n3A_133 : vector<32x128xf32>
    %lt3A_143 = arith.cmpi slt, %select_n3A_119, %select_n3A_140 : vector<32x128xi32>
    %and3A_144 = arith.andi %eq3A_142, %lt3A_143 : vector<32x128xi1>
    %or3A_145 = arith.ori %gt3A_141, %and3A_144 : vector<32x128xi1>
    %xor3A_146 = arith.xori %or3A_145, %eq3A_126 : vector<32x128xi1>
    %xor3A_147 = arith.xori %xor3A_146, %eq3A_32 : vector<32x128xi1>
    %select_n3A_148 = arith.select %xor3A_147, %select_n3A_118, %select_n3A_133 : vector<32x128xi1>, vector<32x128xf32>
    %select_n3A_149 = arith.select %xor3A_147, %select_n3A_119, %select_n3A_140 : vector<32x128xi1>, vector<32x128xi32>
    %iota3A_150 = tpu.iota {dimensions = array<i32: 1>} : vector<32x128xi32>
    %and3A_151 = arith.constant 4 : i32
    %and3A_152 = vector.broadcast %and3A_151 : i32 to vector<32x128xi32>
    %and3A_153 = arith.andi %iota3A_150, %and3A_152 : vector<32x128xi32>
    %eq3A_154 = arith.constant 0 : i32
    %eq3A_155 = vector.broadcast %eq3A_154 : i32 to vector<32x128xi32>
    %eq3A_156 = arith.cmpi eq, %and3A_153, %eq3A_155 : vector<32x128xi32>
    %sub3A_157 = arith.constant 128 : i32
    %sub3A_158 = arith.constant 4 : i32
    %sub3A_159 = arith.subi %sub3A_157, %sub3A_158 : i32
    %roll3A_160 = tpu.dynamic_rotate %select_n3A_148 by %sub3A_159 dim 1 : vector<32x128xf32>, i32 -> vector<32x128xf32>
    %roll3A_161 = arith.constant 4 : i32
    %roll3A_162 = tpu.dynamic_rotate %select_n3A_148 by %roll3A_161 dim 1 : vector<32x128xf32>, i32 -> vector<32x128xf32>
    %select_n3A_163 = arith.select %eq3A_156, %roll3A_160, %roll3A_162 : vector<32x128xi1>, vector<32x128xf32>
    %sub3A_164 = arith.constant 128 : i32
    %sub3A_165 = arith.constant 4 : i32
    %sub3A_166 = arith.subi %sub3A_164, %sub3A_165 : i32
    %roll3A_167 = tpu.dynamic_rotate %select_n3A_149 by %sub3A_166 dim 1 : vector<32x128xi32>, i32 -> vector<32x128xi32>
    %roll3A_168 = arith.constant 4 : i32
    %roll3A_169 = tpu.dynamic_rotate %select_n3A_149 by %roll3A_168 dim 1 : vector<32x128xi32>, i32 -> vector<32x128xi32>
    %select_n3A_170 = arith.select %eq3A_156, %roll3A_167, %roll3A_169 : vector<32x128xi1>, vector<32x128xi32>
    %gt3A_171 = arith.cmpf ogt, %select_n3A_148, %select_n3A_163 : vector<32x128xf32>
    %eq3A_172 = arith.cmpf oeq, %select_n3A_148, %select_n3A_163 : vector<32x128xf32>
    %lt3A_173 = arith.cmpi slt, %select_n3A_149, %select_n3A_170 : vector<32x128xi32>
    %and3A_174 = arith.andi %eq3A_172, %lt3A_173 : vector<32x128xi1>
    %or3A_175 = arith.ori %gt3A_171, %and3A_174 : vector<32x128xi1>
    %xor3A_176 = arith.xori %or3A_175, %eq3A_156 : vector<32x128xi1>
    %xor3A_177 = arith.xori %xor3A_176, %eq3A_32 : vector<32x128xi1>
    %select_n3A_178 = arith.select %xor3A_177, %select_n3A_148, %select_n3A_163 : vector<32x128xi1>, vector<32x128xf32>
    %select_n3A_179 = arith.select %xor3A_177, %select_n3A_149, %select_n3A_170 : vector<32x128xi1>, vector<32x128xi32>
    %iota3A_180 = tpu.iota {dimensions = array<i32: 1>} : vector<32x128xi32>
    %and3A_181 = arith.constant 2 : i32
    %and3A_182 = vector.broadcast %and3A_181 : i32 to vector<32x128xi32>
    %and3A_183 = arith.andi %iota3A_180, %and3A_182 : vector<32x128xi32>
    %eq3A_184 = arith.constant 0 : i32
    %eq3A_185 = vector.broadcast %eq3A_184 : i32 to vector<32x128xi32>
    %eq3A_186 = arith.cmpi eq, %and3A_183, %eq3A_185 : vector<32x128xi32>
    %sub3A_187 = arith.constant 128 : i32
    %sub3A_188 = arith.constant 2 : i32
    %sub3A_189 = arith.subi %sub3A_187, %sub3A_188 : i32
    %roll3A_190 = tpu.dynamic_rotate %select_n3A_178 by %sub3A_189 dim 1 : vector<32x128xf32>, i32 -> vector<32x128xf32>
    %roll3A_191 = arith.constant 2 : i32
    %roll3A_192 = tpu.dynamic_rotate %select_n3A_178 by %roll3A_191 dim 1 : vector<32x128xf32>, i32 -> vector<32x128xf32>
    %select_n3A_193 = arith.select %eq3A_186, %roll3A_190, %roll3A_192 : vector<32x128xi1>, vector<32x128xf32>
    %sub3A_194 = arith.constant 128 : i32
    %sub3A_195 = arith.constant 2 : i32
    %sub3A_196 = arith.subi %sub3A_194, %sub3A_195 : i32
    %roll3A_197 = tpu.dynamic_rotate %select_n3A_179 by %sub3A_196 dim 1 : vector<32x128xi32>, i32 -> vector<32x128xi32>
    %roll3A_198 = arith.constant 2 : i32
    %roll3A_199 = tpu.dynamic_rotate %select_n3A_179 by %roll3A_198 dim 1 : vector<32x128xi32>, i32 -> vector<32x128xi32>
    %select_n3A_200 = arith.select %eq3A_186, %roll3A_197, %roll3A_199 : vector<32x128xi1>, vector<32x128xi32>
    %gt3A_201 = arith.cmpf ogt, %select_n3A_178, %select_n3A_193 : vector<32x128xf32>
    %eq3A_202 = arith.cmpf oeq, %select_n3A_178, %select_n3A_193 : vector<32x128xf32>
    %lt3A_203 = arith.cmpi slt, %select_n3A_179, %select_n3A_200 : vector<32x128xi32>
    %and3A_204 = arith.andi %eq3A_202, %lt3A_203 : vector<32x128xi1>
    %or3A_205 = arith.ori %gt3A_201, %and3A_204 : vector<32x128xi1>
    %xor3A_206 = arith.xori %or3A_205, %eq3A_186 : vector<32x128xi1>
    %xor3A_207 = arith.xori %xor3A_206, %eq3A_32 : vector<32x128xi1>
    %select_n3A_208 = arith.select %xor3A_207, %select_n3A_178, %select_n3A_193 : vector<32x128xi1>, vector<32x128xf32>
    %select_n3A_209 = arith.select %xor3A_207, %select_n3A_179, %select_n3A_200 : vector<32x128xi1>, vector<32x128xi32>
    %iota3A_210 = tpu.iota {dimensions = array<i32: 1>} : vector<32x128xi32>
    %and3A_211 = arith.constant 1 : i32
    %and3A_212 = vector.broadcast %and3A_211 : i32 to vector<32x128xi32>
    %and3A_213 = arith.andi %iota3A_210, %and3A_212 : vector<32x128xi32>
    %eq3A_214 = arith.constant 0 : i32
    %eq3A_215 = vector.broadcast %eq3A_214 : i32 to vector<32x128xi32>
    %eq3A_216 = arith.cmpi eq, %and3A_213, %eq3A_215 : vector<32x128xi32>
    %sub3A_217 = arith.constant 128 : i32
    %sub3A_218 = arith.constant 1 : i32
    %sub3A_219 = arith.subi %sub3A_217, %sub3A_218 : i32
    %roll3A_220 = tpu.dynamic_rotate %select_n3A_208 by %sub3A_219 dim 1 : vector<32x128xf32>, i32 -> vector<32x128xf32>
    %roll3A_221 = arith.constant 1 : i32
    %roll3A_222 = tpu.dynamic_rotate %select_n3A_208 by %roll3A_221 dim 1 : vector<32x128xf32>, i32 -> vector<32x128xf32>
    %select_n3A_223 = arith.select %eq3A_216, %roll3A_220, %roll3A_222 : vector<32x128xi1>, vector<32x128xf32>
    %sub3A_224 = arith.constant 128 : i32
    %sub3A_225 = arith.constant 1 : i32
    %sub3A_226 = arith.subi %sub3A_224, %sub3A_225 : i32
    %roll3A_227 = tpu.dynamic_rotate %select_n3A_209 by %sub3A_226 dim 1 : vector<32x128xi32>, i32 -> vector<32x128xi32>
    %roll3A_228 = arith.constant 1 : i32
    %roll3A_229 = tpu.dynamic_rotate %select_n3A_209 by %roll3A_228 dim 1 : vector<32x128xi32>, i32 -> vector<32x128xi32>
    %select_n3A_230 = arith.select %eq3A_216, %roll3A_227, %roll3A_229 : vector<32x128xi1>, vector<32x128xi32>
    %gt3A_231 = arith.cmpf ogt, %select_n3A_208, %select_n3A_223 : vector<32x128xf32>
    %eq3A_232 = arith.cmpf oeq, %select_n3A_208, %select_n3A_223 : vector<32x128xf32>
    %lt3A_233 = arith.cmpi slt, %select_n3A_209, %select_n3A_230 : vector<32x128xi32>
    %and3A_234 = arith.andi %eq3A_232, %lt3A_233 : vector<32x128xi1>
    %or3A_235 = arith.ori %gt3A_231, %and3A_234 : vector<32x128xi1>
    %xor3A_236 = arith.xori %or3A_235, %eq3A_216 : vector<32x128xi1>
    %xor3A_237 = arith.xori %xor3A_236, %eq3A_32 : vector<32x128xi1>
    %select_n3A_238 = arith.select %xor3A_237, %select_n3A_208, %select_n3A_223 : vector<32x128xi1>, vector<32x128xf32>
    %select_n3A_239 = arith.select %xor3A_237, %select_n3A_209, %select_n3A_230 : vector<32x128xi1>, vector<32x128xi32>
    %swap3A = arith.constant 0 : index
    %swap3A_240 = arith.constant 0 : index
    %swap3A_241 = arith.constant 0 : index
    %swap3A_242 = arith.constant 0 : index
    %swap3A_243 = vector.load %arg4[%swap3A, %swap3A_240, %swap3A_241, %swap3A_242] : memref<32x1x1x128xf32, #tpu.memory_space<vmem>>, vector<32x1x1x128xf32>
    %swap3A_244 = vector.shape_cast %swap3A_243 : vector<32x1x1x128xf32> to vector<32x128xf32>
    %swap3A_245 = vector.shape_cast %select_n3A_238 : vector<32x128xf32> to vector<32x1x1x128xf32>
    tpu.vector_store %arg4[%swap3A, %swap3A_240, %swap3A_241, %swap3A_242], %swap3A_245 {strides = array<i32>} : memref<32x1x1x128xf32, #tpu.memory_space<vmem>>, vector<32x1x1x128xf32>,
    %swap3A_246 = arith.constant 0 : index
    %swap3A_247 = arith.constant 0 : index
    %swap3A_248 = arith.constant 0 : index
    %swap3A_249 = arith.constant 0 : index
    %swap3A_250 = vector.load %arg5[%swap3A_246, %swap3A_247, %swap3A_248, %swap3A_249] : memref<32x1x1x128xi32, #tpu.memory_space<vmem>>, vector<32x1x1x128xi32>
    %swap3A_251 = vector.shape_cast %swap3A_250 : vector<32x1x1x128xi32> to vector<32x128xi32>
    %swap3A_252 = vector.shape_cast %select_n3A_239 : vector<32x128xi32> to vector<32x1x1x128xi32>
    tpu.vector_store %arg5[%swap3A_246, %swap3A_247, %swap3A_248, %swap3A_249], %swap3A_252 {strides = array<i32>} : memref<32x1x1x128xi32, #tpu.memory_space<vmem>>, vector<32x1x1x128xi32>,
    return
  }
  func.func @transform_0(%arg0: i32, %arg1: i32) -> (i32, i32, i32, i32) {
    %c0_i32 = arith.constant 0 : i32
    %c0_i32_0 = arith.constant 0 : i32
    %c0_i32_1 = arith.constant 0 : i32
    return %arg0, %arg1, %c0_i32, %c0_i32_0 : i32, i32, i32, i32
  }
  func.func @transform_1(%arg0: i32, %arg1: i32) -> (i32, i32, i32, i32) {
    %c0_i32 = arith.constant 0 : i32
    %c0_i32_0 = arith.constant 0 : i32
    %c0_i32_1 = arith.constant 0 : i32
    return %arg0, %arg1, %c0_i32, %c0_i32_0 : i32, i32, i32, i32
  }
  func.func @transform_2(%arg0: i32, %arg1: i32) -> (i32, i32, i32, i32) {
    %c0_i32 = arith.constant 0 : i32
    %c0_i32_0 = arith.constant 0 : i32
    %c0_i32_1 = arith.constant 0 : i32
    return %arg0, %arg1, %c0_i32, %c0_i32_0 : i32, i32, i32, i32
  }
  func.func @transform_3(%arg0: i32, %arg1: i32) -> (i32, i32, i32, i32) {
    %c0_i32 = arith.constant 0 : i32
    %c0_i32_0 = arith.constant 0 : i32
    %c0_i32_1 = arith.constant 0 : i32
    return %arg0, %arg1, %c0_i32, %c0_i32_0 : i32, i32, i32, i32
  }
}

module attributes {stable_mosaic.version = 14 : i64} {
  func.func @_merge_body(%arg0: i32, %arg1: i32, %arg2: memref<32x1x2x128xf32, #tpu.memory_space<vmem>>, %arg3: memref<32x1x2x128xi32, #tpu.memory_space<vmem>>, %arg4: memref<32x1x1x128xf32, #tpu.memory_space<vmem>>, %arg5: memref<32x1x1x128xi32, #tpu.memory_space<vmem>>) attributes {dimension_semantics = [#tpu.dimension_semantics<arbitrary>, #tpu.dimension_semantics<arbitrary>], iteration_bounds = array<i64: 32, 2>, scalar_prefetch = 0 : i64, scratch_operands = 0 : i64, tpu.core_type = #tpu.core_type<tc>, window_params = [{transform_indices = @transform_0, window_bounds = array<i64: 32, 1, 2, 128>}, {transform_indices = @transform_1, window_bounds = array<i64: 32, 1, 2, 128>}, {transform_indices = @transform_2, window_bounds = array<i64: 32, 1, 1, 128>}, {transform_indices = @transform_3, window_bounds = array<i64: 32, 1, 1, 128>}]} {
    %get3A = arith.constant 0 : index
    %get3A_0 = arith.constant 0 : index
    %get3A_1 = arith.constant 0 : index
    %get3A_2 = arith.constant 0 : index
    %get3A_3 = vector.load %arg2[%get3A, %get3A_0, %get3A_1, %get3A_2] : memref<32x1x2x128xf32, #tpu.memory_space<vmem>>, vector<32x1x1x128xf32>
    %get3A_4 = vector.shape_cast %get3A_3 : vector<32x1x1x128xf32> to vector<32x128xf32>
    %get3A_5 = arith.constant 0 : index
    %get3A_6 = arith.constant 0 : index
    %get3A_7 = arith.constant 1 : index
    %get3A_8 = arith.constant 0 : index
    %get3A_9 = vector.load %arg2[%get3A_5, %get3A_6, %get3A_7, %get3A_8] : memref<32x1x2x128xf32, #tpu.memory_space<vmem>>, vector<32x1x1x128xf32>
    %get3A_10 = vector.shape_cast %get3A_9 : vector<32x1x1x128xf32> to vector<32x128xf32>
    %get3A_11 = arith.constant 0 : index
    %get3A_12 = arith.constant 0 : index
    %get3A_13 = arith.constant 0 : index
    %get3A_14 = arith.constant 0 : index
    %get3A_15 = vector.load %arg3[%get3A_11, %get3A_12, %get3A_13, %get3A_14] : memref<32x1x2x128xi32, #tpu.memory_space<vmem>>, vector<32x1x1x128xi32>
    %get3A_16 = vector.shape_cast %get3A_15 : vector<32x1x1x128xi32> to vector<32x128xi32>
    %get3A_17 = arith.constant 0 : index
    %get3A_18 = arith.constant 0 : index
    %get3A_19 = arith.constant 1 : index
    %get3A_20 = arith.constant 0 : index
    %get3A_21 = vector.load %arg3[%get3A_17, %get3A_18, %get3A_19, %get3A_20] : memref<32x1x2x128xi32, #tpu.memory_space<vmem>>, vector<32x1x1x128xi32>
    %get3A_22 = vector.shape_cast %get3A_21 : vector<32x1x1x128xi32> to vector<32x128xi32>
    %gt3A = arith.cmpf ogt, %get3A_4, %get3A_10 : vector<32x128xf32>
    %eq3A = arith.cmpf oeq, %get3A_4, %get3A_10 : vector<32x128xf32>
    %lt3A = arith.cmpi slt, %get3A_16, %get3A_22 : vector<32x128xi32>
    %and3A = arith.andi %eq3A, %lt3A : vector<32x128xi1>
    %or3A = arith.ori %gt3A, %and3A : vector<32x128xi1>
    %select_n3A = arith.select %or3A, %get3A_4, %get3A_10 : vector<32x128xi1>, vector<32x128xf32>
    %select_n3A_23 = arith.select %or3A, %get3A_16, %get3A_22 : vector<32x128xi1>, vector<32x128xi32>
    %iota3A = tpu.iota {dimensions = array<i32: 1>} : vector<32x128xi32>
    %and3A_24 = arith.constant 0 : i32
    %and3A_25 = vector.broadcast %and3A_24 : i32 to vector<32x128xi32>
    %and3A_26 = arith.andi %iota3A, %and3A_25 : vector<32x128xi32>
    %and3A_27 = arith.constant 1 : i32
    %and3A_28 = arith.andi %arg1, %and3A_27 : i32
    %add3A = vector.broadcast %and3A_28 : i32 to vector<32x128xi32>
    %add3A_29 = arith.addi %and3A_26, %add3A : vector<32x128xi32>
    %eq3A_30 = arith.constant 0 : i32
    %eq3A_31 = vector.broadcast %eq3A_30 : i32 to vector<32x128xi32>
    %eq3A_32 = arith.cmpi eq, %add3A_29, %eq3A_31 : vector<32x128xi32>
    %iota3A_33 = tpu.iota {dimensions = array<i32: 1>} : vector<32x128xi32>
    %and3A_34 = arith.constant 64 : i32
    %and3A_35 = vector.broadcast %and3A_34 : i32 to vector<32x128xi32>
    %and3A_36 = arith.andi %iota3A_33, %and3A_35 : vector<32x128xi32>
    %eq3A_37 = arith.constant 0 : i32
    %eq3A_38 = vector.broadcast %eq3A_37 : i32 to vector<32x128xi32>
    %eq3A_39 = arith.cmpi eq, %and3A_36, %eq3A_38 : vector<32x128xi32>
    %sub3A = arith.constant 128 : i32
    %sub3A_40 = arith.constant 64 : i32
    %sub3A_41 = arith.subi %sub3A, %sub3A_40 : i32
    %roll3A = tpu.dynamic_rotate %select_n3A by %sub3A_41 dim 1 : vector<32x128xf32>, i32 -> vector<32x128xf32>
    %roll3A_42 = arith.constant 64 : i32
    %roll3A_43 = tpu.dynamic_rotate %select_n3A by %roll3A_42 dim 1 : vector<32x128xf32>, i32 -> vector<32x128xf32>
    %select_n3A_44 = arith.select %eq3A_39, %roll3A, %roll3A_43 : vector<32x128xi1>, vector<32x128xf32>
    %sub3A_45 = arith.constant 128 : i32
    %sub3A_46 = arith.constant 64 : i32
    %sub3A_47 = arith.subi %sub3A_45, %sub3A_46 : i32
    %roll3A_48 = tpu.dynamic_rotate %select_n3A_23 by %sub3A_47 dim 1 : vector<32x128xi32>, i32 -> vector<32x128xi32>
    %roll3A_49 = arith.constant 64 : i32
    %roll3A_50 = tpu.dynamic_rotate %select_n3A_23 by %roll3A_49 dim 1 : vector<32x128xi32>, i32 -> vector<32x128xi32>
    %select_n3A_51 = arith.select %eq3A_39, %roll3A_48, %roll3A_50 : vector<32x128xi1>, vector<32x128xi32>
    %gt3A_52 = arith.cmpf ogt, %select_n3A, %select_n3A_44 : vector<32x128xf32>
    %eq3A_53 = arith.cmpf oeq, %select_n3A, %select_n3A_44 : vector<32x128xf32>
    %lt3A_54 = arith.cmpi slt, %select_n3A_23, %select_n3A_51 : vector<32x128xi32>
    %and3A_55 = arith.andi %eq3A_53, %lt3A_54 : vector<32x128xi1>
    %or3A_56 = arith.ori %gt3A_52, %and3A_55 : vector<32x128xi1>
    %xor3A = arith.xori %or3A_56, %eq3A_39 : vector<32x128xi1>
    %xor3A_57 = arith.xori %xor3A, %eq3A_32 : vector<32x128xi1>
    %select_n3A_58 = arith.select %xor3A_57, %select_n3A, %select_n3A_44 : vector<32x128xi1>, vector<32x128xf32>
    %select_n3A_59 = arith.select %xor3A_57, %select_n3A_23, %select_n3A_51 : vector<32x128xi1>, vector<32x128xi32>
    %iota3A_60 = tpu.iota {dimensions = array<i32: 1>} : vector<32x128xi32>
    %and3A_61 = arith.constant 32 : i32
    %and3A_62 = vector.broadcast %and3A_61 : i32 to vector<32x128xi32>
    %and3A_63 = arith.andi %iota3A_60, %and3A_62 : vector<32x128xi32>
    %eq3A_64 = arith.constant 0 : i32
    %eq3A_65 = vector.broadcast %eq3A_64 : i32 to vector<32x128xi32>
    %eq3A_66 = arith.cmpi eq, %and3A_63, %eq3A_65 : vector<32x128xi32>
    %sub3A_67 = arith.constant 128 : i32
    %sub3A_68 = arith.constant 32 : i32
    %sub3A_69 = arith.subi %sub3A_67, %sub3A_68 : i32
    %roll3A_70 = tpu.dynamic_rotate %select_n3A_58 by %sub3A_69 dim 1 : vector<32x128xf32>, i32 -> vector<32x128xf32>
    %roll3A_71 = arith.constant 32 : i32
    %roll3A_72 = tpu.dynamic_rotate %select_n3A_58 by %roll3A_71 dim 1 : vector<32x128xf32>, i32 -> vector<32x128xf32>
    %select_n3A_73 = arith.select %eq3A_66, %roll3A_70, %roll3A_72 : vector<32x128xi1>, vector<32x128xf32>
    %sub3A_74 = arith.constant 128 : i32
    %sub3A_75 = arith.constant 32 : i32
    %sub3A_76 = arith.subi %sub3A_74, %sub3A_75 : i32
    %roll3A_77 = tpu.dynamic_rotate %select_n3A_59 by %sub3A_76 dim 1 : vector<32x128xi32>, i32 -> vector<32x128xi32>
    %roll3A_78 = arith.constant 32 : i32
    %roll3A_79 = tpu.dynamic_rotate %select_n3A_59 by %roll3A_78 dim 1 : vector<32x128xi32>, i32 -> vector<32x128xi32>
    %select_n3A_80 = arith.select %eq3A_66, %roll3A_77, %roll3A_79 : vector<32x128xi1>, vector<32x128xi32>
    %gt3A_81 = arith.cmpf ogt, %select_n3A_58, %select_n3A_73 : vector<32x128xf32>
    %eq3A_82 = arith.cmpf oeq, %select_n3A_58, %select_n3A_73 : vector<32x128xf32>
    %lt3A_83 = arith.cmpi slt, %select_n3A_59, %select_n3A_80 : vector<32x128xi32>
    %and3A_84 = arith.andi %eq3A_82, %lt3A_83 : vector<32x128xi1>
    %or3A_85 = arith.ori %gt3A_81, %and3A_84 : vector<32x128xi1>
    %xor3A_86 = arith.xori %or3A_85, %eq3A_66 : vector<32x128xi1>
    %xor3A_87 = arith.xori %xor3A_86, %eq3A_32 : vector<32x128xi1>
    %select_n3A_88 = arith.select %xor3A_87, %select_n3A_58, %select_n3A_73 : vector<32x128xi1>, vector<32x128xf32>
    %select_n3A_89 = arith.select %xor3A_87, %select_n3A_59, %select_n3A_80 : vector<32x128xi1>, vector<32x128xi32>
    %iota3A_90 = tpu.iota {dimensions = array<i32: 1>} : vector<32x128xi32>
    %and3A_91 = arith.constant 16 : i32
    %and3A_92 = vector.broadcast %and3A_91 : i32 to vector<32x128xi32>
    %and3A_93 = arith.andi %iota3A_90, %and3A_92 : vector<32x128xi32>
    %eq3A_94 = arith.constant 0 : i32
    %eq3A_95 = vector.broadcast %eq3A_94 : i32 to vector<32x128xi32>
    %eq3A_96 = arith.cmpi eq, %and3A_93, %eq3A_95 : vector<32x128xi32>
    %sub3A_97 = arith.constant 128 : i32
    %sub3A_98 = arith.constant 16 : i32
    %sub3A_99 = arith.subi %sub3A_97, %sub3A_98 : i32
    %roll3A_100 = tpu.dynamic_rotate %select_n3A_88 by %sub3A_99 dim 1 : vector<32x128xf32>, i32 -> vector<32x128xf32>
    %roll3A_101 = arith.constant 16 : i32
    %roll3A_102 = tpu.dynamic_rotate %select_n3A_88 by %roll3A_101 dim 1 : vector<32x128xf32>, i32 -> vector<32x128xf32>
    %select_n3A_103 = arith.select %eq3A_96, %roll3A_100, %roll3A_102 : vector<32x128xi1>, vector<32x128xf32>
    %sub3A_104 = arith.constant 128 : i32
    %sub3A_105 = arith.constant 16 : i32
    %sub3A_106 = arith.subi %sub3A_104, %sub3A_105 : i32
    %roll3A_107 = tpu.dynamic_rotate %select_n3A_89 by %sub3A_106 dim 1 : vector<32x128xi32>, i32 -> vector<32x128xi32>
    %roll3A_108 = arith.constant 16 : i32
    %roll3A_109 = tpu.dynamic_rotate %select_n3A_89 by %roll3A_108 dim 1 : vector<32x128xi32>, i32 -> vector<32x128xi32>
    %select_n3A_110 = arith.select %eq3A_96, %roll3A_107, %roll3A_109 : vector<32x128xi1>, vector<32x128xi32>
    %gt3A_111 = arith.cmpf ogt, %select_n3A_88, %select_n3A_103 : vector<32x128xf32>
    %eq3A_112 = arith.cmpf oeq, %select_n3A_88, %select_n3A_103 : vector<32x128xf32>
    %lt3A_113 = arith.cmpi slt, %select_n3A_89, %select_n3A_110 : vector<32x128xi32>
    %and3A_114 = arith.andi %eq3A_112, %lt3A_113 : vector<32x128xi1>
    %or3A_115 = arith.ori %gt3A_111, %and3A_114 : vector<32x128xi1>
    %xor3A_116 = arith.xori %or3A_115, %eq3A_96 : vector<32x128xi1>
    %xor3A_117 = arith.xori %xor3A_116, %eq3A_32 : vector<32x128xi1>
    %select_n3A_118 = arith.select %xor3A_117, %select_n3A_88, %select_n3A_103 : vector<32x128xi1>, vector<32x128xf32>
    %select_n3A_119 = arith.select %xor3A_117, %select_n3A_89, %select_n3A_110 : vector<32x128xi1>, vector<32x128xi32>
    %iota3A_120 = tpu.iota {dimensions = array<i32: 1>} : vector<32x128xi32>
    %and3A_121 = arith.constant 8 : i32
    %and3A_122 = vector.broadcast %and3A_121 : i32 to vector<32x128xi32>
    %and3A_123 = arith.andi %iota3A_120, %and3A_122 : vector<32x128xi32>
    %eq3A_124 = arith.constant 0 : i32
    %eq3A_125 = vector.broadcast %eq3A_124 : i32 to vector<32x128xi32>
    %eq3A_126 = arith.cmpi eq, %and3A_123, %eq3A_125 : vector<32x128xi32>
    %sub3A_127 = arith.constant 128 : i32
    %sub3A_128 = arith.constant 8 : i32
    %sub3A_129 = arith.subi %sub3A_127, %sub3A_128 : i32
    %roll3A_130 = tpu.dynamic_rotate %select_n3A_118 by %sub3A_129 dim 1 : vector<32x128xf32>, i32 -> vector<32x128xf32>
    %roll3A_131 = arith.constant 8 : i32
    %roll3A_132 = tpu.dynamic_rotate %select_n3A_118 by %roll3A_131 dim 1 : vector<32x128xf32>, i32 -> vector<32x128xf32>
    %select_n3A_133 = arith.select %eq3A_126, %roll3A_130, %roll3A_132 : vector<32x128xi1>, vector<32x128xf32>
    %sub3A_134 = arith.constant 128 : i32
    %sub3A_135 = arith.constant 8 : i32
    %sub3A_136 = arith.subi %sub3A_134, %sub3A_135 : i32
    %roll3A_137 = tpu.dynamic_rotate %select_n3A_119 by %sub3A_136 dim 1 : vector<32x128xi32>, i32 -> vector<32x128xi32>
    %roll3A_138 = arith.constant 8 : i32
    %roll3A_139 = tpu.dynamic_rotate %select_n3A_119 by %roll3A_138 dim 1 : vector<32x128xi32>, i32 -> vector<32x128xi32>
    %select_n3A_140 = arith.select %eq3A_126, %roll3A_137, %roll3A_139 : vector<32x128xi1>, vector<32x128xi32>
    %gt3A_141 = arith.cmpf ogt, %select_n3A_118, %select_n3A_133 : vector<32x128xf32>
    %eq3A_142 = arith.cmpf oeq, %select_n3A_118, %select_n3A_133 : vector<32x128xf32>
    %lt3A_143 = arith.cmpi slt, %select_n3A_119, %select_n3A_140 : vector<32x128xi32>
    %and3A_144 = arith.andi %eq3A_142, %lt3A_143 : vector<32x128xi1>
    %or3A_145 = arith.ori %gt3A_141, %and3A_144 : vector<32x128xi1>
    %xor3A_146 = arith.xori %or3A_145, %eq3A_126 : vector<32x128xi1>
    %xor3A_147 = arith.xori %xor3A_146, %eq3A_32 : vector<32x128xi1>
    %select_n3A_148 = arith.select %xor3A_147, %select_n3A_118, %select_n3A_133 : vector<32x128xi1>, vector<32x128xf32>
    %select_n3A_149 = arith.select %xor3A_147, %select_n3A_119, %select_n3A_140 : vector<32x128xi1>, vector<32x128xi32>
    %iota3A_150 = tpu.iota {dimensions = array<i32: 1>} : vector<32x128xi32>
    %and3A_151 = arith.constant 4 : i32
    %and3A_152 = vector.broadcast %and3A_151 : i32 to vector<32x128xi32>
    %and3A_153 = arith.andi %iota3A_150, %and3A_152 : vector<32x128xi32>
    %eq3A_154 = arith.constant 0 : i32
    %eq3A_155 = vector.broadcast %eq3A_154 : i32 to vector<32x128xi32>
    %eq3A_156 = arith.cmpi eq, %and3A_153, %eq3A_155 : vector<32x128xi32>
    %sub3A_157 = arith.constant 128 : i32
    %sub3A_158 = arith.constant 4 : i32
    %sub3A_159 = arith.subi %sub3A_157, %sub3A_158 : i32
    %roll3A_160 = tpu.dynamic_rotate %select_n3A_148 by %sub3A_159 dim 1 : vector<32x128xf32>, i32 -> vector<32x128xf32>
    %roll3A_161 = arith.constant 4 : i32
    %roll3A_162 = tpu.dynamic_rotate %select_n3A_148 by %roll3A_161 dim 1 : vector<32x128xf32>, i32 -> vector<32x128xf32>
    %select_n3A_163 = arith.select %eq3A_156, %roll3A_160, %roll3A_162 : vector<32x128xi1>, vector<32x128xf32>
    %sub3A_164 = arith.constant 128 : i32
    %sub3A_165 = arith.constant 4 : i32
    %sub3A_166 = arith.subi %sub3A_164, %sub3A_165 : i32
    %roll3A_167 = tpu.dynamic_rotate %select_n3A_149 by %sub3A_166 dim 1 : vector<32x128xi32>, i32 -> vector<32x128xi32>
    %roll3A_168 = arith.constant 4 : i32
    %roll3A_169 = tpu.dynamic_rotate %select_n3A_149 by %roll3A_168 dim 1 : vector<32x128xi32>, i32 -> vector<32x128xi32>
    %select_n3A_170 = arith.select %eq3A_156, %roll3A_167, %roll3A_169 : vector<32x128xi1>, vector<32x128xi32>
    %gt3A_171 = arith.cmpf ogt, %select_n3A_148, %select_n3A_163 : vector<32x128xf32>
    %eq3A_172 = arith.cmpf oeq, %select_n3A_148, %select_n3A_163 : vector<32x128xf32>
    %lt3A_173 = arith.cmpi slt, %select_n3A_149, %select_n3A_170 : vector<32x128xi32>
    %and3A_174 = arith.andi %eq3A_172, %lt3A_173 : vector<32x128xi1>
    %or3A_175 = arith.ori %gt3A_171, %and3A_174 : vector<32x128xi1>
    %xor3A_176 = arith.xori %or3A_175, %eq3A_156 : vector<32x128xi1>
    %xor3A_177 = arith.xori %xor3A_176, %eq3A_32 : vector<32x128xi1>
    %select_n3A_178 = arith.select %xor3A_177, %select_n3A_148, %select_n3A_163 : vector<32x128xi1>, vector<32x128xf32>
    %select_n3A_179 = arith.select %xor3A_177, %select_n3A_149, %select_n3A_170 : vector<32x128xi1>, vector<32x128xi32>
    %iota3A_180 = tpu.iota {dimensions = array<i32: 1>} : vector<32x128xi32>
    %and3A_181 = arith.constant 2 : i32
    %and3A_182 = vector.broadcast %and3A_181 : i32 to vector<32x128xi32>
    %and3A_183 = arith.andi %iota3A_180, %and3A_182 : vector<32x128xi32>
    %eq3A_184 = arith.constant 0 : i32
    %eq3A_185 = vector.broadcast %eq3A_184 : i32 to vector<32x128xi32>
    %eq3A_186 = arith.cmpi eq, %and3A_183, %eq3A_185 : vector<32x128xi32>
    %sub3A_187 = arith.constant 128 : i32
    %sub3A_188 = arith.constant 2 : i32
    %sub3A_189 = arith.subi %sub3A_187, %sub3A_188 : i32
    %roll3A_190 = tpu.dynamic_rotate %select_n3A_178 by %sub3A_189 dim 1 : vector<32x128xf32>, i32 -> vector<32x128xf32>
    %roll3A_191 = arith.constant 2 : i32
    %roll3A_192 = tpu.dynamic_rotate %select_n3A_178 by %roll3A_191 dim 1 : vector<32x128xf32>, i32 -> vector<32x128xf32>
    %select_n3A_193 = arith.select %eq3A_186, %roll3A_190, %roll3A_192 : vector<32x128xi1>, vector<32x128xf32>
    %sub3A_194 = arith.constant 128 : i32
    %sub3A_195 = arith.constant 2 : i32
    %sub3A_196 = arith.subi %sub3A_194, %sub3A_195 : i32
    %roll3A_197 = tpu.dynamic_rotate %select_n3A_179 by %sub3A_196 dim 1 : vector<32x128xi32>, i32 -> vector<32x128xi32>
    %roll3A_198 = arith.constant 2 : i32
    %roll3A_199 = tpu.dynamic_rotate %select_n3A_179 by %roll3A_198 dim 1 : vector<32x128xi32>, i32 -> vector<32x128xi32>
    %select_n3A_200 = arith.select %eq3A_186, %roll3A_197, %roll3A_199 : vector<32x128xi1>, vector<32x128xi32>
    %gt3A_201 = arith.cmpf ogt, %select_n3A_178, %select_n3A_193 : vector<32x128xf32>
    %eq3A_202 = arith.cmpf oeq, %select_n3A_178, %select_n3A_193 : vector<32x128xf32>
    %lt3A_203 = arith.cmpi slt, %select_n3A_179, %select_n3A_200 : vector<32x128xi32>
    %and3A_204 = arith.andi %eq3A_202, %lt3A_203 : vector<32x128xi1>
    %or3A_205 = arith.ori %gt3A_201, %and3A_204 : vector<32x128xi1>
    %xor3A_206 = arith.xori %or3A_205, %eq3A_186 : vector<32x128xi1>
    %xor3A_207 = arith.xori %xor3A_206, %eq3A_32 : vector<32x128xi1>
    %select_n3A_208 = arith.select %xor3A_207, %select_n3A_178, %select_n3A_193 : vector<32x128xi1>, vector<32x128xf32>
    %select_n3A_209 = arith.select %xor3A_207, %select_n3A_179, %select_n3A_200 : vector<32x128xi1>, vector<32x128xi32>
    %iota3A_210 = tpu.iota {dimensions = array<i32: 1>} : vector<32x128xi32>
    %and3A_211 = arith.constant 1 : i32
    %and3A_212 = vector.broadcast %and3A_211 : i32 to vector<32x128xi32>
    %and3A_213 = arith.andi %iota3A_210, %and3A_212 : vector<32x128xi32>
    %eq3A_214 = arith.constant 0 : i32
    %eq3A_215 = vector.broadcast %eq3A_214 : i32 to vector<32x128xi32>
    %eq3A_216 = arith.cmpi eq, %and3A_213, %eq3A_215 : vector<32x128xi32>
    %sub3A_217 = arith.constant 128 : i32
    %sub3A_218 = arith.constant 1 : i32
    %sub3A_219 = arith.subi %sub3A_217, %sub3A_218 : i32
    %roll3A_220 = tpu.dynamic_rotate %select_n3A_208 by %sub3A_219 dim 1 : vector<32x128xf32>, i32 -> vector<32x128xf32>
    %roll3A_221 = arith.constant 1 : i32
    %roll3A_222 = tpu.dynamic_rotate %select_n3A_208 by %roll3A_221 dim 1 : vector<32x128xf32>, i32 -> vector<32x128xf32>
    %select_n3A_223 = arith.select %eq3A_216, %roll3A_220, %roll3A_222 : vector<32x128xi1>, vector<32x128xf32>
    %sub3A_224 = arith.constant 128 : i32
    %sub3A_225 = arith.constant 1 : i32
    %sub3A_226 = arith.subi %sub3A_224, %sub3A_225 : i32
    %roll3A_227 = tpu.dynamic_rotate %select_n3A_209 by %sub3A_226 dim 1 : vector<32x128xi32>, i32 -> vector<32x128xi32>
    %roll3A_228 = arith.constant 1 : i32
    %roll3A_229 = tpu.dynamic_rotate %select_n3A_209 by %roll3A_228 dim 1 : vector<32x128xi32>, i32 -> vector<32x128xi32>
    %select_n3A_230 = arith.select %eq3A_216, %roll3A_227, %roll3A_229 : vector<32x128xi1>, vector<32x128xi32>
    %gt3A_231 = arith.cmpf ogt, %select_n3A_208, %select_n3A_223 : vector<32x128xf32>
    %eq3A_232 = arith.cmpf oeq, %select_n3A_208, %select_n3A_223 : vector<32x128xf32>
    %lt3A_233 = arith.cmpi slt, %select_n3A_209, %select_n3A_230 : vector<32x128xi32>
    %and3A_234 = arith.andi %eq3A_232, %lt3A_233 : vector<32x128xi1>
    %or3A_235 = arith.ori %gt3A_231, %and3A_234 : vector<32x128xi1>
    %xor3A_236 = arith.xori %or3A_235, %eq3A_216 : vector<32x128xi1>
    %xor3A_237 = arith.xori %xor3A_236, %eq3A_32 : vector<32x128xi1>
    %select_n3A_238 = arith.select %xor3A_237, %select_n3A_208, %select_n3A_223 : vector<32x128xi1>, vector<32x128xf32>
    %select_n3A_239 = arith.select %xor3A_237, %select_n3A_209, %select_n3A_230 : vector<32x128xi1>, vector<32x128xi32>
    %swap3A = arith.constant 0 : index
    %swap3A_240 = arith.constant 0 : index
    %swap3A_241 = arith.constant 0 : index
    %swap3A_242 = arith.constant 0 : index
    %swap3A_243 = vector.load %arg4[%swap3A, %swap3A_240, %swap3A_241, %swap3A_242] : memref<32x1x1x128xf32, #tpu.memory_space<vmem>>, vector<32x1x1x128xf32>
    %swap3A_244 = vector.shape_cast %swap3A_243 : vector<32x1x1x128xf32> to vector<32x128xf32>
    %swap3A_245 = vector.shape_cast %select_n3A_238 : vector<32x128xf32> to vector<32x1x1x128xf32>
    tpu.vector_store %arg4[%swap3A, %swap3A_240, %swap3A_241, %swap3A_242], %swap3A_245 {strides = array<i32>} : memref<32x1x1x128xf32, #tpu.memory_space<vmem>>, vector<32x1x1x128xf32>,
    %swap3A_246 = arith.constant 0 : index
    %swap3A_247 = arith.constant 0 : index
    %swap3A_248 = arith.constant 0 : index
    %swap3A_249 = arith.constant 0 : index
    %swap3A_250 = vector.load %arg5[%swap3A_246, %swap3A_247, %swap3A_248, %swap3A_249] : memref<32x1x1x128xi32, #tpu.memory_space<vmem>>, vector<32x1x1x128xi32>
    %swap3A_251 = vector.shape_cast %swap3A_250 : vector<32x1x1x128xi32> to vector<32x128xi32>
    %swap3A_252 = vector.shape_cast %select_n3A_239 : vector<32x128xi32> to vector<32x1x1x128xi32>
    tpu.vector_store %arg5[%swap3A_246, %swap3A_247, %swap3A_248, %swap3A_249], %swap3A_252 {strides = array<i32>} : memref<32x1x1x128xi32, #tpu.memory_space<vmem>>, vector<32x1x1x128xi32>,
    return
  }
  func.func @transform_0(%arg0: i32, %arg1: i32) -> (i32, i32, i32, i32) {
    %c0_i32 = arith.constant 0 : i32
    %c0_i32_0 = arith.constant 0 : i32
    %c0_i32_1 = arith.constant 0 : i32
    return %arg0, %arg1, %c0_i32, %c0_i32_0 : i32, i32, i32, i32
  }
  func.func @transform_1(%arg0: i32, %arg1: i32) -> (i32, i32, i32, i32) {
    %c0_i32 = arith.constant 0 : i32
    %c0_i32_0 = arith.constant 0 : i32
    %c0_i32_1 = arith.constant 0 : i32
    return %arg0, %arg1, %c0_i32, %c0_i32_0 : i32, i32, i32, i32
  }
  func.func @transform_2(%arg0: i32, %arg1: i32) -> (i32, i32, i32, i32) {
    %c0_i32 = arith.constant 0 : i32
    %c0_i32_0 = arith.constant 0 : i32
    %c0_i32_1 = arith.constant 0 : i32
    return %arg0, %arg1, %c0_i32, %c0_i32_0 : i32, i32, i32, i32
  }
  func.func @transform_3(%arg0: i32, %arg1: i32) -> (i32, i32, i32, i32) {
    %c0_i32 = arith.constant 0 : i32
    %c0_i32_0 = arith.constant 0 : i32
    %c0_i32_1 = arith.constant 0 : i32
    return %arg0, %arg1, %c0_i32, %c0_i32_0 : i32, i32, i32, i32
  }
}

module attributes {stable_mosaic.version = 14 : i64} {
  func.func @_merge_body(%arg0: i32, %arg1: i32, %arg2: memref<32x1x2x128xf32, #tpu.memory_space<vmem>>, %arg3: memref<32x1x2x128xi32, #tpu.memory_space<vmem>>, %arg4: memref<32x1x1x128xf32, #tpu.memory_space<vmem>>, %arg5: memref<32x1x1x128xi32, #tpu.memory_space<vmem>>) attributes {dimension_semantics = [#tpu.dimension_semantics<arbitrary>, #tpu.dimension_semantics<arbitrary>], iteration_bounds = array<i64: 32, 1>, scalar_prefetch = 0 : i64, scratch_operands = 0 : i64, tpu.core_type = #tpu.core_type<tc>, window_params = [{transform_indices = @transform_0, window_bounds = array<i64: 32, 1, 2, 128>}, {transform_indices = @transform_1, window_bounds = array<i64: 32, 1, 2, 128>}, {transform_indices = @transform_2, window_bounds = array<i64: 32, 1, 1, 128>}, {transform_indices = @transform_3, window_bounds = array<i64: 32, 1, 1, 128>}]} {
    %get3A = arith.constant 0 : index
    %get3A_0 = arith.constant 0 : index
    %get3A_1 = arith.constant 0 : index
    %get3A_2 = arith.constant 0 : index
    %get3A_3 = vector.load %arg2[%get3A, %get3A_0, %get3A_1, %get3A_2] : memref<32x1x2x128xf32, #tpu.memory_space<vmem>>, vector<32x1x1x128xf32>
    %get3A_4 = vector.shape_cast %get3A_3 : vector<32x1x1x128xf32> to vector<32x128xf32>
    %get3A_5 = arith.constant 0 : index
    %get3A_6 = arith.constant 0 : index
    %get3A_7 = arith.constant 1 : index
    %get3A_8 = arith.constant 0 : index
    %get3A_9 = vector.load %arg2[%get3A_5, %get3A_6, %get3A_7, %get3A_8] : memref<32x1x2x128xf32, #tpu.memory_space<vmem>>, vector<32x1x1x128xf32>
    %get3A_10 = vector.shape_cast %get3A_9 : vector<32x1x1x128xf32> to vector<32x128xf32>
    %get3A_11 = arith.constant 0 : index
    %get3A_12 = arith.constant 0 : index
    %get3A_13 = arith.constant 0 : index
    %get3A_14 = arith.constant 0 : index
    %get3A_15 = vector.load %arg3[%get3A_11, %get3A_12, %get3A_13, %get3A_14] : memref<32x1x2x128xi32, #tpu.memory_space<vmem>>, vector<32x1x1x128xi32>
    %get3A_16 = vector.shape_cast %get3A_15 : vector<32x1x1x128xi32> to vector<32x128xi32>
    %get3A_17 = arith.constant 0 : index
    %get3A_18 = arith.constant 0 : index
    %get3A_19 = arith.constant 1 : index
    %get3A_20 = arith.constant 0 : index
    %get3A_21 = vector.load %arg3[%get3A_17, %get3A_18, %get3A_19, %get3A_20] : memref<32x1x2x128xi32, #tpu.memory_space<vmem>>, vector<32x1x1x128xi32>
    %get3A_22 = vector.shape_cast %get3A_21 : vector<32x1x1x128xi32> to vector<32x128xi32>
    %gt3A = arith.cmpf ogt, %get3A_4, %get3A_10 : vector<32x128xf32>
    %eq3A = arith.cmpf oeq, %get3A_4, %get3A_10 : vector<32x128xf32>
    %lt3A = arith.cmpi slt, %get3A_16, %get3A_22 : vector<32x128xi32>
    %and3A = arith.andi %eq3A, %lt3A : vector<32x128xi1>
    %or3A = arith.ori %gt3A, %and3A : vector<32x128xi1>
    %select_n3A = arith.select %or3A, %get3A_4, %get3A_10 : vector<32x128xi1>, vector<32x128xf32>
    %select_n3A_23 = arith.select %or3A, %get3A_16, %get3A_22 : vector<32x128xi1>, vector<32x128xi32>
    %iota3A = tpu.iota {dimensions = array<i32: 1>} : vector<32x128xi32>
    %and3A_24 = arith.constant 0 : i32
    %and3A_25 = vector.broadcast %and3A_24 : i32 to vector<32x128xi32>
    %and3A_26 = arith.andi %iota3A, %and3A_25 : vector<32x128xi32>
    %and3A_27 = arith.constant 1 : i32
    %and3A_28 = arith.andi %arg1, %and3A_27 : i32
    %add3A = vector.broadcast %and3A_28 : i32 to vector<32x128xi32>
    %add3A_29 = arith.addi %and3A_26, %add3A : vector<32x128xi32>
    %eq3A_30 = arith.constant 0 : i32
    %eq3A_31 = vector.broadcast %eq3A_30 : i32 to vector<32x128xi32>
    %eq3A_32 = arith.cmpi eq, %add3A_29, %eq3A_31 : vector<32x128xi32>
    %iota3A_33 = tpu.iota {dimensions = array<i32: 1>} : vector<32x128xi32>
    %and3A_34 = arith.constant 64 : i32
    %and3A_35 = vector.broadcast %and3A_34 : i32 to vector<32x128xi32>
    %and3A_36 = arith.andi %iota3A_33, %and3A_35 : vector<32x128xi32>
    %eq3A_37 = arith.constant 0 : i32
    %eq3A_38 = vector.broadcast %eq3A_37 : i32 to vector<32x128xi32>
    %eq3A_39 = arith.cmpi eq, %and3A_36, %eq3A_38 : vector<32x128xi32>
    %sub3A = arith.constant 128 : i32
    %sub3A_40 = arith.constant 64 : i32
    %sub3A_41 = arith.subi %sub3A, %sub3A_40 : i32
    %roll3A = tpu.dynamic_rotate %select_n3A by %sub3A_41 dim 1 : vector<32x128xf32>, i32 -> vector<32x128xf32>
    %roll3A_42 = arith.constant 64 : i32
    %roll3A_43 = tpu.dynamic_rotate %select_n3A by %roll3A_42 dim 1 : vector<32x128xf32>, i32 -> vector<32x128xf32>
    %select_n3A_44 = arith.select %eq3A_39, %roll3A, %roll3A_43 : vector<32x128xi1>, vector<32x128xf32>
    %sub3A_45 = arith.constant 128 : i32
    %sub3A_46 = arith.constant 64 : i32
    %sub3A_47 = arith.subi %sub3A_45, %sub3A_46 : i32
    %roll3A_48 = tpu.dynamic_rotate %select_n3A_23 by %sub3A_47 dim 1 : vector<32x128xi32>, i32 -> vector<32x128xi32>
    %roll3A_49 = arith.constant 64 : i32
    %roll3A_50 = tpu.dynamic_rotate %select_n3A_23 by %roll3A_49 dim 1 : vector<32x128xi32>, i32 -> vector<32x128xi32>
    %select_n3A_51 = arith.select %eq3A_39, %roll3A_48, %roll3A_50 : vector<32x128xi1>, vector<32x128xi32>
    %gt3A_52 = arith.cmpf ogt, %select_n3A, %select_n3A_44 : vector<32x128xf32>
    %eq3A_53 = arith.cmpf oeq, %select_n3A, %select_n3A_44 : vector<32x128xf32>
    %lt3A_54 = arith.cmpi slt, %select_n3A_23, %select_n3A_51 : vector<32x128xi32>
    %and3A_55 = arith.andi %eq3A_53, %lt3A_54 : vector<32x128xi1>
    %or3A_56 = arith.ori %gt3A_52, %and3A_55 : vector<32x128xi1>
    %xor3A = arith.xori %or3A_56, %eq3A_39 : vector<32x128xi1>
    %xor3A_57 = arith.xori %xor3A, %eq3A_32 : vector<32x128xi1>
    %select_n3A_58 = arith.select %xor3A_57, %select_n3A, %select_n3A_44 : vector<32x128xi1>, vector<32x128xf32>
    %select_n3A_59 = arith.select %xor3A_57, %select_n3A_23, %select_n3A_51 : vector<32x128xi1>, vector<32x128xi32>
    %iota3A_60 = tpu.iota {dimensions = array<i32: 1>} : vector<32x128xi32>
    %and3A_61 = arith.constant 32 : i32
    %and3A_62 = vector.broadcast %and3A_61 : i32 to vector<32x128xi32>
    %and3A_63 = arith.andi %iota3A_60, %and3A_62 : vector<32x128xi32>
    %eq3A_64 = arith.constant 0 : i32
    %eq3A_65 = vector.broadcast %eq3A_64 : i32 to vector<32x128xi32>
    %eq3A_66 = arith.cmpi eq, %and3A_63, %eq3A_65 : vector<32x128xi32>
    %sub3A_67 = arith.constant 128 : i32
    %sub3A_68 = arith.constant 32 : i32
    %sub3A_69 = arith.subi %sub3A_67, %sub3A_68 : i32
    %roll3A_70 = tpu.dynamic_rotate %select_n3A_58 by %sub3A_69 dim 1 : vector<32x128xf32>, i32 -> vector<32x128xf32>
    %roll3A_71 = arith.constant 32 : i32
    %roll3A_72 = tpu.dynamic_rotate %select_n3A_58 by %roll3A_71 dim 1 : vector<32x128xf32>, i32 -> vector<32x128xf32>
    %select_n3A_73 = arith.select %eq3A_66, %roll3A_70, %roll3A_72 : vector<32x128xi1>, vector<32x128xf32>
    %sub3A_74 = arith.constant 128 : i32
    %sub3A_75 = arith.constant 32 : i32
    %sub3A_76 = arith.subi %sub3A_74, %sub3A_75 : i32
    %roll3A_77 = tpu.dynamic_rotate %select_n3A_59 by %sub3A_76 dim 1 : vector<32x128xi32>, i32 -> vector<32x128xi32>
    %roll3A_78 = arith.constant 32 : i32
    %roll3A_79 = tpu.dynamic_rotate %select_n3A_59 by %roll3A_78 dim 1 : vector<32x128xi32>, i32 -> vector<32x128xi32>
    %select_n3A_80 = arith.select %eq3A_66, %roll3A_77, %roll3A_79 : vector<32x128xi1>, vector<32x128xi32>
    %gt3A_81 = arith.cmpf ogt, %select_n3A_58, %select_n3A_73 : vector<32x128xf32>
    %eq3A_82 = arith.cmpf oeq, %select_n3A_58, %select_n3A_73 : vector<32x128xf32>
    %lt3A_83 = arith.cmpi slt, %select_n3A_59, %select_n3A_80 : vector<32x128xi32>
    %and3A_84 = arith.andi %eq3A_82, %lt3A_83 : vector<32x128xi1>
    %or3A_85 = arith.ori %gt3A_81, %and3A_84 : vector<32x128xi1>
    %xor3A_86 = arith.xori %or3A_85, %eq3A_66 : vector<32x128xi1>
    %xor3A_87 = arith.xori %xor3A_86, %eq3A_32 : vector<32x128xi1>
    %select_n3A_88 = arith.select %xor3A_87, %select_n3A_58, %select_n3A_73 : vector<32x128xi1>, vector<32x128xf32>
    %select_n3A_89 = arith.select %xor3A_87, %select_n3A_59, %select_n3A_80 : vector<32x128xi1>, vector<32x128xi32>
    %iota3A_90 = tpu.iota {dimensions = array<i32: 1>} : vector<32x128xi32>
    %and3A_91 = arith.constant 16 : i32
    %and3A_92 = vector.broadcast %and3A_91 : i32 to vector<32x128xi32>
    %and3A_93 = arith.andi %iota3A_90, %and3A_92 : vector<32x128xi32>
    %eq3A_94 = arith.constant 0 : i32
    %eq3A_95 = vector.broadcast %eq3A_94 : i32 to vector<32x128xi32>
    %eq3A_96 = arith.cmpi eq, %and3A_93, %eq3A_95 : vector<32x128xi32>
    %sub3A_97 = arith.constant 128 : i32
    %sub3A_98 = arith.constant 16 : i32
    %sub3A_99 = arith.subi %sub3A_97, %sub3A_98 : i32
    %roll3A_100 = tpu.dynamic_rotate %select_n3A_88 by %sub3A_99 dim 1 : vector<32x128xf32>, i32 -> vector<32x128xf32>
    %roll3A_101 = arith.constant 16 : i32
    %roll3A_102 = tpu.dynamic_rotate %select_n3A_88 by %roll3A_101 dim 1 : vector<32x128xf32>, i32 -> vector<32x128xf32>
    %select_n3A_103 = arith.select %eq3A_96, %roll3A_100, %roll3A_102 : vector<32x128xi1>, vector<32x128xf32>
    %sub3A_104 = arith.constant 128 : i32
    %sub3A_105 = arith.constant 16 : i32
    %sub3A_106 = arith.subi %sub3A_104, %sub3A_105 : i32
    %roll3A_107 = tpu.dynamic_rotate %select_n3A_89 by %sub3A_106 dim 1 : vector<32x128xi32>, i32 -> vector<32x128xi32>
    %roll3A_108 = arith.constant 16 : i32
    %roll3A_109 = tpu.dynamic_rotate %select_n3A_89 by %roll3A_108 dim 1 : vector<32x128xi32>, i32 -> vector<32x128xi32>
    %select_n3A_110 = arith.select %eq3A_96, %roll3A_107, %roll3A_109 : vector<32x128xi1>, vector<32x128xi32>
    %gt3A_111 = arith.cmpf ogt, %select_n3A_88, %select_n3A_103 : vector<32x128xf32>
    %eq3A_112 = arith.cmpf oeq, %select_n3A_88, %select_n3A_103 : vector<32x128xf32>
    %lt3A_113 = arith.cmpi slt, %select_n3A_89, %select_n3A_110 : vector<32x128xi32>
    %and3A_114 = arith.andi %eq3A_112, %lt3A_113 : vector<32x128xi1>
    %or3A_115 = arith.ori %gt3A_111, %and3A_114 : vector<32x128xi1>
    %xor3A_116 = arith.xori %or3A_115, %eq3A_96 : vector<32x128xi1>
    %xor3A_117 = arith.xori %xor3A_116, %eq3A_32 : vector<32x128xi1>
    %select_n3A_118 = arith.select %xor3A_117, %select_n3A_88, %select_n3A_103 : vector<32x128xi1>, vector<32x128xf32>
    %select_n3A_119 = arith.select %xor3A_117, %select_n3A_89, %select_n3A_110 : vector<32x128xi1>, vector<32x128xi32>
    %iota3A_120 = tpu.iota {dimensions = array<i32: 1>} : vector<32x128xi32>
    %and3A_121 = arith.constant 8 : i32
    %and3A_122 = vector.broadcast %and3A_121 : i32 to vector<32x128xi32>
    %and3A_123 = arith.andi %iota3A_120, %and3A_122 : vector<32x128xi32>
    %eq3A_124 = arith.constant 0 : i32
    %eq3A_125 = vector.broadcast %eq3A_124 : i32 to vector<32x128xi32>
    %eq3A_126 = arith.cmpi eq, %and3A_123, %eq3A_125 : vector<32x128xi32>
    %sub3A_127 = arith.constant 128 : i32
    %sub3A_128 = arith.constant 8 : i32
    %sub3A_129 = arith.subi %sub3A_127, %sub3A_128 : i32
    %roll3A_130 = tpu.dynamic_rotate %select_n3A_118 by %sub3A_129 dim 1 : vector<32x128xf32>, i32 -> vector<32x128xf32>
    %roll3A_131 = arith.constant 8 : i32
    %roll3A_132 = tpu.dynamic_rotate %select_n3A_118 by %roll3A_131 dim 1 : vector<32x128xf32>, i32 -> vector<32x128xf32>
    %select_n3A_133 = arith.select %eq3A_126, %roll3A_130, %roll3A_132 : vector<32x128xi1>, vector<32x128xf32>
    %sub3A_134 = arith.constant 128 : i32
    %sub3A_135 = arith.constant 8 : i32
    %sub3A_136 = arith.subi %sub3A_134, %sub3A_135 : i32
    %roll3A_137 = tpu.dynamic_rotate %select_n3A_119 by %sub3A_136 dim 1 : vector<32x128xi32>, i32 -> vector<32x128xi32>
    %roll3A_138 = arith.constant 8 : i32
    %roll3A_139 = tpu.dynamic_rotate %select_n3A_119 by %roll3A_138 dim 1 : vector<32x128xi32>, i32 -> vector<32x128xi32>
    %select_n3A_140 = arith.select %eq3A_126, %roll3A_137, %roll3A_139 : vector<32x128xi1>, vector<32x128xi32>
    %gt3A_141 = arith.cmpf ogt, %select_n3A_118, %select_n3A_133 : vector<32x128xf32>
    %eq3A_142 = arith.cmpf oeq, %select_n3A_118, %select_n3A_133 : vector<32x128xf32>
    %lt3A_143 = arith.cmpi slt, %select_n3A_119, %select_n3A_140 : vector<32x128xi32>
    %and3A_144 = arith.andi %eq3A_142, %lt3A_143 : vector<32x128xi1>
    %or3A_145 = arith.ori %gt3A_141, %and3A_144 : vector<32x128xi1>
    %xor3A_146 = arith.xori %or3A_145, %eq3A_126 : vector<32x128xi1>
    %xor3A_147 = arith.xori %xor3A_146, %eq3A_32 : vector<32x128xi1>
    %select_n3A_148 = arith.select %xor3A_147, %select_n3A_118, %select_n3A_133 : vector<32x128xi1>, vector<32x128xf32>
    %select_n3A_149 = arith.select %xor3A_147, %select_n3A_119, %select_n3A_140 : vector<32x128xi1>, vector<32x128xi32>
    %iota3A_150 = tpu.iota {dimensions = array<i32: 1>} : vector<32x128xi32>
    %and3A_151 = arith.constant 4 : i32
    %and3A_152 = vector.broadcast %and3A_151 : i32 to vector<32x128xi32>
    %and3A_153 = arith.andi %iota3A_150, %and3A_152 : vector<32x128xi32>
    %eq3A_154 = arith.constant 0 : i32
    %eq3A_155 = vector.broadcast %eq3A_154 : i32 to vector<32x128xi32>
    %eq3A_156 = arith.cmpi eq, %and3A_153, %eq3A_155 : vector<32x128xi32>
    %sub3A_157 = arith.constant 128 : i32
    %sub3A_158 = arith.constant 4 : i32
    %sub3A_159 = arith.subi %sub3A_157, %sub3A_158 : i32
    %roll3A_160 = tpu.dynamic_rotate %select_n3A_148 by %sub3A_159 dim 1 : vector<32x128xf32>, i32 -> vector<32x128xf32>
    %roll3A_161 = arith.constant 4 : i32
    %roll3A_162 = tpu.dynamic_rotate %select_n3A_148 by %roll3A_161 dim 1 : vector<32x128xf32>, i32 -> vector<32x128xf32>
    %select_n3A_163 = arith.select %eq3A_156, %roll3A_160, %roll3A_162 : vector<32x128xi1>, vector<32x128xf32>
    %sub3A_164 = arith.constant 128 : i32
    %sub3A_165 = arith.constant 4 : i32
    %sub3A_166 = arith.subi %sub3A_164, %sub3A_165 : i32
    %roll3A_167 = tpu.dynamic_rotate %select_n3A_149 by %sub3A_166 dim 1 : vector<32x128xi32>, i32 -> vector<32x128xi32>
    %roll3A_168 = arith.constant 4 : i32
    %roll3A_169 = tpu.dynamic_rotate %select_n3A_149 by %roll3A_168 dim 1 : vector<32x128xi32>, i32 -> vector<32x128xi32>
    %select_n3A_170 = arith.select %eq3A_156, %roll3A_167, %roll3A_169 : vector<32x128xi1>, vector<32x128xi32>
    %gt3A_171 = arith.cmpf ogt, %select_n3A_148, %select_n3A_163 : vector<32x128xf32>
    %eq3A_172 = arith.cmpf oeq, %select_n3A_148, %select_n3A_163 : vector<32x128xf32>
    %lt3A_173 = arith.cmpi slt, %select_n3A_149, %select_n3A_170 : vector<32x128xi32>
    %and3A_174 = arith.andi %eq3A_172, %lt3A_173 : vector<32x128xi1>
    %or3A_175 = arith.ori %gt3A_171, %and3A_174 : vector<32x128xi1>
    %xor3A_176 = arith.xori %or3A_175, %eq3A_156 : vector<32x128xi1>
    %xor3A_177 = arith.xori %xor3A_176, %eq3A_32 : vector<32x128xi1>
    %select_n3A_178 = arith.select %xor3A_177, %select_n3A_148, %select_n3A_163 : vector<32x128xi1>, vector<32x128xf32>
    %select_n3A_179 = arith.select %xor3A_177, %select_n3A_149, %select_n3A_170 : vector<32x128xi1>, vector<32x128xi32>
    %iota3A_180 = tpu.iota {dimensions = array<i32: 1>} : vector<32x128xi32>
    %and3A_181 = arith.constant 2 : i32
    %and3A_182 = vector.broadcast %and3A_181 : i32 to vector<32x128xi32>
    %and3A_183 = arith.andi %iota3A_180, %and3A_182 : vector<32x128xi32>
    %eq3A_184 = arith.constant 0 : i32
    %eq3A_185 = vector.broadcast %eq3A_184 : i32 to vector<32x128xi32>
    %eq3A_186 = arith.cmpi eq, %and3A_183, %eq3A_185 : vector<32x128xi32>
    %sub3A_187 = arith.constant 128 : i32
    %sub3A_188 = arith.constant 2 : i32
    %sub3A_189 = arith.subi %sub3A_187, %sub3A_188 : i32
    %roll3A_190 = tpu.dynamic_rotate %select_n3A_178 by %sub3A_189 dim 1 : vector<32x128xf32>, i32 -> vector<32x128xf32>
    %roll3A_191 = arith.constant 2 : i32
    %roll3A_192 = tpu.dynamic_rotate %select_n3A_178 by %roll3A_191 dim 1 : vector<32x128xf32>, i32 -> vector<32x128xf32>
    %select_n3A_193 = arith.select %eq3A_186, %roll3A_190, %roll3A_192 : vector<32x128xi1>, vector<32x128xf32>
    %sub3A_194 = arith.constant 128 : i32
    %sub3A_195 = arith.constant 2 : i32
    %sub3A_196 = arith.subi %sub3A_194, %sub3A_195 : i32
    %roll3A_197 = tpu.dynamic_rotate %select_n3A_179 by %sub3A_196 dim 1 : vector<32x128xi32>, i32 -> vector<32x128xi32>
    %roll3A_198 = arith.constant 2 : i32
    %roll3A_199 = tpu.dynamic_rotate %select_n3A_179 by %roll3A_198 dim 1 : vector<32x128xi32>, i32 -> vector<32x128xi32>
    %select_n3A_200 = arith.select %eq3A_186, %roll3A_197, %roll3A_199 : vector<32x128xi1>, vector<32x128xi32>
    %gt3A_201 = arith.cmpf ogt, %select_n3A_178, %select_n3A_193 : vector<32x128xf32>
    %eq3A_202 = arith.cmpf oeq, %select_n3A_178, %select_n3A_193 : vector<32x128xf32>
    %lt3A_203 = arith.cmpi slt, %select_n3A_179, %select_n3A_200 : vector<32x128xi32>
    %and3A_204 = arith.andi %eq3A_202, %lt3A_203 : vector<32x128xi1>
    %or3A_205 = arith.ori %gt3A_201, %and3A_204 : vector<32x128xi1>
    %xor3A_206 = arith.xori %or3A_205, %eq3A_186 : vector<32x128xi1>
    %xor3A_207 = arith.xori %xor3A_206, %eq3A_32 : vector<32x128xi1>
    %select_n3A_208 = arith.select %xor3A_207, %select_n3A_178, %select_n3A_193 : vector<32x128xi1>, vector<32x128xf32>
    %select_n3A_209 = arith.select %xor3A_207, %select_n3A_179, %select_n3A_200 : vector<32x128xi1>, vector<32x128xi32>
    %iota3A_210 = tpu.iota {dimensions = array<i32: 1>} : vector<32x128xi32>
    %and3A_211 = arith.constant 1 : i32
    %and3A_212 = vector.broadcast %and3A_211 : i32 to vector<32x128xi32>
    %and3A_213 = arith.andi %iota3A_210, %and3A_212 : vector<32x128xi32>
    %eq3A_214 = arith.constant 0 : i32
    %eq3A_215 = vector.broadcast %eq3A_214 : i32 to vector<32x128xi32>
    %eq3A_216 = arith.cmpi eq, %and3A_213, %eq3A_215 : vector<32x128xi32>
    %sub3A_217 = arith.constant 128 : i32
    %sub3A_218 = arith.constant 1 : i32
    %sub3A_219 = arith.subi %sub3A_217, %sub3A_218 : i32
    %roll3A_220 = tpu.dynamic_rotate %select_n3A_208 by %sub3A_219 dim 1 : vector<32x128xf32>, i32 -> vector<32x128xf32>
    %roll3A_221 = arith.constant 1 : i32
    %roll3A_222 = tpu.dynamic_rotate %select_n3A_208 by %roll3A_221 dim 1 : vector<32x128xf32>, i32 -> vector<32x128xf32>
    %select_n3A_223 = arith.select %eq3A_216, %roll3A_220, %roll3A_222 : vector<32x128xi1>, vector<32x128xf32>
    %sub3A_224 = arith.constant 128 : i32
    %sub3A_225 = arith.constant 1 : i32
    %sub3A_226 = arith.subi %sub3A_224, %sub3A_225 : i32
    %roll3A_227 = tpu.dynamic_rotate %select_n3A_209 by %sub3A_226 dim 1 : vector<32x128xi32>, i32 -> vector<32x128xi32>
    %roll3A_228 = arith.constant 1 : i32
    %roll3A_229 = tpu.dynamic_rotate %select_n3A_209 by %roll3A_228 dim 1 : vector<32x128xi32>, i32 -> vector<32x128xi32>
    %select_n3A_230 = arith.select %eq3A_216, %roll3A_227, %roll3A_229 : vector<32x128xi1>, vector<32x128xi32>
    %gt3A_231 = arith.cmpf ogt, %select_n3A_208, %select_n3A_223 : vector<32x128xf32>
    %eq3A_232 = arith.cmpf oeq, %select_n3A_208, %select_n3A_223 : vector<32x128xf32>
    %lt3A_233 = arith.cmpi slt, %select_n3A_209, %select_n3A_230 : vector<32x128xi32>
    %and3A_234 = arith.andi %eq3A_232, %lt3A_233 : vector<32x128xi1>
    %or3A_235 = arith.ori %gt3A_231, %and3A_234 : vector<32x128xi1>
    %xor3A_236 = arith.xori %or3A_235, %eq3A_216 : vector<32x128xi1>
    %xor3A_237 = arith.xori %xor3A_236, %eq3A_32 : vector<32x128xi1>
    %select_n3A_238 = arith.select %xor3A_237, %select_n3A_208, %select_n3A_223 : vector<32x128xi1>, vector<32x128xf32>
    %select_n3A_239 = arith.select %xor3A_237, %select_n3A_209, %select_n3A_230 : vector<32x128xi1>, vector<32x128xi32>
    %swap3A = arith.constant 0 : index
    %swap3A_240 = arith.constant 0 : index
    %swap3A_241 = arith.constant 0 : index
    %swap3A_242 = arith.constant 0 : index
    %swap3A_243 = vector.load %arg4[%swap3A, %swap3A_240, %swap3A_241, %swap3A_242] : memref<32x1x1x128xf32, #tpu.memory_space<vmem>>, vector<32x1x1x128xf32>
    %swap3A_244 = vector.shape_cast %swap3A_243 : vector<32x1x1x128xf32> to vector<32x128xf32>
    %swap3A_245 = vector.shape_cast %select_n3A_238 : vector<32x128xf32> to vector<32x1x1x128xf32>
    tpu.vector_store %arg4[%swap3A, %swap3A_240, %swap3A_241, %swap3A_242], %swap3A_245 {strides = array<i32>} : memref<32x1x1x128xf32, #tpu.memory_space<vmem>>, vector<32x1x1x128xf32>,
    %swap3A_246 = arith.constant 0 : index
    %swap3A_247 = arith.constant 0 : index
    %swap3A_248 = arith.constant 0 : index
    %swap3A_249 = arith.constant 0 : index
    %swap3A_250 = vector.load %arg5[%swap3A_246, %swap3A_247, %swap3A_248, %swap3A_249] : memref<32x1x1x128xi32, #tpu.memory_space<vmem>>, vector<32x1x1x128xi32>
    %swap3A_251 = vector.shape_cast %swap3A_250 : vector<32x1x1x128xi32> to vector<32x128xi32>
    %swap3A_252 = vector.shape_cast %select_n3A_239 : vector<32x128xi32> to vector<32x1x1x128xi32>
    tpu.vector_store %arg5[%swap3A_246, %swap3A_247, %swap3A_248, %swap3A_249], %swap3A_252 {strides = array<i32>} : memref<32x1x1x128xi32, #tpu.memory_space<vmem>>, vector<32x1x1x128xi32>,
    return
  }
  func.func @transform_0(%arg0: i32, %arg1: i32) -> (i32, i32, i32, i32) {
    %c0_i32 = arith.constant 0 : i32
    %c0_i32_0 = arith.constant 0 : i32
    %c0_i32_1 = arith.constant 0 : i32
    return %arg0, %arg1, %c0_i32, %c0_i32_0 : i32, i32, i32, i32
  }
  func.func @transform_1(%arg0: i32, %arg1: i32) -> (i32, i32, i32, i32) {
    %c0_i32 = arith.constant 0 : i32
    %c0_i32_0 = arith.constant 0 : i32
    %c0_i32_1 = arith.constant 0 : i32
    return %arg0, %arg1, %c0_i32, %c0_i32_0 : i32, i32, i32, i32
  }
  func.func @transform_2(%arg0: i32, %arg1: i32) -> (i32, i32, i32, i32) {
    %c0_i32 = arith.constant 0 : i32
    %c0_i32_0 = arith.constant 0 : i32
    %c0_i32_1 = arith.constant 0 : i32
    return %arg0, %arg1, %c0_i32, %c0_i32_0 : i32, i32, i32, i32
  }
  func.func @transform_3(%arg0: i32, %arg1: i32) -> (i32, i32, i32, i32) {
    %c0_i32 = arith.constant 0 : i32
    %c0_i32_0 = arith.constant 0 : i32
    %c0_i32_1 = arith.constant 0 : i32
    return %arg0, %arg1, %c0_i32, %c0_i32_0 : i32, i32, i32, i32
  }
}

module attributes {stable_mosaic.version = 14 : i64} {
  func.func @_sort_body(%arg0: i32, %arg1: memref<16x16384xf32, #tpu.memory_space<vmem>>, %arg2: memref<16x16384xi32, #tpu.memory_space<vmem>>, %arg3: memref<16x128x128xf32, #tpu.memory_space<vmem>>, %arg4: memref<16x128x128xi32, #tpu.memory_space<vmem>>) attributes {dimension_semantics = [#tpu.dimension_semantics<arbitrary>], iteration_bounds = array<i64: 64>, scalar_prefetch = 0 : i64, scratch_operands = 0 : i64, tpu.core_type = #tpu.core_type<tc>, window_params = [{transform_indices = @transform_0, window_bounds = array<i64: 16, 16384>}, {transform_indices = @transform_1, window_bounds = array<i64: 16, 16384>}, {transform_indices = @transform_2, window_bounds = array<i64: 16, 128, 128>}, {transform_indices = @transform_3, window_bounds = array<i64: 16, 128, 128>}]} {
    %get3A = arith.constant 0 : index
    %get3A_0 = arith.constant 0 : index
    %get3A_1 = vector.load %arg1[%get3A, %get3A_0] : memref<16x16384xf32, #tpu.memory_space<vmem>>, vector<16x16384xf32>
    %reshape3A = vector.shape_cast %get3A_1 : vector<16x16384xf32> to vector<16x128x128xf32>
    %get3A_2 = arith.constant 0 : index
    %get3A_3 = arith.constant 0 : index
    %get3A_4 = vector.load %arg2[%get3A_2, %get3A_3] : memref<16x16384xi32, #tpu.memory_space<vmem>>, vector<16x16384xi32>
    %reshape3A_5 = vector.shape_cast %get3A_4 : vector<16x16384xi32> to vector<16x128x128xi32>
    %iota3A = tpu.iota {dimensions = array<i32: 1>} : vector<16x128x128xi32>
    %iota3A_6 = tpu.iota {dimensions = array<i32: 2>} : vector<16x128x128xi32>
    %mul3A = arith.constant 128 : i32
    %mul3A_7 = vector.broadcast %mul3A : i32 to vector<16x128x128xi32>
    %mul3A_8 = arith.muli %iota3A, %mul3A_7 : vector<16x128x128xi32>
    %add3A = arith.addi %mul3A_8, %iota3A_6 : vector<16x128x128xi32>
    %shift_right_arithmetic3A = arith.constant 1 : i32
    %shift_right_arithmetic3A_9 = vector.broadcast %shift_right_arithmetic3A : i32 to vector<16x128x128xi32>
    %shift_right_arithmetic3A_10 = arith.shrsi %add3A, %shift_right_arithmetic3A_9 : vector<16x128x128xi32>
    %and3A = arith.constant 1 : i32
    %and3A_11 = vector.broadcast %and3A : i32 to vector<16x128x128xi32>
    %and3A_12 = arith.andi %shift_right_arithmetic3A_10, %and3A_11 : vector<16x128x128xi32>
    %eq3A = arith.constant 0 : i32
    %eq3A_13 = vector.broadcast %eq3A : i32 to vector<16x128x128xi32>
    %eq3A_14 = arith.cmpi eq, %and3A_12, %eq3A_13 : vector<16x128x128xi32>
    %scan3A = arith.constant 0 : i32
    %sub3A = arith.constant 0 : i32
    %sub3A_15 = arith.subi %sub3A, %scan3A : i32
    %shift_left3A = arith.constant 1 : i32
    %shift_left3A_16 = arith.shli %shift_left3A, %sub3A_15 : i32
    %iota3A_17 = tpu.iota {dimensions = array<i32: 2>} : vector<16x128x128xi32>
    %and3A_18 = vector.broadcast %shift_left3A_16 : i32 to vector<16x128x128xi32>
    %and3A_19 = arith.andi %iota3A_17, %and3A_18 : vector<16x128x128xi32>
    %eq3A_20 = arith.constant 0 : i32
    %eq3A_21 = vector.broadcast %eq3A_20 : i32 to vector<16x128x128xi32>
    %eq3A_22 = arith.cmpi eq, %and3A_19, %eq3A_21 : vector<16x128x128xi32>
    %sub3A_23 = arith.constant 128 : i32
    %sub3A_24 = arith.subi %sub3A_23, %shift_left3A_16 : i32
    %roll3A = tpu.dynamic_rotate %reshape3A by %sub3A_24 dim 2 : vector<16x128x128xf32>, i32 -> vector<16x128x128xf32>
    %roll3A_25 = tpu.dynamic_rotate %reshape3A by %shift_left3A_16 dim 2 : vector<16x128x128xf32>, i32 -> vector<16x128x128xf32>
    %select_n3A = arith.select %eq3A_22, %roll3A, %roll3A_25 : vector<16x128x128xi1>, vector<16x128x128xf32>
    %sub3A_26 = arith.constant 128 : i32
    %sub3A_27 = arith.subi %sub3A_26, %shift_left3A_16 : i32
    %roll3A_28 = tpu.dynamic_rotate %reshape3A_5 by %sub3A_27 dim 2 : vector<16x128x128xi32>, i32 -> vector<16x128x128xi32>
    %roll3A_29 = tpu.dynamic_rotate %reshape3A_5 by %shift_left3A_16 dim 2 : vector<16x128x128xi32>, i32 -> vector<16x128x128xi32>
    %select_n3A_30 = arith.select %eq3A_22, %roll3A_28, %roll3A_29 : vector<16x128x128xi1>, vector<16x128x128xi32>
    %gt3A = arith.cmpf ogt, %reshape3A, %select_n3A : vector<16x128x128xf32>
    %eq3A_31 = arith.cmpf oeq, %reshape3A, %select_n3A : vector<16x128x128xf32>
    %lt3A = arith.cmpi slt, %reshape3A_5, %select_n3A_30 : vector<16x128x128xi32>
    %and3A_32 = arith.andi %eq3A_31, %lt3A : vector<16x128x128xi1>
    %or3A = arith.ori %gt3A, %and3A_32 : vector<16x128x128xi1>
    %xor3A = arith.xori %or3A, %eq3A_22 : vector<16x128x128xi1>
    %xor3A_33 = arith.xori %xor3A, %eq3A_14 : vector<16x128x128xi1>
    %select_n3A_34 = arith.select %xor3A_33, %reshape3A, %select_n3A : vector<16x128x128xi1>, vector<16x128x128xf32>
    %select_n3A_35 = arith.select %xor3A_33, %reshape3A_5, %select_n3A_30 : vector<16x128x128xi1>, vector<16x128x128xi32>
    %scan3A_36 = arith.constant 1 : i32
    %shift_right_arithmetic3A_37 = arith.constant 2 : i32
    %shift_right_arithmetic3A_38 = vector.broadcast %shift_right_arithmetic3A_37 : i32 to vector<16x128x128xi32>
    %shift_right_arithmetic3A_39 = arith.shrsi %add3A, %shift_right_arithmetic3A_38 : vector<16x128x128xi32>
    %and3A_40 = arith.constant 1 : i32
    %and3A_41 = vector.broadcast %and3A_40 : i32 to vector<16x128x128xi32>
    %and3A_42 = arith.andi %shift_right_arithmetic3A_39, %and3A_41 : vector<16x128x128xi32>
    %eq3A_43 = arith.constant 0 : i32
    %eq3A_44 = vector.broadcast %eq3A_43 : i32 to vector<16x128x128xi32>
    %eq3A_45 = arith.cmpi eq, %and3A_42, %eq3A_44 : vector<16x128x128xi32>
    %scan3A_46 = arith.constant 0 : i32
    %scan3A_47 = arith.constant 2 : i32
    %scan3A_48 = arith.addi %scan3A_46, %scan3A_47 : i32
    %scan3A_49 = arith.constant 1 : i32
    %scan3A_50:2 = scf.for %scan3A_134 = %scan3A_46 to %scan3A_48 step %scan3A_49 iter_args(%scan3A_135 = %select_n3A_34, %scan3A_136 = %select_n3A_35) -> (vector<16x128x128xf32>, vector<16x128x128xi32>)  : i32 {
      %sub3A_137 = arith.constant 1 : i32
      %sub3A_138 = arith.subi %sub3A_137, %scan3A_134 : i32
      %shift_left3A_139 = arith.constant 1 : i32
      %shift_left3A_140 = arith.shli %shift_left3A_139, %sub3A_138 : i32
      %iota3A_141 = tpu.iota {dimensions = array<i32: 2>} : vector<16x128x128xi32>
      %and3A_142 = vector.broadcast %shift_left3A_140 : i32 to vector<16x128x128xi32>
      %and3A_143 = arith.andi %iota3A_141, %and3A_142 : vector<16x128x128xi32>
      %eq3A_144 = arith.constant 0 : i32
      %eq3A_145 = vector.broadcast %eq3A_144 : i32 to vector<16x128x128xi32>
      %eq3A_146 = arith.cmpi eq, %and3A_143, %eq3A_145 : vector<16x128x128xi32>
      %sub3A_147 = arith.constant 128 : i32
      %sub3A_148 = arith.subi %sub3A_147, %shift_left3A_140 : i32
      %roll3A_149 = tpu.dynamic_rotate %scan3A_135 by %sub3A_148 dim 2 : vector<16x128x128xf32>, i32 -> vector<16x128x128xf32>
      %roll3A_150 = tpu.dynamic_rotate %scan3A_135 by %shift_left3A_140 dim 2 : vector<16x128x128xf32>, i32 -> vector<16x128x128xf32>
      %select_n3A_151 = arith.select %eq3A_146, %roll3A_149, %roll3A_150 : vector<16x128x128xi1>, vector<16x128x128xf32>
      %sub3A_152 = arith.constant 128 : i32
      %sub3A_153 = arith.subi %sub3A_152, %shift_left3A_140 : i32
      %roll3A_154 = tpu.dynamic_rotate %scan3A_136 by %sub3A_153 dim 2 : vector<16x128x128xi32>, i32 -> vector<16x128x128xi32>
      %roll3A_155 = tpu.dynamic_rotate %scan3A_136 by %shift_left3A_140 dim 2 : vector<16x128x128xi32>, i32 -> vector<16x128x128xi32>
      %select_n3A_156 = arith.select %eq3A_146, %roll3A_154, %roll3A_155 : vector<16x128x128xi1>, vector<16x128x128xi32>
      %gt3A_157 = arith.cmpf ogt, %scan3A_135, %select_n3A_151 : vector<16x128x128xf32>
      %eq3A_158 = arith.cmpf oeq, %scan3A_135, %select_n3A_151 : vector<16x128x128xf32>
      %lt3A_159 = arith.cmpi slt, %scan3A_136, %select_n3A_156 : vector<16x128x128xi32>
      %and3A_160 = arith.andi %eq3A_158, %lt3A_159 : vector<16x128x128xi1>
      %or3A_161 = arith.ori %gt3A_157, %and3A_160 : vector<16x128x128xi1>
      %xor3A_162 = arith.xori %or3A_161, %eq3A_146 : vector<16x128x128xi1>
      %xor3A_163 = arith.xori %xor3A_162, %eq3A_45 : vector<16x128x128xi1>
      %select_n3A_164 = arith.select %xor3A_163, %scan3A_135, %select_n3A_151 : vector<16x128x128xi1>, vector<16x128x128xf32>
      %select_n3A_165 = arith.select %xor3A_163, %scan3A_136, %select_n3A_156 : vector<16x128x128xi1>, vector<16x128x128xi32>
      scf.yield %select_n3A_164, %select_n3A_165 : vector<16x128x128xf32>, vector<16x128x128xi32>
    }
    %scan3A_51 = arith.constant 2 : i32
    %shift_right_arithmetic3A_52 = arith.constant 3 : i32
    %shift_right_arithmetic3A_53 = vector.broadcast %shift_right_arithmetic3A_52 : i32 to vector<16x128x128xi32>
    %shift_right_arithmetic3A_54 = arith.shrsi %add3A, %shift_right_arithmetic3A_53 : vector<16x128x128xi32>
    %and3A_55 = arith.constant 1 : i32
    %and3A_56 = vector.broadcast %and3A_55 : i32 to vector<16x128x128xi32>
    %and3A_57 = arith.andi %shift_right_arithmetic3A_54, %and3A_56 : vector<16x128x128xi32>
    %eq3A_58 = arith.constant 0 : i32
    %eq3A_59 = vector.broadcast %eq3A_58 : i32 to vector<16x128x128xi32>
    %eq3A_60 = arith.cmpi eq, %and3A_57, %eq3A_59 : vector<16x128x128xi32>
    %scan3A_61 = arith.constant 0 : i32
    %scan3A_62 = arith.constant 3 : i32
    %scan3A_63 = arith.addi %scan3A_61, %scan3A_62 : i32
    %scan3A_64 = arith.constant 1 : i32
    %scan3A_65:2 = scf.for %scan3A_134 = %scan3A_61 to %scan3A_63 step %scan3A_64 iter_args(%scan3A_135 = %scan3A_50#0, %scan3A_136 = %scan3A_50#1) -> (vector<16x128x128xf32>, vector<16x128x128xi32>)  : i32 {
      %sub3A_137 = arith.constant 2 : i32
      %sub3A_138 = arith.subi %sub3A_137, %scan3A_134 : i32
      %shift_left3A_139 = arith.constant 1 : i32
      %shift_left3A_140 = arith.shli %shift_left3A_139, %sub3A_138 : i32
      %iota3A_141 = tpu.iota {dimensions = array<i32: 2>} : vector<16x128x128xi32>
      %and3A_142 = vector.broadcast %shift_left3A_140 : i32 to vector<16x128x128xi32>
      %and3A_143 = arith.andi %iota3A_141, %and3A_142 : vector<16x128x128xi32>
      %eq3A_144 = arith.constant 0 : i32
      %eq3A_145 = vector.broadcast %eq3A_144 : i32 to vector<16x128x128xi32>
      %eq3A_146 = arith.cmpi eq, %and3A_143, %eq3A_145 : vector<16x128x128xi32>
      %sub3A_147 = arith.constant 128 : i32
      %sub3A_148 = arith.subi %sub3A_147, %shift_left3A_140 : i32
      %roll3A_149 = tpu.dynamic_rotate %scan3A_135 by %sub3A_148 dim 2 : vector<16x128x128xf32>, i32 -> vector<16x128x128xf32>
      %roll3A_150 = tpu.dynamic_rotate %scan3A_135 by %shift_left3A_140 dim 2 : vector<16x128x128xf32>, i32 -> vector<16x128x128xf32>
      %select_n3A_151 = arith.select %eq3A_146, %roll3A_149, %roll3A_150 : vector<16x128x128xi1>, vector<16x128x128xf32>
      %sub3A_152 = arith.constant 128 : i32
      %sub3A_153 = arith.subi %sub3A_152, %shift_left3A_140 : i32
      %roll3A_154 = tpu.dynamic_rotate %scan3A_136 by %sub3A_153 dim 2 : vector<16x128x128xi32>, i32 -> vector<16x128x128xi32>
      %roll3A_155 = tpu.dynamic_rotate %scan3A_136 by %shift_left3A_140 dim 2 : vector<16x128x128xi32>, i32 -> vector<16x128x128xi32>
      %select_n3A_156 = arith.select %eq3A_146, %roll3A_154, %roll3A_155 : vector<16x128x128xi1>, vector<16x128x128xi32>
      %gt3A_157 = arith.cmpf ogt, %scan3A_135, %select_n3A_151 : vector<16x128x128xf32>
      %eq3A_158 = arith.cmpf oeq, %scan3A_135, %select_n3A_151 : vector<16x128x128xf32>
      %lt3A_159 = arith.cmpi slt, %scan3A_136, %select_n3A_156 : vector<16x128x128xi32>
      %and3A_160 = arith.andi %eq3A_158, %lt3A_159 : vector<16x128x128xi1>
      %or3A_161 = arith.ori %gt3A_157, %and3A_160 : vector<16x128x128xi1>
      %xor3A_162 = arith.xori %or3A_161, %eq3A_146 : vector<16x128x128xi1>
      %xor3A_163 = arith.xori %xor3A_162, %eq3A_60 : vector<16x128x128xi1>
      %select_n3A_164 = arith.select %xor3A_163, %scan3A_135, %select_n3A_151 : vector<16x128x128xi1>, vector<16x128x128xf32>
      %select_n3A_165 = arith.select %xor3A_163, %scan3A_136, %select_n3A_156 : vector<16x128x128xi1>, vector<16x128x128xi32>
      scf.yield %select_n3A_164, %select_n3A_165 : vector<16x128x128xf32>, vector<16x128x128xi32>
    }
    %scan3A_66 = arith.constant 3 : i32
    %shift_right_arithmetic3A_67 = arith.constant 4 : i32
    %shift_right_arithmetic3A_68 = vector.broadcast %shift_right_arithmetic3A_67 : i32 to vector<16x128x128xi32>
    %shift_right_arithmetic3A_69 = arith.shrsi %add3A, %shift_right_arithmetic3A_68 : vector<16x128x128xi32>
    %and3A_70 = arith.constant 1 : i32
    %and3A_71 = vector.broadcast %and3A_70 : i32 to vector<16x128x128xi32>
    %and3A_72 = arith.andi %shift_right_arithmetic3A_69, %and3A_71 : vector<16x128x128xi32>
    %eq3A_73 = arith.constant 0 : i32
    %eq3A_74 = vector.broadcast %eq3A_73 : i32 to vector<16x128x128xi32>
    %eq3A_75 = arith.cmpi eq, %and3A_72, %eq3A_74 : vector<16x128x128xi32>
    %scan3A_76 = arith.constant 0 : i32
    %scan3A_77 = arith.constant 4 : i32
    %scan3A_78 = arith.addi %scan3A_76, %scan3A_77 : i32
    %scan3A_79 = arith.constant 1 : i32
    %scan3A_80:2 = scf.for %scan3A_134 = %scan3A_76 to %scan3A_78 step %scan3A_79 iter_args(%scan3A_135 = %scan3A_65#0, %scan3A_136 = %scan3A_65#1) -> (vector<16x128x128xf32>, vector<16x128x128xi32>)  : i32 {
      %sub3A_137 = arith.constant 3 : i32
      %sub3A_138 = arith.subi %sub3A_137, %scan3A_134 : i32
      %shift_left3A_139 = arith.constant 1 : i32
      %shift_left3A_140 = arith.shli %shift_left3A_139, %sub3A_138 : i32
      %iota3A_141 = tpu.iota {dimensions = array<i32: 2>} : vector<16x128x128xi32>
      %and3A_142 = vector.broadcast %shift_left3A_140 : i32 to vector<16x128x128xi32>
      %and3A_143 = arith.andi %iota3A_141, %and3A_142 : vector<16x128x128xi32>
      %eq3A_144 = arith.constant 0 : i32
      %eq3A_145 = vector.broadcast %eq3A_144 : i32 to vector<16x128x128xi32>
      %eq3A_146 = arith.cmpi eq, %and3A_143, %eq3A_145 : vector<16x128x128xi32>
      %sub3A_147 = arith.constant 128 : i32
      %sub3A_148 = arith.subi %sub3A_147, %shift_left3A_140 : i32
      %roll3A_149 = tpu.dynamic_rotate %scan3A_135 by %sub3A_148 dim 2 : vector<16x128x128xf32>, i32 -> vector<16x128x128xf32>
      %roll3A_150 = tpu.dynamic_rotate %scan3A_135 by %shift_left3A_140 dim 2 : vector<16x128x128xf32>, i32 -> vector<16x128x128xf32>
      %select_n3A_151 = arith.select %eq3A_146, %roll3A_149, %roll3A_150 : vector<16x128x128xi1>, vector<16x128x128xf32>
      %sub3A_152 = arith.constant 128 : i32
      %sub3A_153 = arith.subi %sub3A_152, %shift_left3A_140 : i32
      %roll3A_154 = tpu.dynamic_rotate %scan3A_136 by %sub3A_153 dim 2 : vector<16x128x128xi32>, i32 -> vector<16x128x128xi32>
      %roll3A_155 = tpu.dynamic_rotate %scan3A_136 by %shift_left3A_140 dim 2 : vector<16x128x128xi32>, i32 -> vector<16x128x128xi32>
      %select_n3A_156 = arith.select %eq3A_146, %roll3A_154, %roll3A_155 : vector<16x128x128xi1>, vector<16x128x128xi32>
      %gt3A_157 = arith.cmpf ogt, %scan3A_135, %select_n3A_151 : vector<16x128x128xf32>
      %eq3A_158 = arith.cmpf oeq, %scan3A_135, %select_n3A_151 : vector<16x128x128xf32>
      %lt3A_159 = arith.cmpi slt, %scan3A_136, %select_n3A_156 : vector<16x128x128xi32>
      %and3A_160 = arith.andi %eq3A_158, %lt3A_159 : vector<16x128x128xi1>
      %or3A_161 = arith.ori %gt3A_157, %and3A_160 : vector<16x128x128xi1>
      %xor3A_162 = arith.xori %or3A_161, %eq3A_146 : vector<16x128x128xi1>
      %xor3A_163 = arith.xori %xor3A_162, %eq3A_75 : vector<16x128x128xi1>
      %select_n3A_164 = arith.select %xor3A_163, %scan3A_135, %select_n3A_151 : vector<16x128x128xi1>, vector<16x128x128xf32>
      %select_n3A_165 = arith.select %xor3A_163, %scan3A_136, %select_n3A_156 : vector<16x128x128xi1>, vector<16x128x128xi32>
      scf.yield %select_n3A_164, %select_n3A_165 : vector<16x128x128xf32>, vector<16x128x128xi32>
    }
    %scan3A_81 = arith.constant 4 : i32
    %shift_right_arithmetic3A_82 = arith.constant 5 : i32
    %shift_right_arithmetic3A_83 = vector.broadcast %shift_right_arithmetic3A_82 : i32 to vector<16x128x128xi32>
    %shift_right_arithmetic3A_84 = arith.shrsi %add3A, %shift_right_arithmetic3A_83 : vector<16x128x128xi32>
    %and3A_85 = arith.constant 1 : i32
    %and3A_86 = vector.broadcast %and3A_85 : i32 to vector<16x128x128xi32>
    %and3A_87 = arith.andi %shift_right_arithmetic3A_84, %and3A_86 : vector<16x128x128xi32>
    %eq3A_88 = arith.constant 0 : i32
    %eq3A_89 = vector.broadcast %eq3A_88 : i32 to vector<16x128x128xi32>
    %eq3A_90 = arith.cmpi eq, %and3A_87, %eq3A_89 : vector<16x128x128xi32>
    %scan3A_91 = arith.constant 0 : i32
    %scan3A_92 = arith.constant 5 : i32
    %scan3A_93 = arith.addi %scan3A_91, %scan3A_92 : i32
    %scan3A_94 = arith.constant 1 : i32
    %scan3A_95:2 = scf.for %scan3A_134 = %scan3A_91 to %scan3A_93 step %scan3A_94 iter_args(%scan3A_135 = %scan3A_80#0, %scan3A_136 = %scan3A_80#1) -> (vector<16x128x128xf32>, vector<16x128x128xi32>)  : i32 {
      %sub3A_137 = arith.constant 4 : i32
      %sub3A_138 = arith.subi %sub3A_137, %scan3A_134 : i32
      %shift_left3A_139 = arith.constant 1 : i32
      %shift_left3A_140 = arith.shli %shift_left3A_139, %sub3A_138 : i32
      %iota3A_141 = tpu.iota {dimensions = array<i32: 2>} : vector<16x128x128xi32>
      %and3A_142 = vector.broadcast %shift_left3A_140 : i32 to vector<16x128x128xi32>
      %and3A_143 = arith.andi %iota3A_141, %and3A_142 : vector<16x128x128xi32>
      %eq3A_144 = arith.constant 0 : i32
      %eq3A_145 = vector.broadcast %eq3A_144 : i32 to vector<16x128x128xi32>
      %eq3A_146 = arith.cmpi eq, %and3A_143, %eq3A_145 : vector<16x128x128xi32>
      %sub3A_147 = arith.constant 128 : i32
      %sub3A_148 = arith.subi %sub3A_147, %shift_left3A_140 : i32
      %roll3A_149 = tpu.dynamic_rotate %scan3A_135 by %sub3A_148 dim 2 : vector<16x128x128xf32>, i32 -> vector<16x128x128xf32>
      %roll3A_150 = tpu.dynamic_rotate %scan3A_135 by %shift_left3A_140 dim 2 : vector<16x128x128xf32>, i32 -> vector<16x128x128xf32>
      %select_n3A_151 = arith.select %eq3A_146, %roll3A_149, %roll3A_150 : vector<16x128x128xi1>, vector<16x128x128xf32>
      %sub3A_152 = arith.constant 128 : i32
      %sub3A_153 = arith.subi %sub3A_152, %shift_left3A_140 : i32
      %roll3A_154 = tpu.dynamic_rotate %scan3A_136 by %sub3A_153 dim 2 : vector<16x128x128xi32>, i32 -> vector<16x128x128xi32>
      %roll3A_155 = tpu.dynamic_rotate %scan3A_136 by %shift_left3A_140 dim 2 : vector<16x128x128xi32>, i32 -> vector<16x128x128xi32>
      %select_n3A_156 = arith.select %eq3A_146, %roll3A_154, %roll3A_155 : vector<16x128x128xi1>, vector<16x128x128xi32>
      %gt3A_157 = arith.cmpf ogt, %scan3A_135, %select_n3A_151 : vector<16x128x128xf32>
      %eq3A_158 = arith.cmpf oeq, %scan3A_135, %select_n3A_151 : vector<16x128x128xf32>
      %lt3A_159 = arith.cmpi slt, %scan3A_136, %select_n3A_156 : vector<16x128x128xi32>
      %and3A_160 = arith.andi %eq3A_158, %lt3A_159 : vector<16x128x128xi1>
      %or3A_161 = arith.ori %gt3A_157, %and3A_160 : vector<16x128x128xi1>
      %xor3A_162 = arith.xori %or3A_161, %eq3A_146 : vector<16x128x128xi1>
      %xor3A_163 = arith.xori %xor3A_162, %eq3A_90 : vector<16x128x128xi1>
      %select_n3A_164 = arith.select %xor3A_163, %scan3A_135, %select_n3A_151 : vector<16x128x128xi1>, vector<16x128x128xf32>
      %select_n3A_165 = arith.select %xor3A_163, %scan3A_136, %select_n3A_156 : vector<16x128x128xi1>, vector<16x128x128xi32>
      scf.yield %select_n3A_164, %select_n3A_165 : vector<16x128x128xf32>, vector<16x128x128xi32>
    }
    %scan3A_96 = arith.constant 5 : i32
    %shift_right_arithmetic3A_97 = arith.constant 6 : i32
    %shift_right_arithmetic3A_98 = vector.broadcast %shift_right_arithmetic3A_97 : i32 to vector<16x128x128xi32>
    %shift_right_arithmetic3A_99 = arith.shrsi %add3A, %shift_right_arithmetic3A_98 : vector<16x128x128xi32>
    %and3A_100 = arith.constant 1 : i32
    %and3A_101 = vector.broadcast %and3A_100 : i32 to vector<16x128x128xi32>
    %and3A_102 = arith.andi %shift_right_arithmetic3A_99, %and3A_101 : vector<16x128x128xi32>
    %eq3A_103 = arith.constant 0 : i32
    %eq3A_104 = vector.broadcast %eq3A_103 : i32 to vector<16x128x128xi32>
    %eq3A_105 = arith.cmpi eq, %and3A_102, %eq3A_104 : vector<16x128x128xi32>
    %scan3A_106 = arith.constant 0 : i32
    %scan3A_107 = arith.constant 6 : i32
    %scan3A_108 = arith.addi %scan3A_106, %scan3A_107 : i32
    %scan3A_109 = arith.constant 1 : i32
    %scan3A_110:2 = scf.for %scan3A_134 = %scan3A_106 to %scan3A_108 step %scan3A_109 iter_args(%scan3A_135 = %scan3A_95#0, %scan3A_136 = %scan3A_95#1) -> (vector<16x128x128xf32>, vector<16x128x128xi32>)  : i32 {
      %sub3A_137 = arith.constant 5 : i32
      %sub3A_138 = arith.subi %sub3A_137, %scan3A_134 : i32
      %shift_left3A_139 = arith.constant 1 : i32
      %shift_left3A_140 = arith.shli %shift_left3A_139, %sub3A_138 : i32
      %iota3A_141 = tpu.iota {dimensions = array<i32: 2>} : vector<16x128x128xi32>
      %and3A_142 = vector.broadcast %shift_left3A_140 : i32 to vector<16x128x128xi32>
      %and3A_143 = arith.andi %iota3A_141, %and3A_142 : vector<16x128x128xi32>
      %eq3A_144 = arith.constant 0 : i32
      %eq3A_145 = vector.broadcast %eq3A_144 : i32 to vector<16x128x128xi32>
      %eq3A_146 = arith.cmpi eq, %and3A_143, %eq3A_145 : vector<16x128x128xi32>
      %sub3A_147 = arith.constant 128 : i32
      %sub3A_148 = arith.subi %sub3A_147, %shift_left3A_140 : i32
      %roll3A_149 = tpu.dynamic_rotate %scan3A_135 by %sub3A_148 dim 2 : vector<16x128x128xf32>, i32 -> vector<16x128x128xf32>
      %roll3A_150 = tpu.dynamic_rotate %scan3A_135 by %shift_left3A_140 dim 2 : vector<16x128x128xf32>, i32 -> vector<16x128x128xf32>
      %select_n3A_151 = arith.select %eq3A_146, %roll3A_149, %roll3A_150 : vector<16x128x128xi1>, vector<16x128x128xf32>
      %sub3A_152 = arith.constant 128 : i32
      %sub3A_153 = arith.subi %sub3A_152, %shift_left3A_140 : i32
      %roll3A_154 = tpu.dynamic_rotate %scan3A_136 by %sub3A_153 dim 2 : vector<16x128x128xi32>, i32 -> vector<16x128x128xi32>
      %roll3A_155 = tpu.dynamic_rotate %scan3A_136 by %shift_left3A_140 dim 2 : vector<16x128x128xi32>, i32 -> vector<16x128x128xi32>
      %select_n3A_156 = arith.select %eq3A_146, %roll3A_154, %roll3A_155 : vector<16x128x128xi1>, vector<16x128x128xi32>
      %gt3A_157 = arith.cmpf ogt, %scan3A_135, %select_n3A_151 : vector<16x128x128xf32>
      %eq3A_158 = arith.cmpf oeq, %scan3A_135, %select_n3A_151 : vector<16x128x128xf32>
      %lt3A_159 = arith.cmpi slt, %scan3A_136, %select_n3A_156 : vector<16x128x128xi32>
      %and3A_160 = arith.andi %eq3A_158, %lt3A_159 : vector<16x128x128xi1>
      %or3A_161 = arith.ori %gt3A_157, %and3A_160 : vector<16x128x128xi1>
      %xor3A_162 = arith.xori %or3A_161, %eq3A_146 : vector<16x128x128xi1>
      %xor3A_163 = arith.xori %xor3A_162, %eq3A_105 : vector<16x128x128xi1>
      %select_n3A_164 = arith.select %xor3A_163, %scan3A_135, %select_n3A_151 : vector<16x128x128xi1>, vector<16x128x128xf32>
      %select_n3A_165 = arith.select %xor3A_163, %scan3A_136, %select_n3A_156 : vector<16x128x128xi1>, vector<16x128x128xi32>
      scf.yield %select_n3A_164, %select_n3A_165 : vector<16x128x128xf32>, vector<16x128x128xi32>
    }
    %scan3A_111 = arith.constant 6 : i32
    %shift_right_arithmetic3A_112 = arith.constant 7 : i32
    %shift_right_arithmetic3A_113 = vector.broadcast %shift_right_arithmetic3A_112 : i32 to vector<16x128x128xi32>
    %shift_right_arithmetic3A_114 = arith.shrsi %add3A, %shift_right_arithmetic3A_113 : vector<16x128x128xi32>
    %and3A_115 = arith.constant 1 : i32
    %and3A_116 = vector.broadcast %and3A_115 : i32 to vector<16x128x128xi32>
    %and3A_117 = arith.andi %shift_right_arithmetic3A_114, %and3A_116 : vector<16x128x128xi32>
    %eq3A_118 = arith.constant 0 : i32
    %eq3A_119 = vector.broadcast %eq3A_118 : i32 to vector<16x128x128xi32>
    %eq3A_120 = arith.cmpi eq, %and3A_117, %eq3A_119 : vector<16x128x128xi32>
    %scan3A_121 = arith.constant 0 : i32
    %scan3A_122 = arith.constant 7 : i32
    %scan3A_123 = arith.addi %scan3A_121, %scan3A_122 : i32
    %scan3A_124 = arith.constant 1 : i32
    %scan3A_125:2 = scf.for %scan3A_134 = %scan3A_121 to %scan3A_123 step %scan3A_124 iter_args(%scan3A_135 = %scan3A_110#0, %scan3A_136 = %scan3A_110#1) -> (vector<16x128x128xf32>, vector<16x128x128xi32>)  : i32 {
      %sub3A_137 = arith.constant 6 : i32
      %sub3A_138 = arith.subi %sub3A_137, %scan3A_134 : i32
      %shift_left3A_139 = arith.constant 1 : i32
      %shift_left3A_140 = arith.shli %shift_left3A_139, %sub3A_138 : i32
      %iota3A_141 = tpu.iota {dimensions = array<i32: 2>} : vector<16x128x128xi32>
      %and3A_142 = vector.broadcast %shift_left3A_140 : i32 to vector<16x128x128xi32>
      %and3A_143 = arith.andi %iota3A_141, %and3A_142 : vector<16x128x128xi32>
      %eq3A_144 = arith.constant 0 : i32
      %eq3A_145 = vector.broadcast %eq3A_144 : i32 to vector<16x128x128xi32>
      %eq3A_146 = arith.cmpi eq, %and3A_143, %eq3A_145 : vector<16x128x128xi32>
      %sub3A_147 = arith.constant 128 : i32
      %sub3A_148 = arith.subi %sub3A_147, %shift_left3A_140 : i32
      %roll3A_149 = tpu.dynamic_rotate %scan3A_135 by %sub3A_148 dim 2 : vector<16x128x128xf32>, i32 -> vector<16x128x128xf32>
      %roll3A_150 = tpu.dynamic_rotate %scan3A_135 by %shift_left3A_140 dim 2 : vector<16x128x128xf32>, i32 -> vector<16x128x128xf32>
      %select_n3A_151 = arith.select %eq3A_146, %roll3A_149, %roll3A_150 : vector<16x128x128xi1>, vector<16x128x128xf32>
      %sub3A_152 = arith.constant 128 : i32
      %sub3A_153 = arith.subi %sub3A_152, %shift_left3A_140 : i32
      %roll3A_154 = tpu.dynamic_rotate %scan3A_136 by %sub3A_153 dim 2 : vector<16x128x128xi32>, i32 -> vector<16x128x128xi32>
      %roll3A_155 = tpu.dynamic_rotate %scan3A_136 by %shift_left3A_140 dim 2 : vector<16x128x128xi32>, i32 -> vector<16x128x128xi32>
      %select_n3A_156 = arith.select %eq3A_146, %roll3A_154, %roll3A_155 : vector<16x128x128xi1>, vector<16x128x128xi32>
      %gt3A_157 = arith.cmpf ogt, %scan3A_135, %select_n3A_151 : vector<16x128x128xf32>
      %eq3A_158 = arith.cmpf oeq, %scan3A_135, %select_n3A_151 : vector<16x128x128xf32>
      %lt3A_159 = arith.cmpi slt, %scan3A_136, %select_n3A_156 : vector<16x128x128xi32>
      %and3A_160 = arith.andi %eq3A_158, %lt3A_159 : vector<16x128x128xi1>
      %or3A_161 = arith.ori %gt3A_157, %and3A_160 : vector<16x128x128xi1>
      %xor3A_162 = arith.xori %or3A_161, %eq3A_146 : vector<16x128x128xi1>
      %xor3A_163 = arith.xori %xor3A_162, %eq3A_120 : vector<16x128x128xi1>
      %select_n3A_164 = arith.select %xor3A_163, %scan3A_135, %select_n3A_151 : vector<16x128x128xi1>, vector<16x128x128xf32>
      %select_n3A_165 = arith.select %xor3A_163, %scan3A_136, %select_n3A_156 : vector<16x128x128xi1>, vector<16x128x128xi32>
      scf.yield %select_n3A_164, %select_n3A_165 : vector<16x128x128xf32>, vector<16x128x128xi32>
    }
    %scan3A_126 = arith.constant 7 : i32
    %swap3A = arith.constant 0 : index
    %swap3A_127 = arith.constant 0 : index
    %swap3A_128 = arith.constant 0 : index
    %swap3A_129 = vector.load %arg3[%swap3A, %swap3A_127, %swap3A_128] : memref<16x128x128xf32, #tpu.memory_space<vmem>>, vector<16x128x128xf32>
    tpu.vector_store %arg3[%swap3A, %swap3A_127, %swap3A_128], %scan3A_125#0 {strides = array<i32>} : memref<16x128x128xf32, #tpu.memory_space<vmem>>, vector<16x128x128xf32>,
    %swap3A_130 = arith.constant 0 : index
    %swap3A_131 = arith.constant 0 : index
    %swap3A_132 = arith.constant 0 : index
    %swap3A_133 = vector.load %arg4[%swap3A_130, %swap3A_131, %swap3A_132] : memref<16x128x128xi32, #tpu.memory_space<vmem>>, vector<16x128x128xi32>
    tpu.vector_store %arg4[%swap3A_130, %swap3A_131, %swap3A_132], %scan3A_125#1 {strides = array<i32>} : memref<16x128x128xi32, #tpu.memory_space<vmem>>, vector<16x128x128xi32>,
    return
  }
  func.func @transform_0(%arg0: i32) -> (i32, i32) {
    %c0_i32 = arith.constant 0 : i32
    %c0_i32_0 = arith.constant 0 : i32
    return %arg0, %c0_i32 : i32, i32
  }
  func.func @transform_1(%arg0: i32) -> (i32, i32) {
    %c0_i32 = arith.constant 0 : i32
    %c0_i32_0 = arith.constant 0 : i32
    return %arg0, %c0_i32 : i32, i32
  }
  func.func @transform_2(%arg0: i32) -> (i32, i32, i32) {
    %c0_i32 = arith.constant 0 : i32
    %c0_i32_0 = arith.constant 0 : i32
    %c0_i32_1 = arith.constant 0 : i32
    return %arg0, %c0_i32, %c0_i32_0 : i32, i32, i32
  }
  func.func @transform_3(%arg0: i32) -> (i32, i32, i32) {
    %c0_i32 = arith.constant 0 : i32
    %c0_i32_0 = arith.constant 0 : i32
    %c0_i32_1 = arith.constant 0 : i32
    return %arg0, %c0_i32, %c0_i32_0 : i32, i32, i32
  }
}

module attributes {stable_mosaic.version = 14 : i64} {
  func.func @_merge_body(%arg0: i32, %arg1: i32, %arg2: memref<32x1x2x128xf32, #tpu.memory_space<vmem>>, %arg3: memref<32x1x2x128xi32, #tpu.memory_space<vmem>>, %arg4: memref<32x1x1x128xf32, #tpu.memory_space<vmem>>, %arg5: memref<32x1x1x128xi32, #tpu.memory_space<vmem>>) attributes {dimension_semantics = [#tpu.dimension_semantics<arbitrary>, #tpu.dimension_semantics<arbitrary>], iteration_bounds = array<i64: 32, 64>, scalar_prefetch = 0 : i64, scratch_operands = 0 : i64, tpu.core_type = #tpu.core_type<tc>, window_params = [{transform_indices = @transform_0, window_bounds = array<i64: 32, 1, 2, 128>}, {transform_indices = @transform_1, window_bounds = array<i64: 32, 1, 2, 128>}, {transform_indices = @transform_2, window_bounds = array<i64: 32, 1, 1, 128>}, {transform_indices = @transform_3, window_bounds = array<i64: 32, 1, 1, 128>}]} {
    %get3A = arith.constant 0 : index
    %get3A_0 = arith.constant 0 : index
    %get3A_1 = arith.constant 0 : index
    %get3A_2 = arith.constant 0 : index
    %get3A_3 = vector.load %arg2[%get3A, %get3A_0, %get3A_1, %get3A_2] : memref<32x1x2x128xf32, #tpu.memory_space<vmem>>, vector<32x1x1x128xf32>
    %get3A_4 = vector.shape_cast %get3A_3 : vector<32x1x1x128xf32> to vector<32x128xf32>
    %get3A_5 = arith.constant 0 : index
    %get3A_6 = arith.constant 0 : index
    %get3A_7 = arith.constant 1 : index
    %get3A_8 = arith.constant 0 : index
    %get3A_9 = vector.load %arg2[%get3A_5, %get3A_6, %get3A_7, %get3A_8] : memref<32x1x2x128xf32, #tpu.memory_space<vmem>>, vector<32x1x1x128xf32>
    %get3A_10 = vector.shape_cast %get3A_9 : vector<32x1x1x128xf32> to vector<32x128xf32>
    %get3A_11 = arith.constant 0 : index
    %get3A_12 = arith.constant 0 : index
    %get3A_13 = arith.constant 0 : index
    %get3A_14 = arith.constant 0 : index
    %get3A_15 = vector.load %arg3[%get3A_11, %get3A_12, %get3A_13, %get3A_14] : memref<32x1x2x128xi32, #tpu.memory_space<vmem>>, vector<32x1x1x128xi32>
    %get3A_16 = vector.shape_cast %get3A_15 : vector<32x1x1x128xi32> to vector<32x128xi32>
    %get3A_17 = arith.constant 0 : index
    %get3A_18 = arith.constant 0 : index
    %get3A_19 = arith.constant 1 : index
    %get3A_20 = arith.constant 0 : index
    %get3A_21 = vector.load %arg3[%get3A_17, %get3A_18, %get3A_19, %get3A_20] : memref<32x1x2x128xi32, #tpu.memory_space<vmem>>, vector<32x1x1x128xi32>
    %get3A_22 = vector.shape_cast %get3A_21 : vector<32x1x1x128xi32> to vector<32x128xi32>
    %gt3A = arith.cmpf ogt, %get3A_4, %get3A_10 : vector<32x128xf32>
    %eq3A = arith.cmpf oeq, %get3A_4, %get3A_10 : vector<32x128xf32>
    %lt3A = arith.cmpi slt, %get3A_16, %get3A_22 : vector<32x128xi32>
    %and3A = arith.andi %eq3A, %lt3A : vector<32x128xi1>
    %or3A = arith.ori %gt3A, %and3A : vector<32x128xi1>
    %select_n3A = arith.select %or3A, %get3A_4, %get3A_10 : vector<32x128xi1>, vector<32x128xf32>
    %select_n3A_23 = arith.select %or3A, %get3A_16, %get3A_22 : vector<32x128xi1>, vector<32x128xi32>
    %iota3A = tpu.iota {dimensions = array<i32: 1>} : vector<32x128xi32>
    %and3A_24 = arith.constant 0 : i32
    %and3A_25 = vector.broadcast %and3A_24 : i32 to vector<32x128xi32>
    %and3A_26 = arith.andi %iota3A, %and3A_25 : vector<32x128xi32>
    %and3A_27 = arith.constant 1 : i32
    %and3A_28 = arith.andi %arg1, %and3A_27 : i32
    %add3A = vector.broadcast %and3A_28 : i32 to vector<32x128xi32>
    %add3A_29 = arith.addi %and3A_26, %add3A : vector<32x128xi32>
    %eq3A_30 = arith.constant 0 : i32
    %eq3A_31 = vector.broadcast %eq3A_30 : i32 to vector<32x128xi32>
    %eq3A_32 = arith.cmpi eq, %add3A_29, %eq3A_31 : vector<32x128xi32>
    %iota3A_33 = tpu.iota {dimensions = array<i32: 1>} : vector<32x128xi32>
    %and3A_34 = arith.constant 64 : i32
    %and3A_35 = vector.broadcast %and3A_34 : i32 to vector<32x128xi32>
    %and3A_36 = arith.andi %iota3A_33, %and3A_35 : vector<32x128xi32>
    %eq3A_37 = arith.constant 0 : i32
    %eq3A_38 = vector.broadcast %eq3A_37 : i32 to vector<32x128xi32>
    %eq3A_39 = arith.cmpi eq, %and3A_36, %eq3A_38 : vector<32x128xi32>
    %sub3A = arith.constant 128 : i32
    %sub3A_40 = arith.constant 64 : i32
    %sub3A_41 = arith.subi %sub3A, %sub3A_40 : i32
    %roll3A = tpu.dynamic_rotate %select_n3A by %sub3A_41 dim 1 : vector<32x128xf32>, i32 -> vector<32x128xf32>
    %roll3A_42 = arith.constant 64 : i32
    %roll3A_43 = tpu.dynamic_rotate %select_n3A by %roll3A_42 dim 1 : vector<32x128xf32>, i32 -> vector<32x128xf32>
    %select_n3A_44 = arith.select %eq3A_39, %roll3A, %roll3A_43 : vector<32x128xi1>, vector<32x128xf32>
    %sub3A_45 = arith.constant 128 : i32
    %sub3A_46 = arith.constant 64 : i32
    %sub3A_47 = arith.subi %sub3A_45, %sub3A_46 : i32
    %roll3A_48 = tpu.dynamic_rotate %select_n3A_23 by %sub3A_47 dim 1 : vector<32x128xi32>, i32 -> vector<32x128xi32>
    %roll3A_49 = arith.constant 64 : i32
    %roll3A_50 = tpu.dynamic_rotate %select_n3A_23 by %roll3A_49 dim 1 : vector<32x128xi32>, i32 -> vector<32x128xi32>
    %select_n3A_51 = arith.select %eq3A_39, %roll3A_48, %roll3A_50 : vector<32x128xi1>, vector<32x128xi32>
    %gt3A_52 = arith.cmpf ogt, %select_n3A, %select_n3A_44 : vector<32x128xf32>
    %eq3A_53 = arith.cmpf oeq, %select_n3A, %select_n3A_44 : vector<32x128xf32>
    %lt3A_54 = arith.cmpi slt, %select_n3A_23, %select_n3A_51 : vector<32x128xi32>
    %and3A_55 = arith.andi %eq3A_53, %lt3A_54 : vector<32x128xi1>
    %or3A_56 = arith.ori %gt3A_52, %and3A_55 : vector<32x128xi1>
    %xor3A = arith.xori %or3A_56, %eq3A_39 : vector<32x128xi1>
    %xor3A_57 = arith.xori %xor3A, %eq3A_32 : vector<32x128xi1>
    %select_n3A_58 = arith.select %xor3A_57, %select_n3A, %select_n3A_44 : vector<32x128xi1>, vector<32x128xf32>
    %select_n3A_59 = arith.select %xor3A_57, %select_n3A_23, %select_n3A_51 : vector<32x128xi1>, vector<32x128xi32>
    %iota3A_60 = tpu.iota {dimensions = array<i32: 1>} : vector<32x128xi32>
    %and3A_61 = arith.constant 32 : i32
    %and3A_62 = vector.broadcast %and3A_61 : i32 to vector<32x128xi32>
    %and3A_63 = arith.andi %iota3A_60, %and3A_62 : vector<32x128xi32>
    %eq3A_64 = arith.constant 0 : i32
    %eq3A_65 = vector.broadcast %eq3A_64 : i32 to vector<32x128xi32>
    %eq3A_66 = arith.cmpi eq, %and3A_63, %eq3A_65 : vector<32x128xi32>
    %sub3A_67 = arith.constant 128 : i32
    %sub3A_68 = arith.constant 32 : i32
    %sub3A_69 = arith.subi %sub3A_67, %sub3A_68 : i32
    %roll3A_70 = tpu.dynamic_rotate %select_n3A_58 by %sub3A_69 dim 1 : vector<32x128xf32>, i32 -> vector<32x128xf32>
    %roll3A_71 = arith.constant 32 : i32
    %roll3A_72 = tpu.dynamic_rotate %select_n3A_58 by %roll3A_71 dim 1 : vector<32x128xf32>, i32 -> vector<32x128xf32>
    %select_n3A_73 = arith.select %eq3A_66, %roll3A_70, %roll3A_72 : vector<32x128xi1>, vector<32x128xf32>
    %sub3A_74 = arith.constant 128 : i32
    %sub3A_75 = arith.constant 32 : i32
    %sub3A_76 = arith.subi %sub3A_74, %sub3A_75 : i32
    %roll3A_77 = tpu.dynamic_rotate %select_n3A_59 by %sub3A_76 dim 1 : vector<32x128xi32>, i32 -> vector<32x128xi32>
    %roll3A_78 = arith.constant 32 : i32
    %roll3A_79 = tpu.dynamic_rotate %select_n3A_59 by %roll3A_78 dim 1 : vector<32x128xi32>, i32 -> vector<32x128xi32>
    %select_n3A_80 = arith.select %eq3A_66, %roll3A_77, %roll3A_79 : vector<32x128xi1>, vector<32x128xi32>
    %gt3A_81 = arith.cmpf ogt, %select_n3A_58, %select_n3A_73 : vector<32x128xf32>
    %eq3A_82 = arith.cmpf oeq, %select_n3A_58, %select_n3A_73 : vector<32x128xf32>
    %lt3A_83 = arith.cmpi slt, %select_n3A_59, %select_n3A_80 : vector<32x128xi32>
    %and3A_84 = arith.andi %eq3A_82, %lt3A_83 : vector<32x128xi1>
    %or3A_85 = arith.ori %gt3A_81, %and3A_84 : vector<32x128xi1>
    %xor3A_86 = arith.xori %or3A_85, %eq3A_66 : vector<32x128xi1>
    %xor3A_87 = arith.xori %xor3A_86, %eq3A_32 : vector<32x128xi1>
    %select_n3A_88 = arith.select %xor3A_87, %select_n3A_58, %select_n3A_73 : vector<32x128xi1>, vector<32x128xf32>
    %select_n3A_89 = arith.select %xor3A_87, %select_n3A_59, %select_n3A_80 : vector<32x128xi1>, vector<32x128xi32>
    %iota3A_90 = tpu.iota {dimensions = array<i32: 1>} : vector<32x128xi32>
    %and3A_91 = arith.constant 16 : i32
    %and3A_92 = vector.broadcast %and3A_91 : i32 to vector<32x128xi32>
    %and3A_93 = arith.andi %iota3A_90, %and3A_92 : vector<32x128xi32>
    %eq3A_94 = arith.constant 0 : i32
    %eq3A_95 = vector.broadcast %eq3A_94 : i32 to vector<32x128xi32>
    %eq3A_96 = arith.cmpi eq, %and3A_93, %eq3A_95 : vector<32x128xi32>
    %sub3A_97 = arith.constant 128 : i32
    %sub3A_98 = arith.constant 16 : i32
    %sub3A_99 = arith.subi %sub3A_97, %sub3A_98 : i32
    %roll3A_100 = tpu.dynamic_rotate %select_n3A_88 by %sub3A_99 dim 1 : vector<32x128xf32>, i32 -> vector<32x128xf32>
    %roll3A_101 = arith.constant 16 : i32
    %roll3A_102 = tpu.dynamic_rotate %select_n3A_88 by %roll3A_101 dim 1 : vector<32x128xf32>, i32 -> vector<32x128xf32>
    %select_n3A_103 = arith.select %eq3A_96, %roll3A_100, %roll3A_102 : vector<32x128xi1>, vector<32x128xf32>
    %sub3A_104 = arith.constant 128 : i32
    %sub3A_105 = arith.constant 16 : i32
    %sub3A_106 = arith.subi %sub3A_104, %sub3A_105 : i32
    %roll3A_107 = tpu.dynamic_rotate %select_n3A_89 by %sub3A_106 dim 1 : vector<32x128xi32>, i32 -> vector<32x128xi32>
    %roll3A_108 = arith.constant 16 : i32
    %roll3A_109 = tpu.dynamic_rotate %select_n3A_89 by %roll3A_108 dim 1 : vector<32x128xi32>, i32 -> vector<32x128xi32>
    %select_n3A_110 = arith.select %eq3A_96, %roll3A_107, %roll3A_109 : vector<32x128xi1>, vector<32x128xi32>
    %gt3A_111 = arith.cmpf ogt, %select_n3A_88, %select_n3A_103 : vector<32x128xf32>
    %eq3A_112 = arith.cmpf oeq, %select_n3A_88, %select_n3A_103 : vector<32x128xf32>
    %lt3A_113 = arith.cmpi slt, %select_n3A_89, %select_n3A_110 : vector<32x128xi32>
    %and3A_114 = arith.andi %eq3A_112, %lt3A_113 : vector<32x128xi1>
    %or3A_115 = arith.ori %gt3A_111, %and3A_114 : vector<32x128xi1>
    %xor3A_116 = arith.xori %or3A_115, %eq3A_96 : vector<32x128xi1>
    %xor3A_117 = arith.xori %xor3A_116, %eq3A_32 : vector<32x128xi1>
    %select_n3A_118 = arith.select %xor3A_117, %select_n3A_88, %select_n3A_103 : vector<32x128xi1>, vector<32x128xf32>
    %select_n3A_119 = arith.select %xor3A_117, %select_n3A_89, %select_n3A_110 : vector<32x128xi1>, vector<32x128xi32>
    %iota3A_120 = tpu.iota {dimensions = array<i32: 1>} : vector<32x128xi32>
    %and3A_121 = arith.constant 8 : i32
    %and3A_122 = vector.broadcast %and3A_121 : i32 to vector<32x128xi32>
    %and3A_123 = arith.andi %iota3A_120, %and3A_122 : vector<32x128xi32>
    %eq3A_124 = arith.constant 0 : i32
    %eq3A_125 = vector.broadcast %eq3A_124 : i32 to vector<32x128xi32>
    %eq3A_126 = arith.cmpi eq, %and3A_123, %eq3A_125 : vector<32x128xi32>
    %sub3A_127 = arith.constant 128 : i32
    %sub3A_128 = arith.constant 8 : i32
    %sub3A_129 = arith.subi %sub3A_127, %sub3A_128 : i32
    %roll3A_130 = tpu.dynamic_rotate %select_n3A_118 by %sub3A_129 dim 1 : vector<32x128xf32>, i32 -> vector<32x128xf32>
    %roll3A_131 = arith.constant 8 : i32
    %roll3A_132 = tpu.dynamic_rotate %select_n3A_118 by %roll3A_131 dim 1 : vector<32x128xf32>, i32 -> vector<32x128xf32>
    %select_n3A_133 = arith.select %eq3A_126, %roll3A_130, %roll3A_132 : vector<32x128xi1>, vector<32x128xf32>
    %sub3A_134 = arith.constant 128 : i32
    %sub3A_135 = arith.constant 8 : i32
    %sub3A_136 = arith.subi %sub3A_134, %sub3A_135 : i32
    %roll3A_137 = tpu.dynamic_rotate %select_n3A_119 by %sub3A_136 dim 1 : vector<32x128xi32>, i32 -> vector<32x128xi32>
    %roll3A_138 = arith.constant 8 : i32
    %roll3A_139 = tpu.dynamic_rotate %select_n3A_119 by %roll3A_138 dim 1 : vector<32x128xi32>, i32 -> vector<32x128xi32>
    %select_n3A_140 = arith.select %eq3A_126, %roll3A_137, %roll3A_139 : vector<32x128xi1>, vector<32x128xi32>
    %gt3A_141 = arith.cmpf ogt, %select_n3A_118, %select_n3A_133 : vector<32x128xf32>
    %eq3A_142 = arith.cmpf oeq, %select_n3A_118, %select_n3A_133 : vector<32x128xf32>
    %lt3A_143 = arith.cmpi slt, %select_n3A_119, %select_n3A_140 : vector<32x128xi32>
    %and3A_144 = arith.andi %eq3A_142, %lt3A_143 : vector<32x128xi1>
    %or3A_145 = arith.ori %gt3A_141, %and3A_144 : vector<32x128xi1>
    %xor3A_146 = arith.xori %or3A_145, %eq3A_126 : vector<32x128xi1>
    %xor3A_147 = arith.xori %xor3A_146, %eq3A_32 : vector<32x128xi1>
    %select_n3A_148 = arith.select %xor3A_147, %select_n3A_118, %select_n3A_133 : vector<32x128xi1>, vector<32x128xf32>
    %select_n3A_149 = arith.select %xor3A_147, %select_n3A_119, %select_n3A_140 : vector<32x128xi1>, vector<32x128xi32>
    %iota3A_150 = tpu.iota {dimensions = array<i32: 1>} : vector<32x128xi32>
    %and3A_151 = arith.constant 4 : i32
    %and3A_152 = vector.broadcast %and3A_151 : i32 to vector<32x128xi32>
    %and3A_153 = arith.andi %iota3A_150, %and3A_152 : vector<32x128xi32>
    %eq3A_154 = arith.constant 0 : i32
    %eq3A_155 = vector.broadcast %eq3A_154 : i32 to vector<32x128xi32>
    %eq3A_156 = arith.cmpi eq, %and3A_153, %eq3A_155 : vector<32x128xi32>
    %sub3A_157 = arith.constant 128 : i32
    %sub3A_158 = arith.constant 4 : i32
    %sub3A_159 = arith.subi %sub3A_157, %sub3A_158 : i32
    %roll3A_160 = tpu.dynamic_rotate %select_n3A_148 by %sub3A_159 dim 1 : vector<32x128xf32>, i32 -> vector<32x128xf32>
    %roll3A_161 = arith.constant 4 : i32
    %roll3A_162 = tpu.dynamic_rotate %select_n3A_148 by %roll3A_161 dim 1 : vector<32x128xf32>, i32 -> vector<32x128xf32>
    %select_n3A_163 = arith.select %eq3A_156, %roll3A_160, %roll3A_162 : vector<32x128xi1>, vector<32x128xf32>
    %sub3A_164 = arith.constant 128 : i32
    %sub3A_165 = arith.constant 4 : i32
    %sub3A_166 = arith.subi %sub3A_164, %sub3A_165 : i32
    %roll3A_167 = tpu.dynamic_rotate %select_n3A_149 by %sub3A_166 dim 1 : vector<32x128xi32>, i32 -> vector<32x128xi32>
    %roll3A_168 = arith.constant 4 : i32
    %roll3A_169 = tpu.dynamic_rotate %select_n3A_149 by %roll3A_168 dim 1 : vector<32x128xi32>, i32 -> vector<32x128xi32>
    %select_n3A_170 = arith.select %eq3A_156, %roll3A_167, %roll3A_169 : vector<32x128xi1>, vector<32x128xi32>
    %gt3A_171 = arith.cmpf ogt, %select_n3A_148, %select_n3A_163 : vector<32x128xf32>
    %eq3A_172 = arith.cmpf oeq, %select_n3A_148, %select_n3A_163 : vector<32x128xf32>
    %lt3A_173 = arith.cmpi slt, %select_n3A_149, %select_n3A_170 : vector<32x128xi32>
    %and3A_174 = arith.andi %eq3A_172, %lt3A_173 : vector<32x128xi1>
    %or3A_175 = arith.ori %gt3A_171, %and3A_174 : vector<32x128xi1>
    %xor3A_176 = arith.xori %or3A_175, %eq3A_156 : vector<32x128xi1>
    %xor3A_177 = arith.xori %xor3A_176, %eq3A_32 : vector<32x128xi1>
    %select_n3A_178 = arith.select %xor3A_177, %select_n3A_148, %select_n3A_163 : vector<32x128xi1>, vector<32x128xf32>
    %select_n3A_179 = arith.select %xor3A_177, %select_n3A_149, %select_n3A_170 : vector<32x128xi1>, vector<32x128xi32>
    %iota3A_180 = tpu.iota {dimensions = array<i32: 1>} : vector<32x128xi32>
    %and3A_181 = arith.constant 2 : i32
    %and3A_182 = vector.broadcast %and3A_181 : i32 to vector<32x128xi32>
    %and3A_183 = arith.andi %iota3A_180, %and3A_182 : vector<32x128xi32>
    %eq3A_184 = arith.constant 0 : i32
    %eq3A_185 = vector.broadcast %eq3A_184 : i32 to vector<32x128xi32>
    %eq3A_186 = arith.cmpi eq, %and3A_183, %eq3A_185 : vector<32x128xi32>
    %sub3A_187 = arith.constant 128 : i32
    %sub3A_188 = arith.constant 2 : i32
    %sub3A_189 = arith.subi %sub3A_187, %sub3A_188 : i32
    %roll3A_190 = tpu.dynamic_rotate %select_n3A_178 by %sub3A_189 dim 1 : vector<32x128xf32>, i32 -> vector<32x128xf32>
    %roll3A_191 = arith.constant 2 : i32
    %roll3A_192 = tpu.dynamic_rotate %select_n3A_178 by %roll3A_191 dim 1 : vector<32x128xf32>, i32 -> vector<32x128xf32>
    %select_n3A_193 = arith.select %eq3A_186, %roll3A_190, %roll3A_192 : vector<32x128xi1>, vector<32x128xf32>
    %sub3A_194 = arith.constant 128 : i32
    %sub3A_195 = arith.constant 2 : i32
    %sub3A_196 = arith.subi %sub3A_194, %sub3A_195 : i32
    %roll3A_197 = tpu.dynamic_rotate %select_n3A_179 by %sub3A_196 dim 1 : vector<32x128xi32>, i32 -> vector<32x128xi32>
    %roll3A_198 = arith.constant 2 : i32
    %roll3A_199 = tpu.dynamic_rotate %select_n3A_179 by %roll3A_198 dim 1 : vector<32x128xi32>, i32 -> vector<32x128xi32>
    %select_n3A_200 = arith.select %eq3A_186, %roll3A_197, %roll3A_199 : vector<32x128xi1>, vector<32x128xi32>
    %gt3A_201 = arith.cmpf ogt, %select_n3A_178, %select_n3A_193 : vector<32x128xf32>
    %eq3A_202 = arith.cmpf oeq, %select_n3A_178, %select_n3A_193 : vector<32x128xf32>
    %lt3A_203 = arith.cmpi slt, %select_n3A_179, %select_n3A_200 : vector<32x128xi32>
    %and3A_204 = arith.andi %eq3A_202, %lt3A_203 : vector<32x128xi1>
    %or3A_205 = arith.ori %gt3A_201, %and3A_204 : vector<32x128xi1>
    %xor3A_206 = arith.xori %or3A_205, %eq3A_186 : vector<32x128xi1>
    %xor3A_207 = arith.xori %xor3A_206, %eq3A_32 : vector<32x128xi1>
    %select_n3A_208 = arith.select %xor3A_207, %select_n3A_178, %select_n3A_193 : vector<32x128xi1>, vector<32x128xf32>
    %select_n3A_209 = arith.select %xor3A_207, %select_n3A_179, %select_n3A_200 : vector<32x128xi1>, vector<32x128xi32>
    %iota3A_210 = tpu.iota {dimensions = array<i32: 1>} : vector<32x128xi32>
    %and3A_211 = arith.constant 1 : i32
    %and3A_212 = vector.broadcast %and3A_211 : i32 to vector<32x128xi32>
    %and3A_213 = arith.andi %iota3A_210, %and3A_212 : vector<32x128xi32>
    %eq3A_214 = arith.constant 0 : i32
    %eq3A_215 = vector.broadcast %eq3A_214 : i32 to vector<32x128xi32>
    %eq3A_216 = arith.cmpi eq, %and3A_213, %eq3A_215 : vector<32x128xi32>
    %sub3A_217 = arith.constant 128 : i32
    %sub3A_218 = arith.constant 1 : i32
    %sub3A_219 = arith.subi %sub3A_217, %sub3A_218 : i32
    %roll3A_220 = tpu.dynamic_rotate %select_n3A_208 by %sub3A_219 dim 1 : vector<32x128xf32>, i32 -> vector<32x128xf32>
    %roll3A_221 = arith.constant 1 : i32
    %roll3A_222 = tpu.dynamic_rotate %select_n3A_208 by %roll3A_221 dim 1 : vector<32x128xf32>, i32 -> vector<32x128xf32>
    %select_n3A_223 = arith.select %eq3A_216, %roll3A_220, %roll3A_222 : vector<32x128xi1>, vector<32x128xf32>
    %sub3A_224 = arith.constant 128 : i32
    %sub3A_225 = arith.constant 1 : i32
    %sub3A_226 = arith.subi %sub3A_224, %sub3A_225 : i32
    %roll3A_227 = tpu.dynamic_rotate %select_n3A_209 by %sub3A_226 dim 1 : vector<32x128xi32>, i32 -> vector<32x128xi32>
    %roll3A_228 = arith.constant 1 : i32
    %roll3A_229 = tpu.dynamic_rotate %select_n3A_209 by %roll3A_228 dim 1 : vector<32x128xi32>, i32 -> vector<32x128xi32>
    %select_n3A_230 = arith.select %eq3A_216, %roll3A_227, %roll3A_229 : vector<32x128xi1>, vector<32x128xi32>
    %gt3A_231 = arith.cmpf ogt, %select_n3A_208, %select_n3A_223 : vector<32x128xf32>
    %eq3A_232 = arith.cmpf oeq, %select_n3A_208, %select_n3A_223 : vector<32x128xf32>
    %lt3A_233 = arith.cmpi slt, %select_n3A_209, %select_n3A_230 : vector<32x128xi32>
    %and3A_234 = arith.andi %eq3A_232, %lt3A_233 : vector<32x128xi1>
    %or3A_235 = arith.ori %gt3A_231, %and3A_234 : vector<32x128xi1>
    %xor3A_236 = arith.xori %or3A_235, %eq3A_216 : vector<32x128xi1>
    %xor3A_237 = arith.xori %xor3A_236, %eq3A_32 : vector<32x128xi1>
    %select_n3A_238 = arith.select %xor3A_237, %select_n3A_208, %select_n3A_223 : vector<32x128xi1>, vector<32x128xf32>
    %select_n3A_239 = arith.select %xor3A_237, %select_n3A_209, %select_n3A_230 : vector<32x128xi1>, vector<32x128xi32>
    %swap3A = arith.constant 0 : index
    %swap3A_240 = arith.constant 0 : index
    %swap3A_241 = arith.constant 0 : index
    %swap3A_242 = arith.constant 0 : index
    %swap3A_243 = vector.load %arg4[%swap3A, %swap3A_240, %swap3A_241, %swap3A_242] : memref<32x1x1x128xf32, #tpu.memory_space<vmem>>, vector<32x1x1x128xf32>
    %swap3A_244 = vector.shape_cast %swap3A_243 : vector<32x1x1x128xf32> to vector<32x128xf32>
    %swap3A_245 = vector.shape_cast %select_n3A_238 : vector<32x128xf32> to vector<32x1x1x128xf32>
    tpu.vector_store %arg4[%swap3A, %swap3A_240, %swap3A_241, %swap3A_242], %swap3A_245 {strides = array<i32>} : memref<32x1x1x128xf32, #tpu.memory_space<vmem>>, vector<32x1x1x128xf32>,
    %swap3A_246 = arith.constant 0 : index
    %swap3A_247 = arith.constant 0 : index
    %swap3A_248 = arith.constant 0 : index
    %swap3A_249 = arith.constant 0 : index
    %swap3A_250 = vector.load %arg5[%swap3A_246, %swap3A_247, %swap3A_248, %swap3A_249] : memref<32x1x1x128xi32, #tpu.memory_space<vmem>>, vector<32x1x1x128xi32>
    %swap3A_251 = vector.shape_cast %swap3A_250 : vector<32x1x1x128xi32> to vector<32x128xi32>
    %swap3A_252 = vector.shape_cast %select_n3A_239 : vector<32x128xi32> to vector<32x1x1x128xi32>
    tpu.vector_store %arg5[%swap3A_246, %swap3A_247, %swap3A_248, %swap3A_249], %swap3A_252 {strides = array<i32>} : memref<32x1x1x128xi32, #tpu.memory_space<vmem>>, vector<32x1x1x128xi32>,
    return
  }
  func.func @transform_0(%arg0: i32, %arg1: i32) -> (i32, i32, i32, i32) {
    %c0_i32 = arith.constant 0 : i32
    %c0_i32_0 = arith.constant 0 : i32
    %c0_i32_1 = arith.constant 0 : i32
    return %arg0, %arg1, %c0_i32, %c0_i32_0 : i32, i32, i32, i32
  }
  func.func @transform_1(%arg0: i32, %arg1: i32) -> (i32, i32, i32, i32) {
    %c0_i32 = arith.constant 0 : i32
    %c0_i32_0 = arith.constant 0 : i32
    %c0_i32_1 = arith.constant 0 : i32
    return %arg0, %arg1, %c0_i32, %c0_i32_0 : i32, i32, i32, i32
  }
  func.func @transform_2(%arg0: i32, %arg1: i32) -> (i32, i32, i32, i32) {
    %c0_i32 = arith.constant 0 : i32
    %c0_i32_0 = arith.constant 0 : i32
    %c0_i32_1 = arith.constant 0 : i32
    return %arg0, %arg1, %c0_i32, %c0_i32_0 : i32, i32, i32, i32
  }
  func.func @transform_3(%arg0: i32, %arg1: i32) -> (i32, i32, i32, i32) {
    %c0_i32 = arith.constant 0 : i32
    %c0_i32_0 = arith.constant 0 : i32
    %c0_i32_1 = arith.constant 0 : i32
    return %arg0, %arg1, %c0_i32, %c0_i32_0 : i32, i32, i32, i32
  }
}

module attributes {stable_mosaic.version = 14 : i64} {
  func.func @_merge_body(%arg0: i32, %arg1: i32, %arg2: memref<32x1x2x128xf32, #tpu.memory_space<vmem>>, %arg3: memref<32x1x2x128xi32, #tpu.memory_space<vmem>>, %arg4: memref<32x1x1x128xf32, #tpu.memory_space<vmem>>, %arg5: memref<32x1x1x128xi32, #tpu.memory_space<vmem>>) attributes {dimension_semantics = [#tpu.dimension_semantics<arbitrary>, #tpu.dimension_semantics<arbitrary>], iteration_bounds = array<i64: 32, 32>, scalar_prefetch = 0 : i64, scratch_operands = 0 : i64, tpu.core_type = #tpu.core_type<tc>, window_params = [{transform_indices = @transform_0, window_bounds = array<i64: 32, 1, 2, 128>}, {transform_indices = @transform_1, window_bounds = array<i64: 32, 1, 2, 128>}, {transform_indices = @transform_2, window_bounds = array<i64: 32, 1, 1, 128>}, {transform_indices = @transform_3, window_bounds = array<i64: 32, 1, 1, 128>}]} {
    %get3A = arith.constant 0 : index
    %get3A_0 = arith.constant 0 : index
    %get3A_1 = arith.constant 0 : index
    %get3A_2 = arith.constant 0 : index
    %get3A_3 = vector.load %arg2[%get3A, %get3A_0, %get3A_1, %get3A_2] : memref<32x1x2x128xf32, #tpu.memory_space<vmem>>, vector<32x1x1x128xf32>
    %get3A_4 = vector.shape_cast %get3A_3 : vector<32x1x1x128xf32> to vector<32x128xf32>
    %get3A_5 = arith.constant 0 : index
    %get3A_6 = arith.constant 0 : index
    %get3A_7 = arith.constant 1 : index
    %get3A_8 = arith.constant 0 : index
    %get3A_9 = vector.load %arg2[%get3A_5, %get3A_6, %get3A_7, %get3A_8] : memref<32x1x2x128xf32, #tpu.memory_space<vmem>>, vector<32x1x1x128xf32>
    %get3A_10 = vector.shape_cast %get3A_9 : vector<32x1x1x128xf32> to vector<32x128xf32>
    %get3A_11 = arith.constant 0 : index
    %get3A_12 = arith.constant 0 : index
    %get3A_13 = arith.constant 0 : index
    %get3A_14 = arith.constant 0 : index
    %get3A_15 = vector.load %arg3[%get3A_11, %get3A_12, %get3A_13, %get3A_14] : memref<32x1x2x128xi32, #tpu.memory_space<vmem>>, vector<32x1x1x128xi32>
    %get3A_16 = vector.shape_cast %get3A_15 : vector<32x1x1x128xi32> to vector<32x128xi32>
    %get3A_17 = arith.constant 0 : index
    %get3A_18 = arith.constant 0 : index
    %get3A_19 = arith.constant 1 : index
    %get3A_20 = arith.constant 0 : index
    %get3A_21 = vector.load %arg3[%get3A_17, %get3A_18, %get3A_19, %get3A_20] : memref<32x1x2x128xi32, #tpu.memory_space<vmem>>, vector<32x1x1x128xi32>
    %get3A_22 = vector.shape_cast %get3A_21 : vector<32x1x1x128xi32> to vector<32x128xi32>
    %gt3A = arith.cmpf ogt, %get3A_4, %get3A_10 : vector<32x128xf32>
    %eq3A = arith.cmpf oeq, %get3A_4, %get3A_10 : vector<32x128xf32>
    %lt3A = arith.cmpi slt, %get3A_16, %get3A_22 : vector<32x128xi32>
    %and3A = arith.andi %eq3A, %lt3A : vector<32x128xi1>
    %or3A = arith.ori %gt3A, %and3A : vector<32x128xi1>
    %select_n3A = arith.select %or3A, %get3A_4, %get3A_10 : vector<32x128xi1>, vector<32x128xf32>
    %select_n3A_23 = arith.select %or3A, %get3A_16, %get3A_22 : vector<32x128xi1>, vector<32x128xi32>
    %iota3A = tpu.iota {dimensions = array<i32: 1>} : vector<32x128xi32>
    %and3A_24 = arith.constant 0 : i32
    %and3A_25 = vector.broadcast %and3A_24 : i32 to vector<32x128xi32>
    %and3A_26 = arith.andi %iota3A, %and3A_25 : vector<32x128xi32>
    %and3A_27 = arith.constant 1 : i32
    %and3A_28 = arith.andi %arg1, %and3A_27 : i32
    %add3A = vector.broadcast %and3A_28 : i32 to vector<32x128xi32>
    %add3A_29 = arith.addi %and3A_26, %add3A : vector<32x128xi32>
    %eq3A_30 = arith.constant 0 : i32
    %eq3A_31 = vector.broadcast %eq3A_30 : i32 to vector<32x128xi32>
    %eq3A_32 = arith.cmpi eq, %add3A_29, %eq3A_31 : vector<32x128xi32>
    %iota3A_33 = tpu.iota {dimensions = array<i32: 1>} : vector<32x128xi32>
    %and3A_34 = arith.constant 64 : i32
    %and3A_35 = vector.broadcast %and3A_34 : i32 to vector<32x128xi32>
    %and3A_36 = arith.andi %iota3A_33, %and3A_35 : vector<32x128xi32>
    %eq3A_37 = arith.constant 0 : i32
    %eq3A_38 = vector.broadcast %eq3A_37 : i32 to vector<32x128xi32>
    %eq3A_39 = arith.cmpi eq, %and3A_36, %eq3A_38 : vector<32x128xi32>
    %sub3A = arith.constant 128 : i32
    %sub3A_40 = arith.constant 64 : i32
    %sub3A_41 = arith.subi %sub3A, %sub3A_40 : i32
    %roll3A = tpu.dynamic_rotate %select_n3A by %sub3A_41 dim 1 : vector<32x128xf32>, i32 -> vector<32x128xf32>
    %roll3A_42 = arith.constant 64 : i32
    %roll3A_43 = tpu.dynamic_rotate %select_n3A by %roll3A_42 dim 1 : vector<32x128xf32>, i32 -> vector<32x128xf32>
    %select_n3A_44 = arith.select %eq3A_39, %roll3A, %roll3A_43 : vector<32x128xi1>, vector<32x128xf32>
    %sub3A_45 = arith.constant 128 : i32
    %sub3A_46 = arith.constant 64 : i32
    %sub3A_47 = arith.subi %sub3A_45, %sub3A_46 : i32
    %roll3A_48 = tpu.dynamic_rotate %select_n3A_23 by %sub3A_47 dim 1 : vector<32x128xi32>, i32 -> vector<32x128xi32>
    %roll3A_49 = arith.constant 64 : i32
    %roll3A_50 = tpu.dynamic_rotate %select_n3A_23 by %roll3A_49 dim 1 : vector<32x128xi32>, i32 -> vector<32x128xi32>
    %select_n3A_51 = arith.select %eq3A_39, %roll3A_48, %roll3A_50 : vector<32x128xi1>, vector<32x128xi32>
    %gt3A_52 = arith.cmpf ogt, %select_n3A, %select_n3A_44 : vector<32x128xf32>
    %eq3A_53 = arith.cmpf oeq, %select_n3A, %select_n3A_44 : vector<32x128xf32>
    %lt3A_54 = arith.cmpi slt, %select_n3A_23, %select_n3A_51 : vector<32x128xi32>
    %and3A_55 = arith.andi %eq3A_53, %lt3A_54 : vector<32x128xi1>
    %or3A_56 = arith.ori %gt3A_52, %and3A_55 : vector<32x128xi1>
    %xor3A = arith.xori %or3A_56, %eq3A_39 : vector<32x128xi1>
    %xor3A_57 = arith.xori %xor3A, %eq3A_32 : vector<32x128xi1>
    %select_n3A_58 = arith.select %xor3A_57, %select_n3A, %select_n3A_44 : vector<32x128xi1>, vector<32x128xf32>
    %select_n3A_59 = arith.select %xor3A_57, %select_n3A_23, %select_n3A_51 : vector<32x128xi1>, vector<32x128xi32>
    %iota3A_60 = tpu.iota {dimensions = array<i32: 1>} : vector<32x128xi32>
    %and3A_61 = arith.constant 32 : i32
    %and3A_62 = vector.broadcast %and3A_61 : i32 to vector<32x128xi32>
    %and3A_63 = arith.andi %iota3A_60, %and3A_62 : vector<32x128xi32>
    %eq3A_64 = arith.constant 0 : i32
    %eq3A_65 = vector.broadcast %eq3A_64 : i32 to vector<32x128xi32>
    %eq3A_66 = arith.cmpi eq, %and3A_63, %eq3A_65 : vector<32x128xi32>
    %sub3A_67 = arith.constant 128 : i32
    %sub3A_68 = arith.constant 32 : i32
    %sub3A_69 = arith.subi %sub3A_67, %sub3A_68 : i32
    %roll3A_70 = tpu.dynamic_rotate %select_n3A_58 by %sub3A_69 dim 1 : vector<32x128xf32>, i32 -> vector<32x128xf32>
    %roll3A_71 = arith.constant 32 : i32
    %roll3A_72 = tpu.dynamic_rotate %select_n3A_58 by %roll3A_71 dim 1 : vector<32x128xf32>, i32 -> vector<32x128xf32>
    %select_n3A_73 = arith.select %eq3A_66, %roll3A_70, %roll3A_72 : vector<32x128xi1>, vector<32x128xf32>
    %sub3A_74 = arith.constant 128 : i32
    %sub3A_75 = arith.constant 32 : i32
    %sub3A_76 = arith.subi %sub3A_74, %sub3A_75 : i32
    %roll3A_77 = tpu.dynamic_rotate %select_n3A_59 by %sub3A_76 dim 1 : vector<32x128xi32>, i32 -> vector<32x128xi32>
    %roll3A_78 = arith.constant 32 : i32
    %roll3A_79 = tpu.dynamic_rotate %select_n3A_59 by %roll3A_78 dim 1 : vector<32x128xi32>, i32 -> vector<32x128xi32>
    %select_n3A_80 = arith.select %eq3A_66, %roll3A_77, %roll3A_79 : vector<32x128xi1>, vector<32x128xi32>
    %gt3A_81 = arith.cmpf ogt, %select_n3A_58, %select_n3A_73 : vector<32x128xf32>
    %eq3A_82 = arith.cmpf oeq, %select_n3A_58, %select_n3A_73 : vector<32x128xf32>
    %lt3A_83 = arith.cmpi slt, %select_n3A_59, %select_n3A_80 : vector<32x128xi32>
    %and3A_84 = arith.andi %eq3A_82, %lt3A_83 : vector<32x128xi1>
    %or3A_85 = arith.ori %gt3A_81, %and3A_84 : vector<32x128xi1>
    %xor3A_86 = arith.xori %or3A_85, %eq3A_66 : vector<32x128xi1>
    %xor3A_87 = arith.xori %xor3A_86, %eq3A_32 : vector<32x128xi1>
    %select_n3A_88 = arith.select %xor3A_87, %select_n3A_58, %select_n3A_73 : vector<32x128xi1>, vector<32x128xf32>
    %select_n3A_89 = arith.select %xor3A_87, %select_n3A_59, %select_n3A_80 : vector<32x128xi1>, vector<32x128xi32>
    %iota3A_90 = tpu.iota {dimensions = array<i32: 1>} : vector<32x128xi32>
    %and3A_91 = arith.constant 16 : i32
    %and3A_92 = vector.broadcast %and3A_91 : i32 to vector<32x128xi32>
    %and3A_93 = arith.andi %iota3A_90, %and3A_92 : vector<32x128xi32>
    %eq3A_94 = arith.constant 0 : i32
    %eq3A_95 = vector.broadcast %eq3A_94 : i32 to vector<32x128xi32>
    %eq3A_96 = arith.cmpi eq, %and3A_93, %eq3A_95 : vector<32x128xi32>
    %sub3A_97 = arith.constant 128 : i32
    %sub3A_98 = arith.constant 16 : i32
    %sub3A_99 = arith.subi %sub3A_97, %sub3A_98 : i32
    %roll3A_100 = tpu.dynamic_rotate %select_n3A_88 by %sub3A_99 dim 1 : vector<32x128xf32>, i32 -> vector<32x128xf32>
    %roll3A_101 = arith.constant 16 : i32
    %roll3A_102 = tpu.dynamic_rotate %select_n3A_88 by %roll3A_101 dim 1 : vector<32x128xf32>, i32 -> vector<32x128xf32>
    %select_n3A_103 = arith.select %eq3A_96, %roll3A_100, %roll3A_102 : vector<32x128xi1>, vector<32x128xf32>
    %sub3A_104 = arith.constant 128 : i32
    %sub3A_105 = arith.constant 16 : i32
    %sub3A_106 = arith.subi %sub3A_104, %sub3A_105 : i32
    %roll3A_107 = tpu.dynamic_rotate %select_n3A_89 by %sub3A_106 dim 1 : vector<32x128xi32>, i32 -> vector<32x128xi32>
    %roll3A_108 = arith.constant 16 : i32
    %roll3A_109 = tpu.dynamic_rotate %select_n3A_89 by %roll3A_108 dim 1 : vector<32x128xi32>, i32 -> vector<32x128xi32>
    %select_n3A_110 = arith.select %eq3A_96, %roll3A_107, %roll3A_109 : vector<32x128xi1>, vector<32x128xi32>
    %gt3A_111 = arith.cmpf ogt, %select_n3A_88, %select_n3A_103 : vector<32x128xf32>
    %eq3A_112 = arith.cmpf oeq, %select_n3A_88, %select_n3A_103 : vector<32x128xf32>
    %lt3A_113 = arith.cmpi slt, %select_n3A_89, %select_n3A_110 : vector<32x128xi32>
    %and3A_114 = arith.andi %eq3A_112, %lt3A_113 : vector<32x128xi1>
    %or3A_115 = arith.ori %gt3A_111, %and3A_114 : vector<32x128xi1>
    %xor3A_116 = arith.xori %or3A_115, %eq3A_96 : vector<32x128xi1>
    %xor3A_117 = arith.xori %xor3A_116, %eq3A_32 : vector<32x128xi1>
    %select_n3A_118 = arith.select %xor3A_117, %select_n3A_88, %select_n3A_103 : vector<32x128xi1>, vector<32x128xf32>
    %select_n3A_119 = arith.select %xor3A_117, %select_n3A_89, %select_n3A_110 : vector<32x128xi1>, vector<32x128xi32>
    %iota3A_120 = tpu.iota {dimensions = array<i32: 1>} : vector<32x128xi32>
    %and3A_121 = arith.constant 8 : i32
    %and3A_122 = vector.broadcast %and3A_121 : i32 to vector<32x128xi32>
    %and3A_123 = arith.andi %iota3A_120, %and3A_122 : vector<32x128xi32>
    %eq3A_124 = arith.constant 0 : i32
    %eq3A_125 = vector.broadcast %eq3A_124 : i32 to vector<32x128xi32>
    %eq3A_126 = arith.cmpi eq, %and3A_123, %eq3A_125 : vector<32x128xi32>
    %sub3A_127 = arith.constant 128 : i32
    %sub3A_128 = arith.constant 8 : i32
    %sub3A_129 = arith.subi %sub3A_127, %sub3A_128 : i32
    %roll3A_130 = tpu.dynamic_rotate %select_n3A_118 by %sub3A_129 dim 1 : vector<32x128xf32>, i32 -> vector<32x128xf32>
    %roll3A_131 = arith.constant 8 : i32
    %roll3A_132 = tpu.dynamic_rotate %select_n3A_118 by %roll3A_131 dim 1 : vector<32x128xf32>, i32 -> vector<32x128xf32>
    %select_n3A_133 = arith.select %eq3A_126, %roll3A_130, %roll3A_132 : vector<32x128xi1>, vector<32x128xf32>
    %sub3A_134 = arith.constant 128 : i32
    %sub3A_135 = arith.constant 8 : i32
    %sub3A_136 = arith.subi %sub3A_134, %sub3A_135 : i32
    %roll3A_137 = tpu.dynamic_rotate %select_n3A_119 by %sub3A_136 dim 1 : vector<32x128xi32>, i32 -> vector<32x128xi32>
    %roll3A_138 = arith.constant 8 : i32
    %roll3A_139 = tpu.dynamic_rotate %select_n3A_119 by %roll3A_138 dim 1 : vector<32x128xi32>, i32 -> vector<32x128xi32>
    %select_n3A_140 = arith.select %eq3A_126, %roll3A_137, %roll3A_139 : vector<32x128xi1>, vector<32x128xi32>
    %gt3A_141 = arith.cmpf ogt, %select_n3A_118, %select_n3A_133 : vector<32x128xf32>
    %eq3A_142 = arith.cmpf oeq, %select_n3A_118, %select_n3A_133 : vector<32x128xf32>
    %lt3A_143 = arith.cmpi slt, %select_n3A_119, %select_n3A_140 : vector<32x128xi32>
    %and3A_144 = arith.andi %eq3A_142, %lt3A_143 : vector<32x128xi1>
    %or3A_145 = arith.ori %gt3A_141, %and3A_144 : vector<32x128xi1>
    %xor3A_146 = arith.xori %or3A_145, %eq3A_126 : vector<32x128xi1>
    %xor3A_147 = arith.xori %xor3A_146, %eq3A_32 : vector<32x128xi1>
    %select_n3A_148 = arith.select %xor3A_147, %select_n3A_118, %select_n3A_133 : vector<32x128xi1>, vector<32x128xf32>
    %select_n3A_149 = arith.select %xor3A_147, %select_n3A_119, %select_n3A_140 : vector<32x128xi1>, vector<32x128xi32>
    %iota3A_150 = tpu.iota {dimensions = array<i32: 1>} : vector<32x128xi32>
    %and3A_151 = arith.constant 4 : i32
    %and3A_152 = vector.broadcast %and3A_151 : i32 to vector<32x128xi32>
    %and3A_153 = arith.andi %iota3A_150, %and3A_152 : vector<32x128xi32>
    %eq3A_154 = arith.constant 0 : i32
    %eq3A_155 = vector.broadcast %eq3A_154 : i32 to vector<32x128xi32>
    %eq3A_156 = arith.cmpi eq, %and3A_153, %eq3A_155 : vector<32x128xi32>
    %sub3A_157 = arith.constant 128 : i32
    %sub3A_158 = arith.constant 4 : i32
    %sub3A_159 = arith.subi %sub3A_157, %sub3A_158 : i32
    %roll3A_160 = tpu.dynamic_rotate %select_n3A_148 by %sub3A_159 dim 1 : vector<32x128xf32>, i32 -> vector<32x128xf32>
    %roll3A_161 = arith.constant 4 : i32
    %roll3A_162 = tpu.dynamic_rotate %select_n3A_148 by %roll3A_161 dim 1 : vector<32x128xf32>, i32 -> vector<32x128xf32>
    %select_n3A_163 = arith.select %eq3A_156, %roll3A_160, %roll3A_162 : vector<32x128xi1>, vector<32x128xf32>
    %sub3A_164 = arith.constant 128 : i32
    %sub3A_165 = arith.constant 4 : i32
    %sub3A_166 = arith.subi %sub3A_164, %sub3A_165 : i32
    %roll3A_167 = tpu.dynamic_rotate %select_n3A_149 by %sub3A_166 dim 1 : vector<32x128xi32>, i32 -> vector<32x128xi32>
    %roll3A_168 = arith.constant 4 : i32
    %roll3A_169 = tpu.dynamic_rotate %select_n3A_149 by %roll3A_168 dim 1 : vector<32x128xi32>, i32 -> vector<32x128xi32>
    %select_n3A_170 = arith.select %eq3A_156, %roll3A_167, %roll3A_169 : vector<32x128xi1>, vector<32x128xi32>
    %gt3A_171 = arith.cmpf ogt, %select_n3A_148, %select_n3A_163 : vector<32x128xf32>
    %eq3A_172 = arith.cmpf oeq, %select_n3A_148, %select_n3A_163 : vector<32x128xf32>
    %lt3A_173 = arith.cmpi slt, %select_n3A_149, %select_n3A_170 : vector<32x128xi32>
    %and3A_174 = arith.andi %eq3A_172, %lt3A_173 : vector<32x128xi1>
    %or3A_175 = arith.ori %gt3A_171, %and3A_174 : vector<32x128xi1>
    %xor3A_176 = arith.xori %or3A_175, %eq3A_156 : vector<32x128xi1>
    %xor3A_177 = arith.xori %xor3A_176, %eq3A_32 : vector<32x128xi1>
    %select_n3A_178 = arith.select %xor3A_177, %select_n3A_148, %select_n3A_163 : vector<32x128xi1>, vector<32x128xf32>
    %select_n3A_179 = arith.select %xor3A_177, %select_n3A_149, %select_n3A_170 : vector<32x128xi1>, vector<32x128xi32>
    %iota3A_180 = tpu.iota {dimensions = array<i32: 1>} : vector<32x128xi32>
    %and3A_181 = arith.constant 2 : i32
    %and3A_182 = vector.broadcast %and3A_181 : i32 to vector<32x128xi32>
    %and3A_183 = arith.andi %iota3A_180, %and3A_182 : vector<32x128xi32>
    %eq3A_184 = arith.constant 0 : i32
    %eq3A_185 = vector.broadcast %eq3A_184 : i32 to vector<32x128xi32>
    %eq3A_186 = arith.cmpi eq, %and3A_183, %eq3A_185 : vector<32x128xi32>
    %sub3A_187 = arith.constant 128 : i32
    %sub3A_188 = arith.constant 2 : i32
    %sub3A_189 = arith.subi %sub3A_187, %sub3A_188 : i32
    %roll3A_190 = tpu.dynamic_rotate %select_n3A_178 by %sub3A_189 dim 1 : vector<32x128xf32>, i32 -> vector<32x128xf32>
    %roll3A_191 = arith.constant 2 : i32
    %roll3A_192 = tpu.dynamic_rotate %select_n3A_178 by %roll3A_191 dim 1 : vector<32x128xf32>, i32 -> vector<32x128xf32>
    %select_n3A_193 = arith.select %eq3A_186, %roll3A_190, %roll3A_192 : vector<32x128xi1>, vector<32x128xf32>
    %sub3A_194 = arith.constant 128 : i32
    %sub3A_195 = arith.constant 2 : i32
    %sub3A_196 = arith.subi %sub3A_194, %sub3A_195 : i32
    %roll3A_197 = tpu.dynamic_rotate %select_n3A_179 by %sub3A_196 dim 1 : vector<32x128xi32>, i32 -> vector<32x128xi32>
    %roll3A_198 = arith.constant 2 : i32
    %roll3A_199 = tpu.dynamic_rotate %select_n3A_179 by %roll3A_198 dim 1 : vector<32x128xi32>, i32 -> vector<32x128xi32>
    %select_n3A_200 = arith.select %eq3A_186, %roll3A_197, %roll3A_199 : vector<32x128xi1>, vector<32x128xi32>
    %gt3A_201 = arith.cmpf ogt, %select_n3A_178, %select_n3A_193 : vector<32x128xf32>
    %eq3A_202 = arith.cmpf oeq, %select_n3A_178, %select_n3A_193 : vector<32x128xf32>
    %lt3A_203 = arith.cmpi slt, %select_n3A_179, %select_n3A_200 : vector<32x128xi32>
    %and3A_204 = arith.andi %eq3A_202, %lt3A_203 : vector<32x128xi1>
    %or3A_205 = arith.ori %gt3A_201, %and3A_204 : vector<32x128xi1>
    %xor3A_206 = arith.xori %or3A_205, %eq3A_186 : vector<32x128xi1>
    %xor3A_207 = arith.xori %xor3A_206, %eq3A_32 : vector<32x128xi1>
    %select_n3A_208 = arith.select %xor3A_207, %select_n3A_178, %select_n3A_193 : vector<32x128xi1>, vector<32x128xf32>
    %select_n3A_209 = arith.select %xor3A_207, %select_n3A_179, %select_n3A_200 : vector<32x128xi1>, vector<32x128xi32>
    %iota3A_210 = tpu.iota {dimensions = array<i32: 1>} : vector<32x128xi32>
    %and3A_211 = arith.constant 1 : i32
    %and3A_212 = vector.broadcast %and3A_211 : i32 to vector<32x128xi32>
    %and3A_213 = arith.andi %iota3A_210, %and3A_212 : vector<32x128xi32>
    %eq3A_214 = arith.constant 0 : i32
    %eq3A_215 = vector.broadcast %eq3A_214 : i32 to vector<32x128xi32>
    %eq3A_216 = arith.cmpi eq, %and3A_213, %eq3A_215 : vector<32x128xi32>
    %sub3A_217 = arith.constant 128 : i32
    %sub3A_218 = arith.constant 1 : i32
    %sub3A_219 = arith.subi %sub3A_217, %sub3A_218 : i32
    %roll3A_220 = tpu.dynamic_rotate %select_n3A_208 by %sub3A_219 dim 1 : vector<32x128xf32>, i32 -> vector<32x128xf32>
    %roll3A_221 = arith.constant 1 : i32
    %roll3A_222 = tpu.dynamic_rotate %select_n3A_208 by %roll3A_221 dim 1 : vector<32x128xf32>, i32 -> vector<32x128xf32>
    %select_n3A_223 = arith.select %eq3A_216, %roll3A_220, %roll3A_222 : vector<32x128xi1>, vector<32x128xf32>
    %sub3A_224 = arith.constant 128 : i32
    %sub3A_225 = arith.constant 1 : i32
    %sub3A_226 = arith.subi %sub3A_224, %sub3A_225 : i32
    %roll3A_227 = tpu.dynamic_rotate %select_n3A_209 by %sub3A_226 dim 1 : vector<32x128xi32>, i32 -> vector<32x128xi32>
    %roll3A_228 = arith.constant 1 : i32
    %roll3A_229 = tpu.dynamic_rotate %select_n3A_209 by %roll3A_228 dim 1 : vector<32x128xi32>, i32 -> vector<32x128xi32>
    %select_n3A_230 = arith.select %eq3A_216, %roll3A_227, %roll3A_229 : vector<32x128xi1>, vector<32x128xi32>
    %gt3A_231 = arith.cmpf ogt, %select_n3A_208, %select_n3A_223 : vector<32x128xf32>
    %eq3A_232 = arith.cmpf oeq, %select_n3A_208, %select_n3A_223 : vector<32x128xf32>
    %lt3A_233 = arith.cmpi slt, %select_n3A_209, %select_n3A_230 : vector<32x128xi32>
    %and3A_234 = arith.andi %eq3A_232, %lt3A_233 : vector<32x128xi1>
    %or3A_235 = arith.ori %gt3A_231, %and3A_234 : vector<32x128xi1>
    %xor3A_236 = arith.xori %or3A_235, %eq3A_216 : vector<32x128xi1>
    %xor3A_237 = arith.xori %xor3A_236, %eq3A_32 : vector<32x128xi1>
    %select_n3A_238 = arith.select %xor3A_237, %select_n3A_208, %select_n3A_223 : vector<32x128xi1>, vector<32x128xf32>
    %select_n3A_239 = arith.select %xor3A_237, %select_n3A_209, %select_n3A_230 : vector<32x128xi1>, vector<32x128xi32>
    %swap3A = arith.constant 0 : index
    %swap3A_240 = arith.constant 0 : index
    %swap3A_241 = arith.constant 0 : index
    %swap3A_242 = arith.constant 0 : index
    %swap3A_243 = vector.load %arg4[%swap3A, %swap3A_240, %swap3A_241, %swap3A_242] : memref<32x1x1x128xf32, #tpu.memory_space<vmem>>, vector<32x1x1x128xf32>
    %swap3A_244 = vector.shape_cast %swap3A_243 : vector<32x1x1x128xf32> to vector<32x128xf32>
    %swap3A_245 = vector.shape_cast %select_n3A_238 : vector<32x128xf32> to vector<32x1x1x128xf32>
    tpu.vector_store %arg4[%swap3A, %swap3A_240, %swap3A_241, %swap3A_242], %swap3A_245 {strides = array<i32>} : memref<32x1x1x128xf32, #tpu.memory_space<vmem>>, vector<32x1x1x128xf32>,
    %swap3A_246 = arith.constant 0 : index
    %swap3A_247 = arith.constant 0 : index
    %swap3A_248 = arith.constant 0 : index
    %swap3A_249 = arith.constant 0 : index
    %swap3A_250 = vector.load %arg5[%swap3A_246, %swap3A_247, %swap3A_248, %swap3A_249] : memref<32x1x1x128xi32, #tpu.memory_space<vmem>>, vector<32x1x1x128xi32>
    %swap3A_251 = vector.shape_cast %swap3A_250 : vector<32x1x1x128xi32> to vector<32x128xi32>
    %swap3A_252 = vector.shape_cast %select_n3A_239 : vector<32x128xi32> to vector<32x1x1x128xi32>
    tpu.vector_store %arg5[%swap3A_246, %swap3A_247, %swap3A_248, %swap3A_249], %swap3A_252 {strides = array<i32>} : memref<32x1x1x128xi32, #tpu.memory_space<vmem>>, vector<32x1x1x128xi32>,
    return
  }
  func.func @transform_0(%arg0: i32, %arg1: i32) -> (i32, i32, i32, i32) {
    %c0_i32 = arith.constant 0 : i32
    %c0_i32_0 = arith.constant 0 : i32
    %c0_i32_1 = arith.constant 0 : i32
    return %arg0, %arg1, %c0_i32, %c0_i32_0 : i32, i32, i32, i32
  }
  func.func @transform_1(%arg0: i32, %arg1: i32) -> (i32, i32, i32, i32) {
    %c0_i32 = arith.constant 0 : i32
    %c0_i32_0 = arith.constant 0 : i32
    %c0_i32_1 = arith.constant 0 : i32
    return %arg0, %arg1, %c0_i32, %c0_i32_0 : i32, i32, i32, i32
  }
  func.func @transform_2(%arg0: i32, %arg1: i32) -> (i32, i32, i32, i32) {
    %c0_i32 = arith.constant 0 : i32
    %c0_i32_0 = arith.constant 0 : i32
    %c0_i32_1 = arith.constant 0 : i32
    return %arg0, %arg1, %c0_i32, %c0_i32_0 : i32, i32, i32, i32
  }
  func.func @transform_3(%arg0: i32, %arg1: i32) -> (i32, i32, i32, i32) {
    %c0_i32 = arith.constant 0 : i32
    %c0_i32_0 = arith.constant 0 : i32
    %c0_i32_1 = arith.constant 0 : i32
    return %arg0, %arg1, %c0_i32, %c0_i32_0 : i32, i32, i32, i32
  }
}

module attributes {stable_mosaic.version = 14 : i64} {
  func.func @_merge_body(%arg0: i32, %arg1: i32, %arg2: memref<32x1x2x128xf32, #tpu.memory_space<vmem>>, %arg3: memref<32x1x2x128xi32, #tpu.memory_space<vmem>>, %arg4: memref<32x1x1x128xf32, #tpu.memory_space<vmem>>, %arg5: memref<32x1x1x128xi32, #tpu.memory_space<vmem>>) attributes {dimension_semantics = [#tpu.dimension_semantics<arbitrary>, #tpu.dimension_semantics<arbitrary>], iteration_bounds = array<i64: 32, 16>, scalar_prefetch = 0 : i64, scratch_operands = 0 : i64, tpu.core_type = #tpu.core_type<tc>, window_params = [{transform_indices = @transform_0, window_bounds = array<i64: 32, 1, 2, 128>}, {transform_indices = @transform_1, window_bounds = array<i64: 32, 1, 2, 128>}, {transform_indices = @transform_2, window_bounds = array<i64: 32, 1, 1, 128>}, {transform_indices = @transform_3, window_bounds = array<i64: 32, 1, 1, 128>}]} {
    %get3A = arith.constant 0 : index
    %get3A_0 = arith.constant 0 : index
    %get3A_1 = arith.constant 0 : index
    %get3A_2 = arith.constant 0 : index
    %get3A_3 = vector.load %arg2[%get3A, %get3A_0, %get3A_1, %get3A_2] : memref<32x1x2x128xf32, #tpu.memory_space<vmem>>, vector<32x1x1x128xf32>
    %get3A_4 = vector.shape_cast %get3A_3 : vector<32x1x1x128xf32> to vector<32x128xf32>
    %get3A_5 = arith.constant 0 : index
    %get3A_6 = arith.constant 0 : index
    %get3A_7 = arith.constant 1 : index
    %get3A_8 = arith.constant 0 : index
    %get3A_9 = vector.load %arg2[%get3A_5, %get3A_6, %get3A_7, %get3A_8] : memref<32x1x2x128xf32, #tpu.memory_space<vmem>>, vector<32x1x1x128xf32>
    %get3A_10 = vector.shape_cast %get3A_9 : vector<32x1x1x128xf32> to vector<32x128xf32>
    %get3A_11 = arith.constant 0 : index
    %get3A_12 = arith.constant 0 : index
    %get3A_13 = arith.constant 0 : index
    %get3A_14 = arith.constant 0 : index
    %get3A_15 = vector.load %arg3[%get3A_11, %get3A_12, %get3A_13, %get3A_14] : memref<32x1x2x128xi32, #tpu.memory_space<vmem>>, vector<32x1x1x128xi32>
    %get3A_16 = vector.shape_cast %get3A_15 : vector<32x1x1x128xi32> to vector<32x128xi32>
    %get3A_17 = arith.constant 0 : index
    %get3A_18 = arith.constant 0 : index
    %get3A_19 = arith.constant 1 : index
    %get3A_20 = arith.constant 0 : index
    %get3A_21 = vector.load %arg3[%get3A_17, %get3A_18, %get3A_19, %get3A_20] : memref<32x1x2x128xi32, #tpu.memory_space<vmem>>, vector<32x1x1x128xi32>
    %get3A_22 = vector.shape_cast %get3A_21 : vector<32x1x1x128xi32> to vector<32x128xi32>
    %gt3A = arith.cmpf ogt, %get3A_4, %get3A_10 : vector<32x128xf32>
    %eq3A = arith.cmpf oeq, %get3A_4, %get3A_10 : vector<32x128xf32>
    %lt3A = arith.cmpi slt, %get3A_16, %get3A_22 : vector<32x128xi32>
    %and3A = arith.andi %eq3A, %lt3A : vector<32x128xi1>
    %or3A = arith.ori %gt3A, %and3A : vector<32x128xi1>
    %select_n3A = arith.select %or3A, %get3A_4, %get3A_10 : vector<32x128xi1>, vector<32x128xf32>
    %select_n3A_23 = arith.select %or3A, %get3A_16, %get3A_22 : vector<32x128xi1>, vector<32x128xi32>
    %iota3A = tpu.iota {dimensions = array<i32: 1>} : vector<32x128xi32>
    %and3A_24 = arith.constant 0 : i32
    %and3A_25 = vector.broadcast %and3A_24 : i32 to vector<32x128xi32>
    %and3A_26 = arith.andi %iota3A, %and3A_25 : vector<32x128xi32>
    %and3A_27 = arith.constant 1 : i32
    %and3A_28 = arith.andi %arg1, %and3A_27 : i32
    %add3A = vector.broadcast %and3A_28 : i32 to vector<32x128xi32>
    %add3A_29 = arith.addi %and3A_26, %add3A : vector<32x128xi32>
    %eq3A_30 = arith.constant 0 : i32
    %eq3A_31 = vector.broadcast %eq3A_30 : i32 to vector<32x128xi32>
    %eq3A_32 = arith.cmpi eq, %add3A_29, %eq3A_31 : vector<32x128xi32>
    %iota3A_33 = tpu.iota {dimensions = array<i32: 1>} : vector<32x128xi32>
    %and3A_34 = arith.constant 64 : i32
    %and3A_35 = vector.broadcast %and3A_34 : i32 to vector<32x128xi32>
    %and3A_36 = arith.andi %iota3A_33, %and3A_35 : vector<32x128xi32>
    %eq3A_37 = arith.constant 0 : i32
    %eq3A_38 = vector.broadcast %eq3A_37 : i32 to vector<32x128xi32>
    %eq3A_39 = arith.cmpi eq, %and3A_36, %eq3A_38 : vector<32x128xi32>
    %sub3A = arith.constant 128 : i32
    %sub3A_40 = arith.constant 64 : i32
    %sub3A_41 = arith.subi %sub3A, %sub3A_40 : i32
    %roll3A = tpu.dynamic_rotate %select_n3A by %sub3A_41 dim 1 : vector<32x128xf32>, i32 -> vector<32x128xf32>
    %roll3A_42 = arith.constant 64 : i32
    %roll3A_43 = tpu.dynamic_rotate %select_n3A by %roll3A_42 dim 1 : vector<32x128xf32>, i32 -> vector<32x128xf32>
    %select_n3A_44 = arith.select %eq3A_39, %roll3A, %roll3A_43 : vector<32x128xi1>, vector<32x128xf32>
    %sub3A_45 = arith.constant 128 : i32
    %sub3A_46 = arith.constant 64 : i32
    %sub3A_47 = arith.subi %sub3A_45, %sub3A_46 : i32
    %roll3A_48 = tpu.dynamic_rotate %select_n3A_23 by %sub3A_47 dim 1 : vector<32x128xi32>, i32 -> vector<32x128xi32>
    %roll3A_49 = arith.constant 64 : i32
    %roll3A_50 = tpu.dynamic_rotate %select_n3A_23 by %roll3A_49 dim 1 : vector<32x128xi32>, i32 -> vector<32x128xi32>
    %select_n3A_51 = arith.select %eq3A_39, %roll3A_48, %roll3A_50 : vector<32x128xi1>, vector<32x128xi32>
    %gt3A_52 = arith.cmpf ogt, %select_n3A, %select_n3A_44 : vector<32x128xf32>
    %eq3A_53 = arith.cmpf oeq, %select_n3A, %select_n3A_44 : vector<32x128xf32>
    %lt3A_54 = arith.cmpi slt, %select_n3A_23, %select_n3A_51 : vector<32x128xi32>
    %and3A_55 = arith.andi %eq3A_53, %lt3A_54 : vector<32x128xi1>
    %or3A_56 = arith.ori %gt3A_52, %and3A_55 : vector<32x128xi1>
    %xor3A = arith.xori %or3A_56, %eq3A_39 : vector<32x128xi1>
    %xor3A_57 = arith.xori %xor3A, %eq3A_32 : vector<32x128xi1>
    %select_n3A_58 = arith.select %xor3A_57, %select_n3A, %select_n3A_44 : vector<32x128xi1>, vector<32x128xf32>
    %select_n3A_59 = arith.select %xor3A_57, %select_n3A_23, %select_n3A_51 : vector<32x128xi1>, vector<32x128xi32>
    %iota3A_60 = tpu.iota {dimensions = array<i32: 1>} : vector<32x128xi32>
    %and3A_61 = arith.constant 32 : i32
    %and3A_62 = vector.broadcast %and3A_61 : i32 to vector<32x128xi32>
    %and3A_63 = arith.andi %iota3A_60, %and3A_62 : vector<32x128xi32>
    %eq3A_64 = arith.constant 0 : i32
    %eq3A_65 = vector.broadcast %eq3A_64 : i32 to vector<32x128xi32>
    %eq3A_66 = arith.cmpi eq, %and3A_63, %eq3A_65 : vector<32x128xi32>
    %sub3A_67 = arith.constant 128 : i32
    %sub3A_68 = arith.constant 32 : i32
    %sub3A_69 = arith.subi %sub3A_67, %sub3A_68 : i32
    %roll3A_70 = tpu.dynamic_rotate %select_n3A_58 by %sub3A_69 dim 1 : vector<32x128xf32>, i32 -> vector<32x128xf32>
    %roll3A_71 = arith.constant 32 : i32
    %roll3A_72 = tpu.dynamic_rotate %select_n3A_58 by %roll3A_71 dim 1 : vector<32x128xf32>, i32 -> vector<32x128xf32>
    %select_n3A_73 = arith.select %eq3A_66, %roll3A_70, %roll3A_72 : vector<32x128xi1>, vector<32x128xf32>
    %sub3A_74 = arith.constant 128 : i32
    %sub3A_75 = arith.constant 32 : i32
    %sub3A_76 = arith.subi %sub3A_74, %sub3A_75 : i32
    %roll3A_77 = tpu.dynamic_rotate %select_n3A_59 by %sub3A_76 dim 1 : vector<32x128xi32>, i32 -> vector<32x128xi32>
    %roll3A_78 = arith.constant 32 : i32
    %roll3A_79 = tpu.dynamic_rotate %select_n3A_59 by %roll3A_78 dim 1 : vector<32x128xi32>, i32 -> vector<32x128xi32>
    %select_n3A_80 = arith.select %eq3A_66, %roll3A_77, %roll3A_79 : vector<32x128xi1>, vector<32x128xi32>
    %gt3A_81 = arith.cmpf ogt, %select_n3A_58, %select_n3A_73 : vector<32x128xf32>
    %eq3A_82 = arith.cmpf oeq, %select_n3A_58, %select_n3A_73 : vector<32x128xf32>
    %lt3A_83 = arith.cmpi slt, %select_n3A_59, %select_n3A_80 : vector<32x128xi32>
    %and3A_84 = arith.andi %eq3A_82, %lt3A_83 : vector<32x128xi1>
    %or3A_85 = arith.ori %gt3A_81, %and3A_84 : vector<32x128xi1>
    %xor3A_86 = arith.xori %or3A_85, %eq3A_66 : vector<32x128xi1>
    %xor3A_87 = arith.xori %xor3A_86, %eq3A_32 : vector<32x128xi1>
    %select_n3A_88 = arith.select %xor3A_87, %select_n3A_58, %select_n3A_73 : vector<32x128xi1>, vector<32x128xf32>
    %select_n3A_89 = arith.select %xor3A_87, %select_n3A_59, %select_n3A_80 : vector<32x128xi1>, vector<32x128xi32>
    %iota3A_90 = tpu.iota {dimensions = array<i32: 1>} : vector<32x128xi32>
    %and3A_91 = arith.constant 16 : i32
    %and3A_92 = vector.broadcast %and3A_91 : i32 to vector<32x128xi32>
    %and3A_93 = arith.andi %iota3A_90, %and3A_92 : vector<32x128xi32>
    %eq3A_94 = arith.constant 0 : i32
    %eq3A_95 = vector.broadcast %eq3A_94 : i32 to vector<32x128xi32>
    %eq3A_96 = arith.cmpi eq, %and3A_93, %eq3A_95 : vector<32x128xi32>
    %sub3A_97 = arith.constant 128 : i32
    %sub3A_98 = arith.constant 16 : i32
    %sub3A_99 = arith.subi %sub3A_97, %sub3A_98 : i32
    %roll3A_100 = tpu.dynamic_rotate %select_n3A_88 by %sub3A_99 dim 1 : vector<32x128xf32>, i32 -> vector<32x128xf32>
    %roll3A_101 = arith.constant 16 : i32
    %roll3A_102 = tpu.dynamic_rotate %select_n3A_88 by %roll3A_101 dim 1 : vector<32x128xf32>, i32 -> vector<32x128xf32>
    %select_n3A_103 = arith.select %eq3A_96, %roll3A_100, %roll3A_102 : vector<32x128xi1>, vector<32x128xf32>
    %sub3A_104 = arith.constant 128 : i32
    %sub3A_105 = arith.constant 16 : i32
    %sub3A_106 = arith.subi %sub3A_104, %sub3A_105 : i32
    %roll3A_107 = tpu.dynamic_rotate %select_n3A_89 by %sub3A_106 dim 1 : vector<32x128xi32>, i32 -> vector<32x128xi32>
    %roll3A_108 = arith.constant 16 : i32
    %roll3A_109 = tpu.dynamic_rotate %select_n3A_89 by %roll3A_108 dim 1 : vector<32x128xi32>, i32 -> vector<32x128xi32>
    %select_n3A_110 = arith.select %eq3A_96, %roll3A_107, %roll3A_109 : vector<32x128xi1>, vector<32x128xi32>
    %gt3A_111 = arith.cmpf ogt, %select_n3A_88, %select_n3A_103 : vector<32x128xf32>
    %eq3A_112 = arith.cmpf oeq, %select_n3A_88, %select_n3A_103 : vector<32x128xf32>
    %lt3A_113 = arith.cmpi slt, %select_n3A_89, %select_n3A_110 : vector<32x128xi32>
    %and3A_114 = arith.andi %eq3A_112, %lt3A_113 : vector<32x128xi1>
    %or3A_115 = arith.ori %gt3A_111, %and3A_114 : vector<32x128xi1>
    %xor3A_116 = arith.xori %or3A_115, %eq3A_96 : vector<32x128xi1>
    %xor3A_117 = arith.xori %xor3A_116, %eq3A_32 : vector<32x128xi1>
    %select_n3A_118 = arith.select %xor3A_117, %select_n3A_88, %select_n3A_103 : vector<32x128xi1>, vector<32x128xf32>
    %select_n3A_119 = arith.select %xor3A_117, %select_n3A_89, %select_n3A_110 : vector<32x128xi1>, vector<32x128xi32>
    %iota3A_120 = tpu.iota {dimensions = array<i32: 1>} : vector<32x128xi32>
    %and3A_121 = arith.constant 8 : i32
    %and3A_122 = vector.broadcast %and3A_121 : i32 to vector<32x128xi32>
    %and3A_123 = arith.andi %iota3A_120, %and3A_122 : vector<32x128xi32>
    %eq3A_124 = arith.constant 0 : i32
    %eq3A_125 = vector.broadcast %eq3A_124 : i32 to vector<32x128xi32>
    %eq3A_126 = arith.cmpi eq, %and3A_123, %eq3A_125 : vector<32x128xi32>
    %sub3A_127 = arith.constant 128 : i32
    %sub3A_128 = arith.constant 8 : i32
    %sub3A_129 = arith.subi %sub3A_127, %sub3A_128 : i32
    %roll3A_130 = tpu.dynamic_rotate %select_n3A_118 by %sub3A_129 dim 1 : vector<32x128xf32>, i32 -> vector<32x128xf32>
    %roll3A_131 = arith.constant 8 : i32
    %roll3A_132 = tpu.dynamic_rotate %select_n3A_118 by %roll3A_131 dim 1 : vector<32x128xf32>, i32 -> vector<32x128xf32>
    %select_n3A_133 = arith.select %eq3A_126, %roll3A_130, %roll3A_132 : vector<32x128xi1>, vector<32x128xf32>
    %sub3A_134 = arith.constant 128 : i32
    %sub3A_135 = arith.constant 8 : i32
    %sub3A_136 = arith.subi %sub3A_134, %sub3A_135 : i32
    %roll3A_137 = tpu.dynamic_rotate %select_n3A_119 by %sub3A_136 dim 1 : vector<32x128xi32>, i32 -> vector<32x128xi32>
    %roll3A_138 = arith.constant 8 : i32
    %roll3A_139 = tpu.dynamic_rotate %select_n3A_119 by %roll3A_138 dim 1 : vector<32x128xi32>, i32 -> vector<32x128xi32>
    %select_n3A_140 = arith.select %eq3A_126, %roll3A_137, %roll3A_139 : vector<32x128xi1>, vector<32x128xi32>
    %gt3A_141 = arith.cmpf ogt, %select_n3A_118, %select_n3A_133 : vector<32x128xf32>
    %eq3A_142 = arith.cmpf oeq, %select_n3A_118, %select_n3A_133 : vector<32x128xf32>
    %lt3A_143 = arith.cmpi slt, %select_n3A_119, %select_n3A_140 : vector<32x128xi32>
    %and3A_144 = arith.andi %eq3A_142, %lt3A_143 : vector<32x128xi1>
    %or3A_145 = arith.ori %gt3A_141, %and3A_144 : vector<32x128xi1>
    %xor3A_146 = arith.xori %or3A_145, %eq3A_126 : vector<32x128xi1>
    %xor3A_147 = arith.xori %xor3A_146, %eq3A_32 : vector<32x128xi1>
    %select_n3A_148 = arith.select %xor3A_147, %select_n3A_118, %select_n3A_133 : vector<32x128xi1>, vector<32x128xf32>
    %select_n3A_149 = arith.select %xor3A_147, %select_n3A_119, %select_n3A_140 : vector<32x128xi1>, vector<32x128xi32>
    %iota3A_150 = tpu.iota {dimensions = array<i32: 1>} : vector<32x128xi32>
    %and3A_151 = arith.constant 4 : i32
    %and3A_152 = vector.broadcast %and3A_151 : i32 to vector<32x128xi32>
    %and3A_153 = arith.andi %iota3A_150, %and3A_152 : vector<32x128xi32>
    %eq3A_154 = arith.constant 0 : i32
    %eq3A_155 = vector.broadcast %eq3A_154 : i32 to vector<32x128xi32>
    %eq3A_156 = arith.cmpi eq, %and3A_153, %eq3A_155 : vector<32x128xi32>
    %sub3A_157 = arith.constant 128 : i32
    %sub3A_158 = arith.constant 4 : i32
    %sub3A_159 = arith.subi %sub3A_157, %sub3A_158 : i32
    %roll3A_160 = tpu.dynamic_rotate %select_n3A_148 by %sub3A_159 dim 1 : vector<32x128xf32>, i32 -> vector<32x128xf32>
    %roll3A_161 = arith.constant 4 : i32
    %roll3A_162 = tpu.dynamic_rotate %select_n3A_148 by %roll3A_161 dim 1 : vector<32x128xf32>, i32 -> vector<32x128xf32>
    %select_n3A_163 = arith.select %eq3A_156, %roll3A_160, %roll3A_162 : vector<32x128xi1>, vector<32x128xf32>
    %sub3A_164 = arith.constant 128 : i32
    %sub3A_165 = arith.constant 4 : i32
    %sub3A_166 = arith.subi %sub3A_164, %sub3A_165 : i32
    %roll3A_167 = tpu.dynamic_rotate %select_n3A_149 by %sub3A_166 dim 1 : vector<32x128xi32>, i32 -> vector<32x128xi32>
    %roll3A_168 = arith.constant 4 : i32
    %roll3A_169 = tpu.dynamic_rotate %select_n3A_149 by %roll3A_168 dim 1 : vector<32x128xi32>, i32 -> vector<32x128xi32>
    %select_n3A_170 = arith.select %eq3A_156, %roll3A_167, %roll3A_169 : vector<32x128xi1>, vector<32x128xi32>
    %gt3A_171 = arith.cmpf ogt, %select_n3A_148, %select_n3A_163 : vector<32x128xf32>
    %eq3A_172 = arith.cmpf oeq, %select_n3A_148, %select_n3A_163 : vector<32x128xf32>
    %lt3A_173 = arith.cmpi slt, %select_n3A_149, %select_n3A_170 : vector<32x128xi32>
    %and3A_174 = arith.andi %eq3A_172, %lt3A_173 : vector<32x128xi1>
    %or3A_175 = arith.ori %gt3A_171, %and3A_174 : vector<32x128xi1>
    %xor3A_176 = arith.xori %or3A_175, %eq3A_156 : vector<32x128xi1>
    %xor3A_177 = arith.xori %xor3A_176, %eq3A_32 : vector<32x128xi1>
    %select_n3A_178 = arith.select %xor3A_177, %select_n3A_148, %select_n3A_163 : vector<32x128xi1>, vector<32x128xf32>
    %select_n3A_179 = arith.select %xor3A_177, %select_n3A_149, %select_n3A_170 : vector<32x128xi1>, vector<32x128xi32>
    %iota3A_180 = tpu.iota {dimensions = array<i32: 1>} : vector<32x128xi32>
    %and3A_181 = arith.constant 2 : i32
    %and3A_182 = vector.broadcast %and3A_181 : i32 to vector<32x128xi32>
    %and3A_183 = arith.andi %iota3A_180, %and3A_182 : vector<32x128xi32>
    %eq3A_184 = arith.constant 0 : i32
    %eq3A_185 = vector.broadcast %eq3A_184 : i32 to vector<32x128xi32>
    %eq3A_186 = arith.cmpi eq, %and3A_183, %eq3A_185 : vector<32x128xi32>
    %sub3A_187 = arith.constant 128 : i32
    %sub3A_188 = arith.constant 2 : i32
    %sub3A_189 = arith.subi %sub3A_187, %sub3A_188 : i32
    %roll3A_190 = tpu.dynamic_rotate %select_n3A_178 by %sub3A_189 dim 1 : vector<32x128xf32>, i32 -> vector<32x128xf32>
    %roll3A_191 = arith.constant 2 : i32
    %roll3A_192 = tpu.dynamic_rotate %select_n3A_178 by %roll3A_191 dim 1 : vector<32x128xf32>, i32 -> vector<32x128xf32>
    %select_n3A_193 = arith.select %eq3A_186, %roll3A_190, %roll3A_192 : vector<32x128xi1>, vector<32x128xf32>
    %sub3A_194 = arith.constant 128 : i32
    %sub3A_195 = arith.constant 2 : i32
    %sub3A_196 = arith.subi %sub3A_194, %sub3A_195 : i32
    %roll3A_197 = tpu.dynamic_rotate %select_n3A_179 by %sub3A_196 dim 1 : vector<32x128xi32>, i32 -> vector<32x128xi32>
    %roll3A_198 = arith.constant 2 : i32
    %roll3A_199 = tpu.dynamic_rotate %select_n3A_179 by %roll3A_198 dim 1 : vector<32x128xi32>, i32 -> vector<32x128xi32>
    %select_n3A_200 = arith.select %eq3A_186, %roll3A_197, %roll3A_199 : vector<32x128xi1>, vector<32x128xi32>
    %gt3A_201 = arith.cmpf ogt, %select_n3A_178, %select_n3A_193 : vector<32x128xf32>
    %eq3A_202 = arith.cmpf oeq, %select_n3A_178, %select_n3A_193 : vector<32x128xf32>
    %lt3A_203 = arith.cmpi slt, %select_n3A_179, %select_n3A_200 : vector<32x128xi32>
    %and3A_204 = arith.andi %eq3A_202, %lt3A_203 : vector<32x128xi1>
    %or3A_205 = arith.ori %gt3A_201, %and3A_204 : vector<32x128xi1>
    %xor3A_206 = arith.xori %or3A_205, %eq3A_186 : vector<32x128xi1>
    %xor3A_207 = arith.xori %xor3A_206, %eq3A_32 : vector<32x128xi1>
    %select_n3A_208 = arith.select %xor3A_207, %select_n3A_178, %select_n3A_193 : vector<32x128xi1>, vector<32x128xf32>
    %select_n3A_209 = arith.select %xor3A_207, %select_n3A_179, %select_n3A_200 : vector<32x128xi1>, vector<32x128xi32>
    %iota3A_210 = tpu.iota {dimensions = array<i32: 1>} : vector<32x128xi32>
    %and3A_211 = arith.constant 1 : i32
    %and3A_212 = vector.broadcast %and3A_211 : i32 to vector<32x128xi32>
    %and3A_213 = arith.andi %iota3A_210, %and3A_212 : vector<32x128xi32>
    %eq3A_214 = arith.constant 0 : i32
    %eq3A_215 = vector.broadcast %eq3A_214 : i32 to vector<32x128xi32>
    %eq3A_216 = arith.cmpi eq, %and3A_213, %eq3A_215 : vector<32x128xi32>
    %sub3A_217 = arith.constant 128 : i32
    %sub3A_218 = arith.constant 1 : i32
    %sub3A_219 = arith.subi %sub3A_217, %sub3A_218 : i32
    %roll3A_220 = tpu.dynamic_rotate %select_n3A_208 by %sub3A_219 dim 1 : vector<32x128xf32>, i32 -> vector<32x128xf32>
    %roll3A_221 = arith.constant 1 : i32
    %roll3A_222 = tpu.dynamic_rotate %select_n3A_208 by %roll3A_221 dim 1 : vector<32x128xf32>, i32 -> vector<32x128xf32>
    %select_n3A_223 = arith.select %eq3A_216, %roll3A_220, %roll3A_222 : vector<32x128xi1>, vector<32x128xf32>
    %sub3A_224 = arith.constant 128 : i32
    %sub3A_225 = arith.constant 1 : i32
    %sub3A_226 = arith.subi %sub3A_224, %sub3A_225 : i32
    %roll3A_227 = tpu.dynamic_rotate %select_n3A_209 by %sub3A_226 dim 1 : vector<32x128xi32>, i32 -> vector<32x128xi32>
    %roll3A_228 = arith.constant 1 : i32
    %roll3A_229 = tpu.dynamic_rotate %select_n3A_209 by %roll3A_228 dim 1 : vector<32x128xi32>, i32 -> vector<32x128xi32>
    %select_n3A_230 = arith.select %eq3A_216, %roll3A_227, %roll3A_229 : vector<32x128xi1>, vector<32x128xi32>
    %gt3A_231 = arith.cmpf ogt, %select_n3A_208, %select_n3A_223 : vector<32x128xf32>
    %eq3A_232 = arith.cmpf oeq, %select_n3A_208, %select_n3A_223 : vector<32x128xf32>
    %lt3A_233 = arith.cmpi slt, %select_n3A_209, %select_n3A_230 : vector<32x128xi32>
    %and3A_234 = arith.andi %eq3A_232, %lt3A_233 : vector<32x128xi1>
    %or3A_235 = arith.ori %gt3A_231, %and3A_234 : vector<32x128xi1>
    %xor3A_236 = arith.xori %or3A_235, %eq3A_216 : vector<32x128xi1>
    %xor3A_237 = arith.xori %xor3A_236, %eq3A_32 : vector<32x128xi1>
    %select_n3A_238 = arith.select %xor3A_237, %select_n3A_208, %select_n3A_223 : vector<32x128xi1>, vector<32x128xf32>
    %select_n3A_239 = arith.select %xor3A_237, %select_n3A_209, %select_n3A_230 : vector<32x128xi1>, vector<32x128xi32>
    %swap3A = arith.constant 0 : index
    %swap3A_240 = arith.constant 0 : index
    %swap3A_241 = arith.constant 0 : index
    %swap3A_242 = arith.constant 0 : index
    %swap3A_243 = vector.load %arg4[%swap3A, %swap3A_240, %swap3A_241, %swap3A_242] : memref<32x1x1x128xf32, #tpu.memory_space<vmem>>, vector<32x1x1x128xf32>
    %swap3A_244 = vector.shape_cast %swap3A_243 : vector<32x1x1x128xf32> to vector<32x128xf32>
    %swap3A_245 = vector.shape_cast %select_n3A_238 : vector<32x128xf32> to vector<32x1x1x128xf32>
    tpu.vector_store %arg4[%swap3A, %swap3A_240, %swap3A_241, %swap3A_242], %swap3A_245 {strides = array<i32>} : memref<32x1x1x128xf32, #tpu.memory_space<vmem>>, vector<32x1x1x128xf32>,
    %swap3A_246 = arith.constant 0 : index
    %swap3A_247 = arith.constant 0 : index
    %swap3A_248 = arith.constant 0 : index
    %swap3A_249 = arith.constant 0 : index
    %swap3A_250 = vector.load %arg5[%swap3A_246, %swap3A_247, %swap3A_248, %swap3A_249] : memref<32x1x1x128xi32, #tpu.memory_space<vmem>>, vector<32x1x1x128xi32>
    %swap3A_251 = vector.shape_cast %swap3A_250 : vector<32x1x1x128xi32> to vector<32x128xi32>
    %swap3A_252 = vector.shape_cast %select_n3A_239 : vector<32x128xi32> to vector<32x1x1x128xi32>
    tpu.vector_store %arg5[%swap3A_246, %swap3A_247, %swap3A_248, %swap3A_249], %swap3A_252 {strides = array<i32>} : memref<32x1x1x128xi32, #tpu.memory_space<vmem>>, vector<32x1x1x128xi32>,
    return
  }
  func.func @transform_0(%arg0: i32, %arg1: i32) -> (i32, i32, i32, i32) {
    %c0_i32 = arith.constant 0 : i32
    %c0_i32_0 = arith.constant 0 : i32
    %c0_i32_1 = arith.constant 0 : i32
    return %arg0, %arg1, %c0_i32, %c0_i32_0 : i32, i32, i32, i32
  }
  func.func @transform_1(%arg0: i32, %arg1: i32) -> (i32, i32, i32, i32) {
    %c0_i32 = arith.constant 0 : i32
    %c0_i32_0 = arith.constant 0 : i32
    %c0_i32_1 = arith.constant 0 : i32
    return %arg0, %arg1, %c0_i32, %c0_i32_0 : i32, i32, i32, i32
  }
  func.func @transform_2(%arg0: i32, %arg1: i32) -> (i32, i32, i32, i32) {
    %c0_i32 = arith.constant 0 : i32
    %c0_i32_0 = arith.constant 0 : i32
    %c0_i32_1 = arith.constant 0 : i32
    return %arg0, %arg1, %c0_i32, %c0_i32_0 : i32, i32, i32, i32
  }
  func.func @transform_3(%arg0: i32, %arg1: i32) -> (i32, i32, i32, i32) {
    %c0_i32 = arith.constant 0 : i32
    %c0_i32_0 = arith.constant 0 : i32
    %c0_i32_1 = arith.constant 0 : i32
    return %arg0, %arg1, %c0_i32, %c0_i32_0 : i32, i32, i32, i32
  }
}

module attributes {stable_mosaic.version = 14 : i64} {
  func.func @_merge_body(%arg0: i32, %arg1: i32, %arg2: memref<32x1x2x128xf32, #tpu.memory_space<vmem>>, %arg3: memref<32x1x2x128xi32, #tpu.memory_space<vmem>>, %arg4: memref<32x1x1x128xf32, #tpu.memory_space<vmem>>, %arg5: memref<32x1x1x128xi32, #tpu.memory_space<vmem>>) attributes {dimension_semantics = [#tpu.dimension_semantics<arbitrary>, #tpu.dimension_semantics<arbitrary>], iteration_bounds = array<i64: 32, 8>, scalar_prefetch = 0 : i64, scratch_operands = 0 : i64, tpu.core_type = #tpu.core_type<tc>, window_params = [{transform_indices = @transform_0, window_bounds = array<i64: 32, 1, 2, 128>}, {transform_indices = @transform_1, window_bounds = array<i64: 32, 1, 2, 128>}, {transform_indices = @transform_2, window_bounds = array<i64: 32, 1, 1, 128>}, {transform_indices = @transform_3, window_bounds = array<i64: 32, 1, 1, 128>}]} {
    %get3A = arith.constant 0 : index
    %get3A_0 = arith.constant 0 : index
    %get3A_1 = arith.constant 0 : index
    %get3A_2 = arith.constant 0 : index
    %get3A_3 = vector.load %arg2[%get3A, %get3A_0, %get3A_1, %get3A_2] : memref<32x1x2x128xf32, #tpu.memory_space<vmem>>, vector<32x1x1x128xf32>
    %get3A_4 = vector.shape_cast %get3A_3 : vector<32x1x1x128xf32> to vector<32x128xf32>
    %get3A_5 = arith.constant 0 : index
    %get3A_6 = arith.constant 0 : index
    %get3A_7 = arith.constant 1 : index
    %get3A_8 = arith.constant 0 : index
    %get3A_9 = vector.load %arg2[%get3A_5, %get3A_6, %get3A_7, %get3A_8] : memref<32x1x2x128xf32, #tpu.memory_space<vmem>>, vector<32x1x1x128xf32>
    %get3A_10 = vector.shape_cast %get3A_9 : vector<32x1x1x128xf32> to vector<32x128xf32>
    %get3A_11 = arith.constant 0 : index
    %get3A_12 = arith.constant 0 : index
    %get3A_13 = arith.constant 0 : index
    %get3A_14 = arith.constant 0 : index
    %get3A_15 = vector.load %arg3[%get3A_11, %get3A_12, %get3A_13, %get3A_14] : memref<32x1x2x128xi32, #tpu.memory_space<vmem>>, vector<32x1x1x128xi32>
    %get3A_16 = vector.shape_cast %get3A_15 : vector<32x1x1x128xi32> to vector<32x128xi32>
    %get3A_17 = arith.constant 0 : index
    %get3A_18 = arith.constant 0 : index
    %get3A_19 = arith.constant 1 : index
    %get3A_20 = arith.constant 0 : index
    %get3A_21 = vector.load %arg3[%get3A_17, %get3A_18, %get3A_19, %get3A_20] : memref<32x1x2x128xi32, #tpu.memory_space<vmem>>, vector<32x1x1x128xi32>
    %get3A_22 = vector.shape_cast %get3A_21 : vector<32x1x1x128xi32> to vector<32x128xi32>
    %gt3A = arith.cmpf ogt, %get3A_4, %get3A_10 : vector<32x128xf32>
    %eq3A = arith.cmpf oeq, %get3A_4, %get3A_10 : vector<32x128xf32>
    %lt3A = arith.cmpi slt, %get3A_16, %get3A_22 : vector<32x128xi32>
    %and3A = arith.andi %eq3A, %lt3A : vector<32x128xi1>
    %or3A = arith.ori %gt3A, %and3A : vector<32x128xi1>
    %select_n3A = arith.select %or3A, %get3A_4, %get3A_10 : vector<32x128xi1>, vector<32x128xf32>
    %select_n3A_23 = arith.select %or3A, %get3A_16, %get3A_22 : vector<32x128xi1>, vector<32x128xi32>
    %iota3A = tpu.iota {dimensions = array<i32: 1>} : vector<32x128xi32>
    %and3A_24 = arith.constant 0 : i32
    %and3A_25 = vector.broadcast %and3A_24 : i32 to vector<32x128xi32>
    %and3A_26 = arith.andi %iota3A, %and3A_25 : vector<32x128xi32>
    %and3A_27 = arith.constant 1 : i32
    %and3A_28 = arith.andi %arg1, %and3A_27 : i32
    %add3A = vector.broadcast %and3A_28 : i32 to vector<32x128xi32>
    %add3A_29 = arith.addi %and3A_26, %add3A : vector<32x128xi32>
    %eq3A_30 = arith.constant 0 : i32
    %eq3A_31 = vector.broadcast %eq3A_30 : i32 to vector<32x128xi32>
    %eq3A_32 = arith.cmpi eq, %add3A_29, %eq3A_31 : vector<32x128xi32>
    %iota3A_33 = tpu.iota {dimensions = array<i32: 1>} : vector<32x128xi32>
    %and3A_34 = arith.constant 64 : i32
    %and3A_35 = vector.broadcast %and3A_34 : i32 to vector<32x128xi32>
    %and3A_36 = arith.andi %iota3A_33, %and3A_35 : vector<32x128xi32>
    %eq3A_37 = arith.constant 0 : i32
    %eq3A_38 = vector.broadcast %eq3A_37 : i32 to vector<32x128xi32>
    %eq3A_39 = arith.cmpi eq, %and3A_36, %eq3A_38 : vector<32x128xi32>
    %sub3A = arith.constant 128 : i32
    %sub3A_40 = arith.constant 64 : i32
    %sub3A_41 = arith.subi %sub3A, %sub3A_40 : i32
    %roll3A = tpu.dynamic_rotate %select_n3A by %sub3A_41 dim 1 : vector<32x128xf32>, i32 -> vector<32x128xf32>
    %roll3A_42 = arith.constant 64 : i32
    %roll3A_43 = tpu.dynamic_rotate %select_n3A by %roll3A_42 dim 1 : vector<32x128xf32>, i32 -> vector<32x128xf32>
    %select_n3A_44 = arith.select %eq3A_39, %roll3A, %roll3A_43 : vector<32x128xi1>, vector<32x128xf32>
    %sub3A_45 = arith.constant 128 : i32
    %sub3A_46 = arith.constant 64 : i32
    %sub3A_47 = arith.subi %sub3A_45, %sub3A_46 : i32
    %roll3A_48 = tpu.dynamic_rotate %select_n3A_23 by %sub3A_47 dim 1 : vector<32x128xi32>, i32 -> vector<32x128xi32>
    %roll3A_49 = arith.constant 64 : i32
    %roll3A_50 = tpu.dynamic_rotate %select_n3A_23 by %roll3A_49 dim 1 : vector<32x128xi32>, i32 -> vector<32x128xi32>
    %select_n3A_51 = arith.select %eq3A_39, %roll3A_48, %roll3A_50 : vector<32x128xi1>, vector<32x128xi32>
    %gt3A_52 = arith.cmpf ogt, %select_n3A, %select_n3A_44 : vector<32x128xf32>
    %eq3A_53 = arith.cmpf oeq, %select_n3A, %select_n3A_44 : vector<32x128xf32>
    %lt3A_54 = arith.cmpi slt, %select_n3A_23, %select_n3A_51 : vector<32x128xi32>
    %and3A_55 = arith.andi %eq3A_53, %lt3A_54 : vector<32x128xi1>
    %or3A_56 = arith.ori %gt3A_52, %and3A_55 : vector<32x128xi1>
    %xor3A = arith.xori %or3A_56, %eq3A_39 : vector<32x128xi1>
    %xor3A_57 = arith.xori %xor3A, %eq3A_32 : vector<32x128xi1>
    %select_n3A_58 = arith.select %xor3A_57, %select_n3A, %select_n3A_44 : vector<32x128xi1>, vector<32x128xf32>
    %select_n3A_59 = arith.select %xor3A_57, %select_n3A_23, %select_n3A_51 : vector<32x128xi1>, vector<32x128xi32>
    %iota3A_60 = tpu.iota {dimensions = array<i32: 1>} : vector<32x128xi32>
    %and3A_61 = arith.constant 32 : i32
    %and3A_62 = vector.broadcast %and3A_61 : i32 to vector<32x128xi32>
    %and3A_63 = arith.andi %iota3A_60, %and3A_62 : vector<32x128xi32>
    %eq3A_64 = arith.constant 0 : i32
    %eq3A_65 = vector.broadcast %eq3A_64 : i32 to vector<32x128xi32>
    %eq3A_66 = arith.cmpi eq, %and3A_63, %eq3A_65 : vector<32x128xi32>
    %sub3A_67 = arith.constant 128 : i32
    %sub3A_68 = arith.constant 32 : i32
    %sub3A_69 = arith.subi %sub3A_67, %sub3A_68 : i32
    %roll3A_70 = tpu.dynamic_rotate %select_n3A_58 by %sub3A_69 dim 1 : vector<32x128xf32>, i32 -> vector<32x128xf32>
    %roll3A_71 = arith.constant 32 : i32
    %roll3A_72 = tpu.dynamic_rotate %select_n3A_58 by %roll3A_71 dim 1 : vector<32x128xf32>, i32 -> vector<32x128xf32>
    %select_n3A_73 = arith.select %eq3A_66, %roll3A_70, %roll3A_72 : vector<32x128xi1>, vector<32x128xf32>
    %sub3A_74 = arith.constant 128 : i32
    %sub3A_75 = arith.constant 32 : i32
    %sub3A_76 = arith.subi %sub3A_74, %sub3A_75 : i32
    %roll3A_77 = tpu.dynamic_rotate %select_n3A_59 by %sub3A_76 dim 1 : vector<32x128xi32>, i32 -> vector<32x128xi32>
    %roll3A_78 = arith.constant 32 : i32
    %roll3A_79 = tpu.dynamic_rotate %select_n3A_59 by %roll3A_78 dim 1 : vector<32x128xi32>, i32 -> vector<32x128xi32>
    %select_n3A_80 = arith.select %eq3A_66, %roll3A_77, %roll3A_79 : vector<32x128xi1>, vector<32x128xi32>
    %gt3A_81 = arith.cmpf ogt, %select_n3A_58, %select_n3A_73 : vector<32x128xf32>
    %eq3A_82 = arith.cmpf oeq, %select_n3A_58, %select_n3A_73 : vector<32x128xf32>
    %lt3A_83 = arith.cmpi slt, %select_n3A_59, %select_n3A_80 : vector<32x128xi32>
    %and3A_84 = arith.andi %eq3A_82, %lt3A_83 : vector<32x128xi1>
    %or3A_85 = arith.ori %gt3A_81, %and3A_84 : vector<32x128xi1>
    %xor3A_86 = arith.xori %or3A_85, %eq3A_66 : vector<32x128xi1>
    %xor3A_87 = arith.xori %xor3A_86, %eq3A_32 : vector<32x128xi1>
    %select_n3A_88 = arith.select %xor3A_87, %select_n3A_58, %select_n3A_73 : vector<32x128xi1>, vector<32x128xf32>
    %select_n3A_89 = arith.select %xor3A_87, %select_n3A_59, %select_n3A_80 : vector<32x128xi1>, vector<32x128xi32>
    %iota3A_90 = tpu.iota {dimensions = array<i32: 1>} : vector<32x128xi32>
    %and3A_91 = arith.constant 16 : i32
    %and3A_92 = vector.broadcast %and3A_91 : i32 to vector<32x128xi32>
    %and3A_93 = arith.andi %iota3A_90, %and3A_92 : vector<32x128xi32>
    %eq3A_94 = arith.constant 0 : i32
    %eq3A_95 = vector.broadcast %eq3A_94 : i32 to vector<32x128xi32>
    %eq3A_96 = arith.cmpi eq, %and3A_93, %eq3A_95 : vector<32x128xi32>
    %sub3A_97 = arith.constant 128 : i32
    %sub3A_98 = arith.constant 16 : i32
    %sub3A_99 = arith.subi %sub3A_97, %sub3A_98 : i32
    %roll3A_100 = tpu.dynamic_rotate %select_n3A_88 by %sub3A_99 dim 1 : vector<32x128xf32>, i32 -> vector<32x128xf32>
    %roll3A_101 = arith.constant 16 : i32
    %roll3A_102 = tpu.dynamic_rotate %select_n3A_88 by %roll3A_101 dim 1 : vector<32x128xf32>, i32 -> vector<32x128xf32>
    %select_n3A_103 = arith.select %eq3A_96, %roll3A_100, %roll3A_102 : vector<32x128xi1>, vector<32x128xf32>
    %sub3A_104 = arith.constant 128 : i32
    %sub3A_105 = arith.constant 16 : i32
    %sub3A_106 = arith.subi %sub3A_104, %sub3A_105 : i32
    %roll3A_107 = tpu.dynamic_rotate %select_n3A_89 by %sub3A_106 dim 1 : vector<32x128xi32>, i32 -> vector<32x128xi32>
    %roll3A_108 = arith.constant 16 : i32
    %roll3A_109 = tpu.dynamic_rotate %select_n3A_89 by %roll3A_108 dim 1 : vector<32x128xi32>, i32 -> vector<32x128xi32>
    %select_n3A_110 = arith.select %eq3A_96, %roll3A_107, %roll3A_109 : vector<32x128xi1>, vector<32x128xi32>
    %gt3A_111 = arith.cmpf ogt, %select_n3A_88, %select_n3A_103 : vector<32x128xf32>
    %eq3A_112 = arith.cmpf oeq, %select_n3A_88, %select_n3A_103 : vector<32x128xf32>
    %lt3A_113 = arith.cmpi slt, %select_n3A_89, %select_n3A_110 : vector<32x128xi32>
    %and3A_114 = arith.andi %eq3A_112, %lt3A_113 : vector<32x128xi1>
    %or3A_115 = arith.ori %gt3A_111, %and3A_114 : vector<32x128xi1>
    %xor3A_116 = arith.xori %or3A_115, %eq3A_96 : vector<32x128xi1>
    %xor3A_117 = arith.xori %xor3A_116, %eq3A_32 : vector<32x128xi1>
    %select_n3A_118 = arith.select %xor3A_117, %select_n3A_88, %select_n3A_103 : vector<32x128xi1>, vector<32x128xf32>
    %select_n3A_119 = arith.select %xor3A_117, %select_n3A_89, %select_n3A_110 : vector<32x128xi1>, vector<32x128xi32>
    %iota3A_120 = tpu.iota {dimensions = array<i32: 1>} : vector<32x128xi32>
    %and3A_121 = arith.constant 8 : i32
    %and3A_122 = vector.broadcast %and3A_121 : i32 to vector<32x128xi32>
    %and3A_123 = arith.andi %iota3A_120, %and3A_122 : vector<32x128xi32>
    %eq3A_124 = arith.constant 0 : i32
    %eq3A_125 = vector.broadcast %eq3A_124 : i32 to vector<32x128xi32>
    %eq3A_126 = arith.cmpi eq, %and3A_123, %eq3A_125 : vector<32x128xi32>
    %sub3A_127 = arith.constant 128 : i32
    %sub3A_128 = arith.constant 8 : i32
    %sub3A_129 = arith.subi %sub3A_127, %sub3A_128 : i32
    %roll3A_130 = tpu.dynamic_rotate %select_n3A_118 by %sub3A_129 dim 1 : vector<32x128xf32>, i32 -> vector<32x128xf32>
    %roll3A_131 = arith.constant 8 : i32
    %roll3A_132 = tpu.dynamic_rotate %select_n3A_118 by %roll3A_131 dim 1 : vector<32x128xf32>, i32 -> vector<32x128xf32>
    %select_n3A_133 = arith.select %eq3A_126, %roll3A_130, %roll3A_132 : vector<32x128xi1>, vector<32x128xf32>
    %sub3A_134 = arith.constant 128 : i32
    %sub3A_135 = arith.constant 8 : i32
    %sub3A_136 = arith.subi %sub3A_134, %sub3A_135 : i32
    %roll3A_137 = tpu.dynamic_rotate %select_n3A_119 by %sub3A_136 dim 1 : vector<32x128xi32>, i32 -> vector<32x128xi32>
    %roll3A_138 = arith.constant 8 : i32
    %roll3A_139 = tpu.dynamic_rotate %select_n3A_119 by %roll3A_138 dim 1 : vector<32x128xi32>, i32 -> vector<32x128xi32>
    %select_n3A_140 = arith.select %eq3A_126, %roll3A_137, %roll3A_139 : vector<32x128xi1>, vector<32x128xi32>
    %gt3A_141 = arith.cmpf ogt, %select_n3A_118, %select_n3A_133 : vector<32x128xf32>
    %eq3A_142 = arith.cmpf oeq, %select_n3A_118, %select_n3A_133 : vector<32x128xf32>
    %lt3A_143 = arith.cmpi slt, %select_n3A_119, %select_n3A_140 : vector<32x128xi32>
    %and3A_144 = arith.andi %eq3A_142, %lt3A_143 : vector<32x128xi1>
    %or3A_145 = arith.ori %gt3A_141, %and3A_144 : vector<32x128xi1>
    %xor3A_146 = arith.xori %or3A_145, %eq3A_126 : vector<32x128xi1>
    %xor3A_147 = arith.xori %xor3A_146, %eq3A_32 : vector<32x128xi1>
    %select_n3A_148 = arith.select %xor3A_147, %select_n3A_118, %select_n3A_133 : vector<32x128xi1>, vector<32x128xf32>
    %select_n3A_149 = arith.select %xor3A_147, %select_n3A_119, %select_n3A_140 : vector<32x128xi1>, vector<32x128xi32>
    %iota3A_150 = tpu.iota {dimensions = array<i32: 1>} : vector<32x128xi32>
    %and3A_151 = arith.constant 4 : i32
    %and3A_152 = vector.broadcast %and3A_151 : i32 to vector<32x128xi32>
    %and3A_153 = arith.andi %iota3A_150, %and3A_152 : vector<32x128xi32>
    %eq3A_154 = arith.constant 0 : i32
    %eq3A_155 = vector.broadcast %eq3A_154 : i32 to vector<32x128xi32>
    %eq3A_156 = arith.cmpi eq, %and3A_153, %eq3A_155 : vector<32x128xi32>
    %sub3A_157 = arith.constant 128 : i32
    %sub3A_158 = arith.constant 4 : i32
    %sub3A_159 = arith.subi %sub3A_157, %sub3A_158 : i32
    %roll3A_160 = tpu.dynamic_rotate %select_n3A_148 by %sub3A_159 dim 1 : vector<32x128xf32>, i32 -> vector<32x128xf32>
    %roll3A_161 = arith.constant 4 : i32
    %roll3A_162 = tpu.dynamic_rotate %select_n3A_148 by %roll3A_161 dim 1 : vector<32x128xf32>, i32 -> vector<32x128xf32>
    %select_n3A_163 = arith.select %eq3A_156, %roll3A_160, %roll3A_162 : vector<32x128xi1>, vector<32x128xf32>
    %sub3A_164 = arith.constant 128 : i32
    %sub3A_165 = arith.constant 4 : i32
    %sub3A_166 = arith.subi %sub3A_164, %sub3A_165 : i32
    %roll3A_167 = tpu.dynamic_rotate %select_n3A_149 by %sub3A_166 dim 1 : vector<32x128xi32>, i32 -> vector<32x128xi32>
    %roll3A_168 = arith.constant 4 : i32
    %roll3A_169 = tpu.dynamic_rotate %select_n3A_149 by %roll3A_168 dim 1 : vector<32x128xi32>, i32 -> vector<32x128xi32>
    %select_n3A_170 = arith.select %eq3A_156, %roll3A_167, %roll3A_169 : vector<32x128xi1>, vector<32x128xi32>
    %gt3A_171 = arith.cmpf ogt, %select_n3A_148, %select_n3A_163 : vector<32x128xf32>
    %eq3A_172 = arith.cmpf oeq, %select_n3A_148, %select_n3A_163 : vector<32x128xf32>
    %lt3A_173 = arith.cmpi slt, %select_n3A_149, %select_n3A_170 : vector<32x128xi32>
    %and3A_174 = arith.andi %eq3A_172, %lt3A_173 : vector<32x128xi1>
    %or3A_175 = arith.ori %gt3A_171, %and3A_174 : vector<32x128xi1>
    %xor3A_176 = arith.xori %or3A_175, %eq3A_156 : vector<32x128xi1>
    %xor3A_177 = arith.xori %xor3A_176, %eq3A_32 : vector<32x128xi1>
    %select_n3A_178 = arith.select %xor3A_177, %select_n3A_148, %select_n3A_163 : vector<32x128xi1>, vector<32x128xf32>
    %select_n3A_179 = arith.select %xor3A_177, %select_n3A_149, %select_n3A_170 : vector<32x128xi1>, vector<32x128xi32>
    %iota3A_180 = tpu.iota {dimensions = array<i32: 1>} : vector<32x128xi32>
    %and3A_181 = arith.constant 2 : i32
    %and3A_182 = vector.broadcast %and3A_181 : i32 to vector<32x128xi32>
    %and3A_183 = arith.andi %iota3A_180, %and3A_182 : vector<32x128xi32>
    %eq3A_184 = arith.constant 0 : i32
    %eq3A_185 = vector.broadcast %eq3A_184 : i32 to vector<32x128xi32>
    %eq3A_186 = arith.cmpi eq, %and3A_183, %eq3A_185 : vector<32x128xi32>
    %sub3A_187 = arith.constant 128 : i32
    %sub3A_188 = arith.constant 2 : i32
    %sub3A_189 = arith.subi %sub3A_187, %sub3A_188 : i32
    %roll3A_190 = tpu.dynamic_rotate %select_n3A_178 by %sub3A_189 dim 1 : vector<32x128xf32>, i32 -> vector<32x128xf32>
    %roll3A_191 = arith.constant 2 : i32
    %roll3A_192 = tpu.dynamic_rotate %select_n3A_178 by %roll3A_191 dim 1 : vector<32x128xf32>, i32 -> vector<32x128xf32>
    %select_n3A_193 = arith.select %eq3A_186, %roll3A_190, %roll3A_192 : vector<32x128xi1>, vector<32x128xf32>
    %sub3A_194 = arith.constant 128 : i32
    %sub3A_195 = arith.constant 2 : i32
    %sub3A_196 = arith.subi %sub3A_194, %sub3A_195 : i32
    %roll3A_197 = tpu.dynamic_rotate %select_n3A_179 by %sub3A_196 dim 1 : vector<32x128xi32>, i32 -> vector<32x128xi32>
    %roll3A_198 = arith.constant 2 : i32
    %roll3A_199 = tpu.dynamic_rotate %select_n3A_179 by %roll3A_198 dim 1 : vector<32x128xi32>, i32 -> vector<32x128xi32>
    %select_n3A_200 = arith.select %eq3A_186, %roll3A_197, %roll3A_199 : vector<32x128xi1>, vector<32x128xi32>
    %gt3A_201 = arith.cmpf ogt, %select_n3A_178, %select_n3A_193 : vector<32x128xf32>
    %eq3A_202 = arith.cmpf oeq, %select_n3A_178, %select_n3A_193 : vector<32x128xf32>
    %lt3A_203 = arith.cmpi slt, %select_n3A_179, %select_n3A_200 : vector<32x128xi32>
    %and3A_204 = arith.andi %eq3A_202, %lt3A_203 : vector<32x128xi1>
    %or3A_205 = arith.ori %gt3A_201, %and3A_204 : vector<32x128xi1>
    %xor3A_206 = arith.xori %or3A_205, %eq3A_186 : vector<32x128xi1>
    %xor3A_207 = arith.xori %xor3A_206, %eq3A_32 : vector<32x128xi1>
    %select_n3A_208 = arith.select %xor3A_207, %select_n3A_178, %select_n3A_193 : vector<32x128xi1>, vector<32x128xf32>
    %select_n3A_209 = arith.select %xor3A_207, %select_n3A_179, %select_n3A_200 : vector<32x128xi1>, vector<32x128xi32>
    %iota3A_210 = tpu.iota {dimensions = array<i32: 1>} : vector<32x128xi32>
    %and3A_211 = arith.constant 1 : i32
    %and3A_212 = vector.broadcast %and3A_211 : i32 to vector<32x128xi32>
    %and3A_213 = arith.andi %iota3A_210, %and3A_212 : vector<32x128xi32>
    %eq3A_214 = arith.constant 0 : i32
    %eq3A_215 = vector.broadcast %eq3A_214 : i32 to vector<32x128xi32>
    %eq3A_216 = arith.cmpi eq, %and3A_213, %eq3A_215 : vector<32x128xi32>
    %sub3A_217 = arith.constant 128 : i32
    %sub3A_218 = arith.constant 1 : i32
    %sub3A_219 = arith.subi %sub3A_217, %sub3A_218 : i32
    %roll3A_220 = tpu.dynamic_rotate %select_n3A_208 by %sub3A_219 dim 1 : vector<32x128xf32>, i32 -> vector<32x128xf32>
    %roll3A_221 = arith.constant 1 : i32
    %roll3A_222 = tpu.dynamic_rotate %select_n3A_208 by %roll3A_221 dim 1 : vector<32x128xf32>, i32 -> vector<32x128xf32>
    %select_n3A_223 = arith.select %eq3A_216, %roll3A_220, %roll3A_222 : vector<32x128xi1>, vector<32x128xf32>
    %sub3A_224 = arith.constant 128 : i32
    %sub3A_225 = arith.constant 1 : i32
    %sub3A_226 = arith.subi %sub3A_224, %sub3A_225 : i32
    %roll3A_227 = tpu.dynamic_rotate %select_n3A_209 by %sub3A_226 dim 1 : vector<32x128xi32>, i32 -> vector<32x128xi32>
    %roll3A_228 = arith.constant 1 : i32
    %roll3A_229 = tpu.dynamic_rotate %select_n3A_209 by %roll3A_228 dim 1 : vector<32x128xi32>, i32 -> vector<32x128xi32>
    %select_n3A_230 = arith.select %eq3A_216, %roll3A_227, %roll3A_229 : vector<32x128xi1>, vector<32x128xi32>
    %gt3A_231 = arith.cmpf ogt, %select_n3A_208, %select_n3A_223 : vector<32x128xf32>
    %eq3A_232 = arith.cmpf oeq, %select_n3A_208, %select_n3A_223 : vector<32x128xf32>
    %lt3A_233 = arith.cmpi slt, %select_n3A_209, %select_n3A_230 : vector<32x128xi32>
    %and3A_234 = arith.andi %eq3A_232, %lt3A_233 : vector<32x128xi1>
    %or3A_235 = arith.ori %gt3A_231, %and3A_234 : vector<32x128xi1>
    %xor3A_236 = arith.xori %or3A_235, %eq3A_216 : vector<32x128xi1>
    %xor3A_237 = arith.xori %xor3A_236, %eq3A_32 : vector<32x128xi1>
    %select_n3A_238 = arith.select %xor3A_237, %select_n3A_208, %select_n3A_223 : vector<32x128xi1>, vector<32x128xf32>
    %select_n3A_239 = arith.select %xor3A_237, %select_n3A_209, %select_n3A_230 : vector<32x128xi1>, vector<32x128xi32>
    %swap3A = arith.constant 0 : index
    %swap3A_240 = arith.constant 0 : index
    %swap3A_241 = arith.constant 0 : index
    %swap3A_242 = arith.constant 0 : index
    %swap3A_243 = vector.load %arg4[%swap3A, %swap3A_240, %swap3A_241, %swap3A_242] : memref<32x1x1x128xf32, #tpu.memory_space<vmem>>, vector<32x1x1x128xf32>
    %swap3A_244 = vector.shape_cast %swap3A_243 : vector<32x1x1x128xf32> to vector<32x128xf32>
    %swap3A_245 = vector.shape_cast %select_n3A_238 : vector<32x128xf32> to vector<32x1x1x128xf32>
    tpu.vector_store %arg4[%swap3A, %swap3A_240, %swap3A_241, %swap3A_242], %swap3A_245 {strides = array<i32>} : memref<32x1x1x128xf32, #tpu.memory_space<vmem>>, vector<32x1x1x128xf32>,
    %swap3A_246 = arith.constant 0 : index
    %swap3A_247 = arith.constant 0 : index
    %swap3A_248 = arith.constant 0 : index
    %swap3A_249 = arith.constant 0 : index
    %swap3A_250 = vector.load %arg5[%swap3A_246, %swap3A_247, %swap3A_248, %swap3A_249] : memref<32x1x1x128xi32, #tpu.memory_space<vmem>>, vector<32x1x1x128xi32>
    %swap3A_251 = vector.shape_cast %swap3A_250 : vector<32x1x1x128xi32> to vector<32x128xi32>
    %swap3A_252 = vector.shape_cast %select_n3A_239 : vector<32x128xi32> to vector<32x1x1x128xi32>
    tpu.vector_store %arg5[%swap3A_246, %swap3A_247, %swap3A_248, %swap3A_249], %swap3A_252 {strides = array<i32>} : memref<32x1x1x128xi32, #tpu.memory_space<vmem>>, vector<32x1x1x128xi32>,
    return
  }
  func.func @transform_0(%arg0: i32, %arg1: i32) -> (i32, i32, i32, i32) {
    %c0_i32 = arith.constant 0 : i32
    %c0_i32_0 = arith.constant 0 : i32
    %c0_i32_1 = arith.constant 0 : i32
    return %arg0, %arg1, %c0_i32, %c0_i32_0 : i32, i32, i32, i32
  }
  func.func @transform_1(%arg0: i32, %arg1: i32) -> (i32, i32, i32, i32) {
    %c0_i32 = arith.constant 0 : i32
    %c0_i32_0 = arith.constant 0 : i32
    %c0_i32_1 = arith.constant 0 : i32
    return %arg0, %arg1, %c0_i32, %c0_i32_0 : i32, i32, i32, i32
  }
  func.func @transform_2(%arg0: i32, %arg1: i32) -> (i32, i32, i32, i32) {
    %c0_i32 = arith.constant 0 : i32
    %c0_i32_0 = arith.constant 0 : i32
    %c0_i32_1 = arith.constant 0 : i32
    return %arg0, %arg1, %c0_i32, %c0_i32_0 : i32, i32, i32, i32
  }
  func.func @transform_3(%arg0: i32, %arg1: i32) -> (i32, i32, i32, i32) {
    %c0_i32 = arith.constant 0 : i32
    %c0_i32_0 = arith.constant 0 : i32
    %c0_i32_1 = arith.constant 0 : i32
    return %arg0, %arg1, %c0_i32, %c0_i32_0 : i32, i32, i32, i32
  }
}

module attributes {stable_mosaic.version = 14 : i64} {
  func.func @_merge_body(%arg0: i32, %arg1: i32, %arg2: memref<32x1x2x128xf32, #tpu.memory_space<vmem>>, %arg3: memref<32x1x2x128xi32, #tpu.memory_space<vmem>>, %arg4: memref<32x1x1x128xf32, #tpu.memory_space<vmem>>, %arg5: memref<32x1x1x128xi32, #tpu.memory_space<vmem>>) attributes {dimension_semantics = [#tpu.dimension_semantics<arbitrary>, #tpu.dimension_semantics<arbitrary>], iteration_bounds = array<i64: 32, 1>, scalar_prefetch = 0 : i64, scratch_operands = 0 : i64, tpu.core_type = #tpu.core_type<tc>, window_params = [{transform_indices = @transform_0, window_bounds = array<i64: 32, 1, 2, 128>}, {transform_indices = @transform_1, window_bounds = array<i64: 32, 1, 2, 128>}, {transform_indices = @transform_2, window_bounds = array<i64: 32, 1, 1, 128>}, {transform_indices = @transform_3, window_bounds = array<i64: 32, 1, 1, 128>}]} {
    %get3A = arith.constant 0 : index
    %get3A_0 = arith.constant 0 : index
    %get3A_1 = arith.constant 0 : index
    %get3A_2 = arith.constant 0 : index
    %get3A_3 = vector.load %arg2[%get3A, %get3A_0, %get3A_1, %get3A_2] : memref<32x1x2x128xf32, #tpu.memory_space<vmem>>, vector<32x1x1x128xf32>
    %get3A_4 = vector.shape_cast %get3A_3 : vector<32x1x1x128xf32> to vector<32x128xf32>
    %get3A_5 = arith.constant 0 : index
    %get3A_6 = arith.constant 0 : index
    %get3A_7 = arith.constant 1 : index
    %get3A_8 = arith.constant 0 : index
    %get3A_9 = vector.load %arg2[%get3A_5, %get3A_6, %get3A_7, %get3A_8] : memref<32x1x2x128xf32, #tpu.memory_space<vmem>>, vector<32x1x1x128xf32>
    %get3A_10 = vector.shape_cast %get3A_9 : vector<32x1x1x128xf32> to vector<32x128xf32>
    %get3A_11 = arith.constant 0 : index
    %get3A_12 = arith.constant 0 : index
    %get3A_13 = arith.constant 0 : index
    %get3A_14 = arith.constant 0 : index
    %get3A_15 = vector.load %arg3[%get3A_11, %get3A_12, %get3A_13, %get3A_14] : memref<32x1x2x128xi32, #tpu.memory_space<vmem>>, vector<32x1x1x128xi32>
    %get3A_16 = vector.shape_cast %get3A_15 : vector<32x1x1x128xi32> to vector<32x128xi32>
    %get3A_17 = arith.constant 0 : index
    %get3A_18 = arith.constant 0 : index
    %get3A_19 = arith.constant 1 : index
    %get3A_20 = arith.constant 0 : index
    %get3A_21 = vector.load %arg3[%get3A_17, %get3A_18, %get3A_19, %get3A_20] : memref<32x1x2x128xi32, #tpu.memory_space<vmem>>, vector<32x1x1x128xi32>
    %get3A_22 = vector.shape_cast %get3A_21 : vector<32x1x1x128xi32> to vector<32x128xi32>
    %gt3A = arith.cmpf ogt, %get3A_4, %get3A_10 : vector<32x128xf32>
    %eq3A = arith.cmpf oeq, %get3A_4, %get3A_10 : vector<32x128xf32>
    %lt3A = arith.cmpi slt, %get3A_16, %get3A_22 : vector<32x128xi32>
    %and3A = arith.andi %eq3A, %lt3A : vector<32x128xi1>
    %or3A = arith.ori %gt3A, %and3A : vector<32x128xi1>
    %select_n3A = arith.select %or3A, %get3A_4, %get3A_10 : vector<32x128xi1>, vector<32x128xf32>
    %select_n3A_23 = arith.select %or3A, %get3A_16, %get3A_22 : vector<32x128xi1>, vector<32x128xi32>
    %iota3A = tpu.iota {dimensions = array<i32: 1>} : vector<32x128xi32>
    %and3A_24 = arith.constant 0 : i32
    %and3A_25 = vector.broadcast %and3A_24 : i32 to vector<32x128xi32>
    %and3A_26 = arith.andi %iota3A, %and3A_25 : vector<32x128xi32>
    %and3A_27 = arith.constant 1 : i32
    %and3A_28 = arith.andi %arg1, %and3A_27 : i32
    %add3A = vector.broadcast %and3A_28 : i32 to vector<32x128xi32>
    %add3A_29 = arith.addi %and3A_26, %add3A : vector<32x128xi32>
    %eq3A_30 = arith.constant 0 : i32
    %eq3A_31 = vector.broadcast %eq3A_30 : i32 to vector<32x128xi32>
    %eq3A_32 = arith.cmpi eq, %add3A_29, %eq3A_31 : vector<32x128xi32>
    %iota3A_33 = tpu.iota {dimensions = array<i32: 1>} : vector<32x128xi32>
    %and3A_34 = arith.constant 64 : i32
    %and3A_35 = vector.broadcast %and3A_34 : i32 to vector<32x128xi32>
    %and3A_36 = arith.andi %iota3A_33, %and3A_35 : vector<32x128xi32>
    %eq3A_37 = arith.constant 0 : i32
    %eq3A_38 = vector.broadcast %eq3A_37 : i32 to vector<32x128xi32>
    %eq3A_39 = arith.cmpi eq, %and3A_36, %eq3A_38 : vector<32x128xi32>
    %sub3A = arith.constant 128 : i32
    %sub3A_40 = arith.constant 64 : i32
    %sub3A_41 = arith.subi %sub3A, %sub3A_40 : i32
    %roll3A = tpu.dynamic_rotate %select_n3A by %sub3A_41 dim 1 : vector<32x128xf32>, i32 -> vector<32x128xf32>
    %roll3A_42 = arith.constant 64 : i32
    %roll3A_43 = tpu.dynamic_rotate %select_n3A by %roll3A_42 dim 1 : vector<32x128xf32>, i32 -> vector<32x128xf32>
    %select_n3A_44 = arith.select %eq3A_39, %roll3A, %roll3A_43 : vector<32x128xi1>, vector<32x128xf32>
    %sub3A_45 = arith.constant 128 : i32
    %sub3A_46 = arith.constant 64 : i32
    %sub3A_47 = arith.subi %sub3A_45, %sub3A_46 : i32
    %roll3A_48 = tpu.dynamic_rotate %select_n3A_23 by %sub3A_47 dim 1 : vector<32x128xi32>, i32 -> vector<32x128xi32>
    %roll3A_49 = arith.constant 64 : i32
    %roll3A_50 = tpu.dynamic_rotate %select_n3A_23 by %roll3A_49 dim 1 : vector<32x128xi32>, i32 -> vector<32x128xi32>
    %select_n3A_51 = arith.select %eq3A_39, %roll3A_48, %roll3A_50 : vector<32x128xi1>, vector<32x128xi32>
    %gt3A_52 = arith.cmpf ogt, %select_n3A, %select_n3A_44 : vector<32x128xf32>
    %eq3A_53 = arith.cmpf oeq, %select_n3A, %select_n3A_44 : vector<32x128xf32>
    %lt3A_54 = arith.cmpi slt, %select_n3A_23, %select_n3A_51 : vector<32x128xi32>
    %and3A_55 = arith.andi %eq3A_53, %lt3A_54 : vector<32x128xi1>
    %or3A_56 = arith.ori %gt3A_52, %and3A_55 : vector<32x128xi1>
    %xor3A = arith.xori %or3A_56, %eq3A_39 : vector<32x128xi1>
    %xor3A_57 = arith.xori %xor3A, %eq3A_32 : vector<32x128xi1>
    %select_n3A_58 = arith.select %xor3A_57, %select_n3A, %select_n3A_44 : vector<32x128xi1>, vector<32x128xf32>
    %select_n3A_59 = arith.select %xor3A_57, %select_n3A_23, %select_n3A_51 : vector<32x128xi1>, vector<32x128xi32>
    %iota3A_60 = tpu.iota {dimensions = array<i32: 1>} : vector<32x128xi32>
    %and3A_61 = arith.constant 32 : i32
    %and3A_62 = vector.broadcast %and3A_61 : i32 to vector<32x128xi32>
    %and3A_63 = arith.andi %iota3A_60, %and3A_62 : vector<32x128xi32>
    %eq3A_64 = arith.constant 0 : i32
    %eq3A_65 = vector.broadcast %eq3A_64 : i32 to vector<32x128xi32>
    %eq3A_66 = arith.cmpi eq, %and3A_63, %eq3A_65 : vector<32x128xi32>
    %sub3A_67 = arith.constant 128 : i32
    %sub3A_68 = arith.constant 32 : i32
    %sub3A_69 = arith.subi %sub3A_67, %sub3A_68 : i32
    %roll3A_70 = tpu.dynamic_rotate %select_n3A_58 by %sub3A_69 dim 1 : vector<32x128xf32>, i32 -> vector<32x128xf32>
    %roll3A_71 = arith.constant 32 : i32
    %roll3A_72 = tpu.dynamic_rotate %select_n3A_58 by %roll3A_71 dim 1 : vector<32x128xf32>, i32 -> vector<32x128xf32>
    %select_n3A_73 = arith.select %eq3A_66, %roll3A_70, %roll3A_72 : vector<32x128xi1>, vector<32x128xf32>
    %sub3A_74 = arith.constant 128 : i32
    %sub3A_75 = arith.constant 32 : i32
    %sub3A_76 = arith.subi %sub3A_74, %sub3A_75 : i32
    %roll3A_77 = tpu.dynamic_rotate %select_n3A_59 by %sub3A_76 dim 1 : vector<32x128xi32>, i32 -> vector<32x128xi32>
    %roll3A_78 = arith.constant 32 : i32
    %roll3A_79 = tpu.dynamic_rotate %select_n3A_59 by %roll3A_78 dim 1 : vector<32x128xi32>, i32 -> vector<32x128xi32>
    %select_n3A_80 = arith.select %eq3A_66, %roll3A_77, %roll3A_79 : vector<32x128xi1>, vector<32x128xi32>
    %gt3A_81 = arith.cmpf ogt, %select_n3A_58, %select_n3A_73 : vector<32x128xf32>
    %eq3A_82 = arith.cmpf oeq, %select_n3A_58, %select_n3A_73 : vector<32x128xf32>
    %lt3A_83 = arith.cmpi slt, %select_n3A_59, %select_n3A_80 : vector<32x128xi32>
    %and3A_84 = arith.andi %eq3A_82, %lt3A_83 : vector<32x128xi1>
    %or3A_85 = arith.ori %gt3A_81, %and3A_84 : vector<32x128xi1>
    %xor3A_86 = arith.xori %or3A_85, %eq3A_66 : vector<32x128xi1>
    %xor3A_87 = arith.xori %xor3A_86, %eq3A_32 : vector<32x128xi1>
    %select_n3A_88 = arith.select %xor3A_87, %select_n3A_58, %select_n3A_73 : vector<32x128xi1>, vector<32x128xf32>
    %select_n3A_89 = arith.select %xor3A_87, %select_n3A_59, %select_n3A_80 : vector<32x128xi1>, vector<32x128xi32>
    %iota3A_90 = tpu.iota {dimensions = array<i32: 1>} : vector<32x128xi32>
    %and3A_91 = arith.constant 16 : i32
    %and3A_92 = vector.broadcast %and3A_91 : i32 to vector<32x128xi32>
    %and3A_93 = arith.andi %iota3A_90, %and3A_92 : vector<32x128xi32>
    %eq3A_94 = arith.constant 0 : i32
    %eq3A_95 = vector.broadcast %eq3A_94 : i32 to vector<32x128xi32>
    %eq3A_96 = arith.cmpi eq, %and3A_93, %eq3A_95 : vector<32x128xi32>
    %sub3A_97 = arith.constant 128 : i32
    %sub3A_98 = arith.constant 16 : i32
    %sub3A_99 = arith.subi %sub3A_97, %sub3A_98 : i32
    %roll3A_100 = tpu.dynamic_rotate %select_n3A_88 by %sub3A_99 dim 1 : vector<32x128xf32>, i32 -> vector<32x128xf32>
    %roll3A_101 = arith.constant 16 : i32
    %roll3A_102 = tpu.dynamic_rotate %select_n3A_88 by %roll3A_101 dim 1 : vector<32x128xf32>, i32 -> vector<32x128xf32>
    %select_n3A_103 = arith.select %eq3A_96, %roll3A_100, %roll3A_102 : vector<32x128xi1>, vector<32x128xf32>
    %sub3A_104 = arith.constant 128 : i32
    %sub3A_105 = arith.constant 16 : i32
    %sub3A_106 = arith.subi %sub3A_104, %sub3A_105 : i32
    %roll3A_107 = tpu.dynamic_rotate %select_n3A_89 by %sub3A_106 dim 1 : vector<32x128xi32>, i32 -> vector<32x128xi32>
    %roll3A_108 = arith.constant 16 : i32
    %roll3A_109 = tpu.dynamic_rotate %select_n3A_89 by %roll3A_108 dim 1 : vector<32x128xi32>, i32 -> vector<32x128xi32>
    %select_n3A_110 = arith.select %eq3A_96, %roll3A_107, %roll3A_109 : vector<32x128xi1>, vector<32x128xi32>
    %gt3A_111 = arith.cmpf ogt, %select_n3A_88, %select_n3A_103 : vector<32x128xf32>
    %eq3A_112 = arith.cmpf oeq, %select_n3A_88, %select_n3A_103 : vector<32x128xf32>
    %lt3A_113 = arith.cmpi slt, %select_n3A_89, %select_n3A_110 : vector<32x128xi32>
    %and3A_114 = arith.andi %eq3A_112, %lt3A_113 : vector<32x128xi1>
    %or3A_115 = arith.ori %gt3A_111, %and3A_114 : vector<32x128xi1>
    %xor3A_116 = arith.xori %or3A_115, %eq3A_96 : vector<32x128xi1>
    %xor3A_117 = arith.xori %xor3A_116, %eq3A_32 : vector<32x128xi1>
    %select_n3A_118 = arith.select %xor3A_117, %select_n3A_88, %select_n3A_103 : vector<32x128xi1>, vector<32x128xf32>
    %select_n3A_119 = arith.select %xor3A_117, %select_n3A_89, %select_n3A_110 : vector<32x128xi1>, vector<32x128xi32>
    %iota3A_120 = tpu.iota {dimensions = array<i32: 1>} : vector<32x128xi32>
    %and3A_121 = arith.constant 8 : i32
    %and3A_122 = vector.broadcast %and3A_121 : i32 to vector<32x128xi32>
    %and3A_123 = arith.andi %iota3A_120, %and3A_122 : vector<32x128xi32>
    %eq3A_124 = arith.constant 0 : i32
    %eq3A_125 = vector.broadcast %eq3A_124 : i32 to vector<32x128xi32>
    %eq3A_126 = arith.cmpi eq, %and3A_123, %eq3A_125 : vector<32x128xi32>
    %sub3A_127 = arith.constant 128 : i32
    %sub3A_128 = arith.constant 8 : i32
    %sub3A_129 = arith.subi %sub3A_127, %sub3A_128 : i32
    %roll3A_130 = tpu.dynamic_rotate %select_n3A_118 by %sub3A_129 dim 1 : vector<32x128xf32>, i32 -> vector<32x128xf32>
    %roll3A_131 = arith.constant 8 : i32
    %roll3A_132 = tpu.dynamic_rotate %select_n3A_118 by %roll3A_131 dim 1 : vector<32x128xf32>, i32 -> vector<32x128xf32>
    %select_n3A_133 = arith.select %eq3A_126, %roll3A_130, %roll3A_132 : vector<32x128xi1>, vector<32x128xf32>
    %sub3A_134 = arith.constant 128 : i32
    %sub3A_135 = arith.constant 8 : i32
    %sub3A_136 = arith.subi %sub3A_134, %sub3A_135 : i32
    %roll3A_137 = tpu.dynamic_rotate %select_n3A_119 by %sub3A_136 dim 1 : vector<32x128xi32>, i32 -> vector<32x128xi32>
    %roll3A_138 = arith.constant 8 : i32
    %roll3A_139 = tpu.dynamic_rotate %select_n3A_119 by %roll3A_138 dim 1 : vector<32x128xi32>, i32 -> vector<32x128xi32>
    %select_n3A_140 = arith.select %eq3A_126, %roll3A_137, %roll3A_139 : vector<32x128xi1>, vector<32x128xi32>
    %gt3A_141 = arith.cmpf ogt, %select_n3A_118, %select_n3A_133 : vector<32x128xf32>
    %eq3A_142 = arith.cmpf oeq, %select_n3A_118, %select_n3A_133 : vector<32x128xf32>
    %lt3A_143 = arith.cmpi slt, %select_n3A_119, %select_n3A_140 : vector<32x128xi32>
    %and3A_144 = arith.andi %eq3A_142, %lt3A_143 : vector<32x128xi1>
    %or3A_145 = arith.ori %gt3A_141, %and3A_144 : vector<32x128xi1>
    %xor3A_146 = arith.xori %or3A_145, %eq3A_126 : vector<32x128xi1>
    %xor3A_147 = arith.xori %xor3A_146, %eq3A_32 : vector<32x128xi1>
    %select_n3A_148 = arith.select %xor3A_147, %select_n3A_118, %select_n3A_133 : vector<32x128xi1>, vector<32x128xf32>
    %select_n3A_149 = arith.select %xor3A_147, %select_n3A_119, %select_n3A_140 : vector<32x128xi1>, vector<32x128xi32>
    %iota3A_150 = tpu.iota {dimensions = array<i32: 1>} : vector<32x128xi32>
    %and3A_151 = arith.constant 4 : i32
    %and3A_152 = vector.broadcast %and3A_151 : i32 to vector<32x128xi32>
    %and3A_153 = arith.andi %iota3A_150, %and3A_152 : vector<32x128xi32>
    %eq3A_154 = arith.constant 0 : i32
    %eq3A_155 = vector.broadcast %eq3A_154 : i32 to vector<32x128xi32>
    %eq3A_156 = arith.cmpi eq, %and3A_153, %eq3A_155 : vector<32x128xi32>
    %sub3A_157 = arith.constant 128 : i32
    %sub3A_158 = arith.constant 4 : i32
    %sub3A_159 = arith.subi %sub3A_157, %sub3A_158 : i32
    %roll3A_160 = tpu.dynamic_rotate %select_n3A_148 by %sub3A_159 dim 1 : vector<32x128xf32>, i32 -> vector<32x128xf32>
    %roll3A_161 = arith.constant 4 : i32
    %roll3A_162 = tpu.dynamic_rotate %select_n3A_148 by %roll3A_161 dim 1 : vector<32x128xf32>, i32 -> vector<32x128xf32>
    %select_n3A_163 = arith.select %eq3A_156, %roll3A_160, %roll3A_162 : vector<32x128xi1>, vector<32x128xf32>
    %sub3A_164 = arith.constant 128 : i32
    %sub3A_165 = arith.constant 4 : i32
    %sub3A_166 = arith.subi %sub3A_164, %sub3A_165 : i32
    %roll3A_167 = tpu.dynamic_rotate %select_n3A_149 by %sub3A_166 dim 1 : vector<32x128xi32>, i32 -> vector<32x128xi32>
    %roll3A_168 = arith.constant 4 : i32
    %roll3A_169 = tpu.dynamic_rotate %select_n3A_149 by %roll3A_168 dim 1 : vector<32x128xi32>, i32 -> vector<32x128xi32>
    %select_n3A_170 = arith.select %eq3A_156, %roll3A_167, %roll3A_169 : vector<32x128xi1>, vector<32x128xi32>
    %gt3A_171 = arith.cmpf ogt, %select_n3A_148, %select_n3A_163 : vector<32x128xf32>
    %eq3A_172 = arith.cmpf oeq, %select_n3A_148, %select_n3A_163 : vector<32x128xf32>
    %lt3A_173 = arith.cmpi slt, %select_n3A_149, %select_n3A_170 : vector<32x128xi32>
    %and3A_174 = arith.andi %eq3A_172, %lt3A_173 : vector<32x128xi1>
    %or3A_175 = arith.ori %gt3A_171, %and3A_174 : vector<32x128xi1>
    %xor3A_176 = arith.xori %or3A_175, %eq3A_156 : vector<32x128xi1>
    %xor3A_177 = arith.xori %xor3A_176, %eq3A_32 : vector<32x128xi1>
    %select_n3A_178 = arith.select %xor3A_177, %select_n3A_148, %select_n3A_163 : vector<32x128xi1>, vector<32x128xf32>
    %select_n3A_179 = arith.select %xor3A_177, %select_n3A_149, %select_n3A_170 : vector<32x128xi1>, vector<32x128xi32>
    %iota3A_180 = tpu.iota {dimensions = array<i32: 1>} : vector<32x128xi32>
    %and3A_181 = arith.constant 2 : i32
    %and3A_182 = vector.broadcast %and3A_181 : i32 to vector<32x128xi32>
    %and3A_183 = arith.andi %iota3A_180, %and3A_182 : vector<32x128xi32>
    %eq3A_184 = arith.constant 0 : i32
    %eq3A_185 = vector.broadcast %eq3A_184 : i32 to vector<32x128xi32>
    %eq3A_186 = arith.cmpi eq, %and3A_183, %eq3A_185 : vector<32x128xi32>
    %sub3A_187 = arith.constant 128 : i32
    %sub3A_188 = arith.constant 2 : i32
    %sub3A_189 = arith.subi %sub3A_187, %sub3A_188 : i32
    %roll3A_190 = tpu.dynamic_rotate %select_n3A_178 by %sub3A_189 dim 1 : vector<32x128xf32>, i32 -> vector<32x128xf32>
    %roll3A_191 = arith.constant 2 : i32
    %roll3A_192 = tpu.dynamic_rotate %select_n3A_178 by %roll3A_191 dim 1 : vector<32x128xf32>, i32 -> vector<32x128xf32>
    %select_n3A_193 = arith.select %eq3A_186, %roll3A_190, %roll3A_192 : vector<32x128xi1>, vector<32x128xf32>
    %sub3A_194 = arith.constant 128 : i32
    %sub3A_195 = arith.constant 2 : i32
    %sub3A_196 = arith.subi %sub3A_194, %sub3A_195 : i32
    %roll3A_197 = tpu.dynamic_rotate %select_n3A_179 by %sub3A_196 dim 1 : vector<32x128xi32>, i32 -> vector<32x128xi32>
    %roll3A_198 = arith.constant 2 : i32
    %roll3A_199 = tpu.dynamic_rotate %select_n3A_179 by %roll3A_198 dim 1 : vector<32x128xi32>, i32 -> vector<32x128xi32>
    %select_n3A_200 = arith.select %eq3A_186, %roll3A_197, %roll3A_199 : vector<32x128xi1>, vector<32x128xi32>
    %gt3A_201 = arith.cmpf ogt, %select_n3A_178, %select_n3A_193 : vector<32x128xf32>
    %eq3A_202 = arith.cmpf oeq, %select_n3A_178, %select_n3A_193 : vector<32x128xf32>
    %lt3A_203 = arith.cmpi slt, %select_n3A_179, %select_n3A_200 : vector<32x128xi32>
    %and3A_204 = arith.andi %eq3A_202, %lt3A_203 : vector<32x128xi1>
    %or3A_205 = arith.ori %gt3A_201, %and3A_204 : vector<32x128xi1>
    %xor3A_206 = arith.xori %or3A_205, %eq3A_186 : vector<32x128xi1>
    %xor3A_207 = arith.xori %xor3A_206, %eq3A_32 : vector<32x128xi1>
    %select_n3A_208 = arith.select %xor3A_207, %select_n3A_178, %select_n3A_193 : vector<32x128xi1>, vector<32x128xf32>
    %select_n3A_209 = arith.select %xor3A_207, %select_n3A_179, %select_n3A_200 : vector<32x128xi1>, vector<32x128xi32>
    %iota3A_210 = tpu.iota {dimensions = array<i32: 1>} : vector<32x128xi32>
    %and3A_211 = arith.constant 1 : i32
    %and3A_212 = vector.broadcast %and3A_211 : i32 to vector<32x128xi32>
    %and3A_213 = arith.andi %iota3A_210, %and3A_212 : vector<32x128xi32>
    %eq3A_214 = arith.constant 0 : i32
    %eq3A_215 = vector.broadcast %eq3A_214 : i32 to vector<32x128xi32>
    %eq3A_216 = arith.cmpi eq, %and3A_213, %eq3A_215 : vector<32x128xi32>
    %sub3A_217 = arith.constant 128 : i32
    %sub3A_218 = arith.constant 1 : i32
    %sub3A_219 = arith.subi %sub3A_217, %sub3A_218 : i32
    %roll3A_220 = tpu.dynamic_rotate %select_n3A_208 by %sub3A_219 dim 1 : vector<32x128xf32>, i32 -> vector<32x128xf32>
    %roll3A_221 = arith.constant 1 : i32
    %roll3A_222 = tpu.dynamic_rotate %select_n3A_208 by %roll3A_221 dim 1 : vector<32x128xf32>, i32 -> vector<32x128xf32>
    %select_n3A_223 = arith.select %eq3A_216, %roll3A_220, %roll3A_222 : vector<32x128xi1>, vector<32x128xf32>
    %sub3A_224 = arith.constant 128 : i32
    %sub3A_225 = arith.constant 1 : i32
    %sub3A_226 = arith.subi %sub3A_224, %sub3A_225 : i32
    %roll3A_227 = tpu.dynamic_rotate %select_n3A_209 by %sub3A_226 dim 1 : vector<32x128xi32>, i32 -> vector<32x128xi32>
    %roll3A_228 = arith.constant 1 : i32
    %roll3A_229 = tpu.dynamic_rotate %select_n3A_209 by %roll3A_228 dim 1 : vector<32x128xi32>, i32 -> vector<32x128xi32>
    %select_n3A_230 = arith.select %eq3A_216, %roll3A_227, %roll3A_229 : vector<32x128xi1>, vector<32x128xi32>
    %gt3A_231 = arith.cmpf ogt, %select_n3A_208, %select_n3A_223 : vector<32x128xf32>
    %eq3A_232 = arith.cmpf oeq, %select_n3A_208, %select_n3A_223 : vector<32x128xf32>
    %lt3A_233 = arith.cmpi slt, %select_n3A_209, %select_n3A_230 : vector<32x128xi32>
    %and3A_234 = arith.andi %eq3A_232, %lt3A_233 : vector<32x128xi1>
    %or3A_235 = arith.ori %gt3A_231, %and3A_234 : vector<32x128xi1>
    %xor3A_236 = arith.xori %or3A_235, %eq3A_216 : vector<32x128xi1>
    %xor3A_237 = arith.xori %xor3A_236, %eq3A_32 : vector<32x128xi1>
    %select_n3A_238 = arith.select %xor3A_237, %select_n3A_208, %select_n3A_223 : vector<32x128xi1>, vector<32x128xf32>
    %select_n3A_239 = arith.select %xor3A_237, %select_n3A_209, %select_n3A_230 : vector<32x128xi1>, vector<32x128xi32>
    %swap3A = arith.constant 0 : index
    %swap3A_240 = arith.constant 0 : index
    %swap3A_241 = arith.constant 0 : index
    %swap3A_242 = arith.constant 0 : index
    %swap3A_243 = vector.load %arg4[%swap3A, %swap3A_240, %swap3A_241, %swap3A_242] : memref<32x1x1x128xf32, #tpu.memory_space<vmem>>, vector<32x1x1x128xf32>
    %swap3A_244 = vector.shape_cast %swap3A_243 : vector<32x1x1x128xf32> to vector<32x128xf32>
    %swap3A_245 = vector.shape_cast %select_n3A_238 : vector<32x128xf32> to vector<32x1x1x128xf32>
    tpu.vector_store %arg4[%swap3A, %swap3A_240, %swap3A_241, %swap3A_242], %swap3A_245 {strides = array<i32>} : memref<32x1x1x128xf32, #tpu.memory_space<vmem>>, vector<32x1x1x128xf32>,
    %swap3A_246 = arith.constant 0 : index
    %swap3A_247 = arith.constant 0 : index
    %swap3A_248 = arith.constant 0 : index
    %swap3A_249 = arith.constant 0 : index
    %swap3A_250 = vector.load %arg5[%swap3A_246, %swap3A_247, %swap3A_248, %swap3A_249] : memref<32x1x1x128xi32, #tpu.memory_space<vmem>>, vector<32x1x1x128xi32>
    %swap3A_251 = vector.shape_cast %swap3A_250 : vector<32x1x1x128xi32> to vector<32x128xi32>
    %swap3A_252 = vector.shape_cast %select_n3A_239 : vector<32x128xi32> to vector<32x1x1x128xi32>
    tpu.vector_store %arg5[%swap3A_246, %swap3A_247, %swap3A_248, %swap3A_249], %swap3A_252 {strides = array<i32>} : memref<32x1x1x128xi32, #tpu.memory_space<vmem>>, vector<32x1x1x128xi32>,
    return
  }
  func.func @transform_0(%arg0: i32, %arg1: i32) -> (i32, i32, i32, i32) {
    %c0_i32 = arith.constant 0 : i32
    %c0_i32_0 = arith.constant 0 : i32
    %c0_i32_1 = arith.constant 0 : i32
    return %arg0, %arg1, %c0_i32, %c0_i32_0 : i32, i32, i32, i32
  }
  func.func @transform_1(%arg0: i32, %arg1: i32) -> (i32, i32, i32, i32) {
    %c0_i32 = arith.constant 0 : i32
    %c0_i32_0 = arith.constant 0 : i32
    %c0_i32_1 = arith.constant 0 : i32
    return %arg0, %arg1, %c0_i32, %c0_i32_0 : i32, i32, i32, i32
  }
  func.func @transform_2(%arg0: i32, %arg1: i32) -> (i32, i32, i32, i32) {
    %c0_i32 = arith.constant 0 : i32
    %c0_i32_0 = arith.constant 0 : i32
    %c0_i32_1 = arith.constant 0 : i32
    return %arg0, %arg1, %c0_i32, %c0_i32_0 : i32, i32, i32, i32
  }
  func.func @transform_3(%arg0: i32, %arg1: i32) -> (i32, i32, i32, i32) {
    %c0_i32 = arith.constant 0 : i32
    %c0_i32_0 = arith.constant 0 : i32
    %c0_i32_1 = arith.constant 0 : i32
    return %arg0, %arg1, %c0_i32, %c0_i32_0 : i32, i32, i32, i32
  }
}

</mosaic_0001>

<sc_bundles>
// kernel: kernel.17.cloned.1.call-start
scs
__scs_entry_jumppad:
0x0: {  	(pc) =	sbr.rel $0x88, $3  }
0x1: {  	(tag) =	ssettag $0x0;
	lr =	simm.s32 $0x1  }
0x2: {  	[smem:$0x3F9F] =	sst lr;
	_ =	strace $0xD0000000  }
0x3: {  	_ = 	snop  }
0x4: {  	_ = 	snop  }
0x5: {  	_ = 	snop  }
0x6: {  	_ = 	snop  }
0x7: {  	_ = 	snop  }
__scs_overlays_trampoline_lowered:
0x8: {  	[smem:$0x3FAE] =	sst s0  }
0x9: {  	[smem:$0x3FAF] =	sst s1  }
0xa: {  	[smem:$0x3FB0] =	sst s2  }
0xb: {  	[smem:$0x3FB1] =	sst s3  }
0xc: {  	[smem:$0x3FB2] =	sst s4  }
0xd: {  	[smem:$0x3FB3] =	sst s5  }
0xe: {  	[smem:$0x3FB4] =	sst s6  }
0xf: {  	[smem:$0x3FB5] =	sst s7  }
0x10: {  	[smem:$0x3FB6] =	sst s8  }
0x11: {  	[smem:$0x3FB7] =	sst s9;
	s0 =	simm.s32 @!p0 $0x0  }
0x12: {  	s1 =	sld [smem:$0x3F9D];
	s0 =	simm.s32 @p0 $0x1  }
0x13: {  	[smem:$0x3FB8] =	sst s0;
	s0 =	simm.s32 @!p1 $0x0  }
0x14: {  	s2 =	sld [smem:$0x3F9C];
	s0 =	simm.s32 @p1 $0x1  }
0x15: {  	[smem:$0x3FB9] =	sst s0;
	s0 =	simm.s32 @!p2 $0x0  }
0x16: {  	s3 =	sld [smem:$0x3FDB];
	s0 =	simm.s32 @p2 $0x1  }
0x17: {  	s4 =	simm.s32 $0x1BF5;
	[smem:$0x3FBB] =	sst s0  }
0x18: {  	s0 =	sld [smem:$0x3F9E];
	_ =	swait.ge [sflag:s4], $0x0  }
0x19: {  	s7 =	sld [smem:$0x3F9F]  }
0x1a: {  	s8 =	sadd.s32 $0xFFFFE003, lr  }
0x1b: {  	s9 =	sadd.s32 $0xFFFFFEF7, lr;
	s5 =	simm.s32 $0xFFFFFFFF;
	p2 =	slt.u32 s8, $0xFFFFF086  }
0x1c: {  	p1 =	slt.u32 s9, $0xF7A;
	s5 =	simm.s32 @!p2 $0x0  }
0x1d: {  	s5 =	simm.s32 @p1 $0x1;
	p0 =	seq.s32 s7, s2  }
0x1e: {  	s7 =	smul.u32 @!p0 $0xF7A, s2;
	p2 =	seq.s32 @!p0 s5, $0x0  }
0x1f: {  	s9 =	smul.u32 $0xF7A, s1;
	s8 =	simm.s32 @!p0 $0x1BF5;
	p2 =	por !p2, p0  }
0x20: {  	[sflag:s8] =	ssyncset.s32 @!p0 $0xFFFFF086;
	s6 =	sadd.s32 @!p0 s3, s7;
	s7 =	simm.s32 @!p0 $0x108  }
0x21: {  	s3 =	sadd.s32 s3, s9;
	s6 =	sadd.s32 @!p0 $0x88, s6;
	s7 =	simm.s32 @p2 $0x1082  }
0x22: {  	[simem:s7], [sflag:s8] =	dma.local @!p0 [hbm:s6], $0xF7A  }
0x23: {  	s9 =	sor.u32 $0xD0000000, s2;
	s6 =	simm.s32 $0x108;
	_ =	swait.ge @!p0 [sflag:s8], $0x0  }
0x24: {  	s3 =	sadd.s32 $0x88, s3;
	s6 =	simm.s32 @!p1 $0x1082;
	[sflag:s4] =	ssyncset.s32 $0xFFFFF086  }
0x25: {  	[simem:s6], [sflag:s4] =	dma.local [hbm:s3], $0xF7A  }
0x26: {  	[smem:$0x3F9F] =	sst s1;
	(tag) =	ssettag s2;
	_ =	strace s9  }
0x27: {  	s1 =	sld [smem:$0x3FAF]  }
0x28: {  	s2 =	sld [smem:$0x3FB0]  }
0x29: {  	s4 =	sld [smem:$0x3FB2]  }
0x2a: {  	p0 =	seq.s32 s5, $0x0;
	s5 =	sld [smem:$0x3FB3]  }
0x2b: {  	s6 =	sld [smem:$0x3FB4]  }
0x2c: {  	s7 =	sld [smem:$0x3FB5]  }
0x2d: {  	s3 =	simm.s32 $0x108;
	s8 =	sld [smem:$0x3FB6]  }
0x2e: {  	s3 =	simm.s32 @!p0 $0x1082;
	s9 =	sld [smem:$0x3FB7]  }
0x2f: {  	lr =	sadd.s32 s0, s3;
	s0 =	sld [smem:$0x3FAE]  }
0x30: {  	s3 =	sld [smem:$0x3FB1]  }
0x31: {  	[smem:$0x3FBA] =	sst s10  }
0x32: {  	s10 =	sld [smem:$0x3FB8];
	_ =	sdelay $0x3  }
0x33: {  	p0 =	seq.s32 s10, $0x1;
	s10 =	sld [smem:$0x3FBA];
	_ =	sdelay $0x3  }
0x34: {  	[smem:$0x3FBA] =	sst s10  }
0x35: {  	s10 =	sld [smem:$0x3FB9];
	_ =	sdelay $0x3  }
0x36: {  	p1 =	seq.s32 s10, $0x1;
	s10 =	sld [smem:$0x3FBA];
	_ =	sdelay $0x3  }
0x37: {  	[smem:$0x3FBA] =	sst s10  }
0x38: {  	s10 =	sld [smem:$0x3FBB]  }
0x39: {  	_ = 	snop;
	(pc) =	sbr.ind lr, $3  }
0x3a: {  	_ = 	snop  }
0x3b: {  	_ = 	snop  }
0x3c: {  	p2 =	seq.s32 s10, $0x1;
	s10 =	sld [smem:$0x3FBA]  }
0x3d: {  	_ =	shalt  }
0x3e: {  	_ =	shalt  }
0x3f: {  	_ =	shalt  }
0x40: {  	_ =	shalt  }
0x41: {  	_ =	shalt  }
0x42: {  	_ =	shalt  }
0x43: {  	_ =	shalt  }
0x44: {  	_ =	shalt  }
0x45: {  	_ =	shalt  }
0x46: {  	_ =	shalt  }
0x47: {  	_ =	shalt  }
0x48: {  	_ =	shalt  }
0x49: {  	_ =	shalt  }
0x4a: {  	_ =	shalt  }
0x4b: {  	_ =	shalt  }
0x4c: {  	_ =	shalt  }
0x4d: {  	_ =	shalt  }
0x4e: {  	_ =	shalt  }
0x4f: {  	_ =	shalt  }
0x50: {  	_ =	shalt  }
0x51: {  	_ =	shalt  }
0x52: {  	_ =	shalt  }
0x53: {  	_ =	shalt  }
0x54: {  	_ =	shalt  }
0x55: {  	_ =	shalt  }
0x56: {  	_ =	shalt  }
0x57: {  	_ =	shalt  }
0x58: {  	_ =	shalt  }
0x59: {  	_ =	shalt  }
0x5a: {  	_ =	shalt  }
0x5b: {  	_ =	shalt  }
0x5c: {  	_ =	shalt  }
0x5d: {  	_ =	shalt  }
0x5e: {  	_ =	shalt  }
0x5f: {  	_ =	shalt  }
0x60: {  	_ =	shalt  }
0x61: {  	_ =	shalt  }
0x62: {  	_ =	shalt  }
0x63: {  	_ =	shalt  }
0x64: {  	_ =	shalt  }
0x65: {  	_ =	shalt  }
0x66: {  	_ =	shalt  }
0x67: {  	_ =	shalt  }
0x68: {  	_ =	shalt  }
0x69: {  	_ =	shalt  }
0x6a: {  	_ =	shalt  }
0x6b: {  	_ =	shalt  }
0x6c: {  	_ =	shalt  }
0x6d: {  	_ =	shalt  }
0x6e: {  	_ =	shalt  }
0x6f: {  	_ =	shalt  }
0x70: {  	_ =	shalt  }
0x71: {  	_ =	shalt  }
0x72: {  	_ =	shalt  }
0x73: {  	_ =	shalt  }
0x74: {  	_ =	shalt  }
0x75: {  	_ =	shalt  }
0x76: {  	_ =	shalt  }
0x77: {  	_ =	shalt  }
0x78: {  	_ =	shalt  }
0x79: {  	_ =	shalt  }
0x7a: {  	_ =	shalt  }
0x7b: {  	_ =	shalt  }
0x7c: {  	_ =	shalt  }
0x7d: {  	_ =	shalt  }
0x7e: {  	_ =	shalt  }
0x7f: {  	_ =	shalt  }
0x80: {  	_ =	shalt  }
0x81: {  	_ =	shalt  }
0x82: {  	_ =	shalt  }
0x83: {  	_ =	shalt  }
0x84: {  	_ =	shalt  }
0x85: {  	_ =	shalt  }
0x86: {  	_ =	shalt  }
0x87: {  	_ =	shalt  }
.Lfunc_end0:
.L_simem_size_0:
called_computation.1_lowered:
.L_overlay_start_0:
0x88: {  	s2 =	sld [smem:$0x3FD9]  }
0x89: {  	s3 =	sld [smem:$0x3FFE];
	_ =	sdelay $0x1  }
0x8a: {  	s1 =	srdreg.scid  }
0x8b: {  	s0 =	sand.u32 $0x1, s1  }
0x8c: {  	s14 =	sshll.u32 s0, $0xA;
	s2 =	sadd.s32 s3, s2  }
0x8d: {  	s2 =	sadd.s32 s2, s14  }
0x8e: {  	[smem:$0x3FC6] =	sst s2  }
0x8f: {  	_ = 	snop  }
0x90: {  	s2 =	sld [smem:$0x3FD0];
	_ =	sdelay $0x2  }
0x91: {  	s15 =	simm.s32 $0xA;
	s4 =	simm.s32 $0x10  }
0x92: {  	[smem:s4], [sflag:s15] =	dma.local [hbm:s2], $0x1  }
0x93: {  	_ =	swait.eq [sflag:s15], $0x1  }
0x94: {  	[sflag:s15] =	ssyncset.done $0x0  }
0x95: {  	[sflag:s15] =	ssyncadd.s32 $0xFFFFFFFF  }
0x96: {  	s16 =	sld [smem:$0x12];
	(tm) =	ssettm $0x1  }
0x97: {  	s17 =	sld [smem:$0x3FFB];
	_ =	sdelay $0x3  }
0x98: {  	_ =	strace s17  }
0x99: {  	s3 =	sld [smem:$0x3FFC];
	_ =	sdelay $0x3  }
0x9a: {  	_ =	strace s3  }
0x9b: {  	s3 =	sld [smem:$0x3FFD];
	_ =	sdelay $0x3  }
0x9c: {  	_ =	strace s3  }
0x9d: {  	_ =	strace $0x8FFFFFFF  }
0x9e: {  	s18 =	sld [smem:$0x3FDB];
	_ =	sdelay $0x1  }
0x9f: {  	s19 =	simm.s32 $_scs_section_size  }
0xa0: {  	s5 =	simm.s32 $_size__tile_overlayer_lowered;
	s6 =	simm.s32 $_tile_overlayer_lowered  }
0xa1: {  	s22 =	simm.s32 $0x1BFF;
	s21 =	sshll.u32 s6, $0x1;
	s3 =	sadd.s32 s19, s18  }
0xa2: {  	s7 =	simm.s32 $0x0;
	s20 =	sshll.u32 s5, $0x1;
	s5 =	sadd.s32 s21, s3  }
0xa3: {  	[timem:s7], [sflag:s22] =	dma.local [hbm:s5], s20  }
0xa4: {  	_ =	swait.ge [sflag:s22], s20  }
0xa5: {  	s4 =	ssub.s32 $0x0, s20;
	[sflag:s22] =	ssyncset.done $0x0  }
0xa6: {  	[sflag:s22] =	ssyncadd.s32 s4;
	_ =	sdelay $0x1  }
0xa7: {  	s23 =	simm.s32 $0x1B8B  }
0xa8: {  	_ =	swait.ge [sflag:s23], $0x1  }
0xa9: {  	[sflag:s23] =	ssyncset.done $0x0  }
0xaa: {  	s25 =	simm.s32 $0x1B8E;
	s24 =	sld [smem:$0x3FFE];
	[sflag:s23] =	ssyncadd.s32 $0xFFFFFFFF  }
0xab: {  	s26 =	simm.s32 $execute0_lowered;
	[smem:$0x3FD2] =	sst s25  }
0xac: {  	s5 =	sshll.u32 s26, $0x1;
	_ =	strace $0x80000046;
	[dreg:$0x1] =	wrdreg $0xFFFFFFFF  }
0xad: {  	s28 =	simm.s32 $_size_execute0_lowered;
	s3 =	sadd.s32 s3, s5;
	[dreg:$0x0] =	wrdreg $0x0  }
0xae: {  	s5 =	sshll.u32 s28, $0x1;
	[dreg:$0x2] =	wrdreg s3  }
0xaf: {  	[dreg:$0x3] =	wrdreg s5  }
0xb0: {  	[dreg:$0x4] =	wrdreg $0xC0  }
0xb1: {  	_ =	task [dreg:s7], $0x5FFFF  }
0xb2: {  	[dreg:$0x1] =	wrdreg $0xFFFFFFFF  }
0xb3: {  	[dreg:$0x0] =	wrdreg $0x60  }
0xb4: {  	[dreg:$0x2] =	wrdreg s24  }
0xb5: {  	[dreg:$0x3] =	wrdreg s16  }
0xb6: {  	[dreg:$0x4] =	wrdreg $0x9  }
0xb7: {  	_ =	task.clear_ibuf [dreg:s7], $0x5FFFF;
	_ =	strace $0x90000046  }
0xb8: {  	s29 =	simm.s32 $0x9;
	_ =	strace $0x80000048  }
0xb9: {  	_ =	swait.ge [sflag:s29], $0x1  }
0xba: {  	[sflag:s29] =	ssyncadd.s32 $0xFFFFFFFF  }
0xbb: {  	_ =	strace $0x90000048  }
0xbc: {  	_ =	sfence  }
0xbd: {  	s30 =	sld [smem:$0x0];
	_ =	sdelay $0x2  }
0xbe: {  	s31 =	sshll.u32 s1, $0xD;
	s1 =	sshrl.u32 s1, $0x2  }
0xbf: {  	s3 =	sand.u32 $0x4000, s31;
	s1 =	sadd.s32 s1, s30  }
0xc0: {  	s0 =	sor.u32 s3, s0;
	s1 =	sshll.u32 s1, $0x11  }
0xc1: {  	s0 =	sor.u32 s1, s0  }
0xc2: {  	s0 =	sadd.s32 $0x8F2B, s0  }
0xc3: {  	[sflag:s0] =	ssyncadd.remote.s32 $0x1  }
0xc4: {  	_ =	sfence.sel $0xFFFF  }
0xc5: {  	[dreg:$0x0] =	wrdreg $0xFFFFFFFF;
	(pc) =	sbr.abs _section_cstart, $3  }
0xc6: {  	[dreg:$0x1] =	wrdreg $0xFFFFFFFF  }
0xc7: {  	_ =	task.clear_ibuf [dreg:s7], $0x2FFFF;
	_ =	strace $0x9FFFFFFF  }
0xc8: {  	(tm) =	ssettm $0x7FFFFFFF  }
0xc9: {  	_ =	shalt  }
tec
execute0_lowered:
.L_overlay_start_1:
0x0: {  	(tag) =	ssettag $0x1  }
0x1: {  	s4 =	rddreg [dreg:$0x0]  }
0x2: {  	s5 =	rddreg [dreg:$0x1]  }
0x3: {  	s0 =	rddreg [dreg:$0x2];
	s2 =	simm.s32 $0x0;
	s1 =	stileid.u32  }
0x4: {  	s6 =	srdreg.scid;
	s11 =	simm.s32 $0x0;
	[smem:$0x7FF] =	sst s2  }
0x5: {  	s3 =	sadd.s32 $0xDCBA00, s4;
	s7 =	sshll.u32 s1, $0x11;
	s6 =	sand.u32 $0x1, s6  }
0x6: {  	s9 =	sshll.u32 s1, $0xD;
	_ =	strace $0x80000047;
	s8 =	ssub.s32 $0x2, s6  }
0x7: {  	s10 =	sshll.u32 s6, $0xC;
	s7 =	sadd.s32 s7, s4;
	s6 =	sshll.u32 s6, $0x10  }
0x8: {  	s30 =	sshrl.u32 s8, $0x1;
	s9 =	sor.u32 s10, s9;
	s6 =	sadd.s32 s6, s7  }
0x9: {  	s7 =	simm.s32 $0x2;
	s10 =	simm.s32 $0x1;
	s8 =	ssub.s32 s8, s30  }
0xa: {  	s31 =	sshrl.u32 s9, $0x3;
	s6 =	sadd.s32 $0x7A00, s6;
	s9 =	simm.s32 $0x1000  }
0xb: {  	s4 =	sadd.s32 s5, s31;
	s5 =	smax.u32 s8, $0x1;
	s8 =	simm.s32 $0x80  }
.LBB2_1:
0xc: {  	[tilespmem:s2], [sflag:$0x2] =	stream.linear.gather [hbm4b:s4+s2], $0x1000, $0x38;
	[tilespmem:$0x5000] =	vst v63  }
0xd: {  	_ =	swait.ge [sflag:s7], $0x1000  }
0xe: {  	[sflag:s7] =	ssyncset.done $0x0  }
0xf: {  	s12 =	simm.s32 $0x0;
	[sflag:s7] =	ssyncadd.s32 $0xFFFFF000  }
0x10: {  	[tilespmem:s9], [sflag:$0x1] =	stream.indirect.gather [hbm4b:s3+s8], $0x80, s12, s8, $0xb8;
	[tilespmem:$0x5000] =	vst v63  }
0x11: {  	_ =	swait.ge [sflag:s10], $0x4000  }
0x12: {  	[sflag:s10] =	ssyncset.done $0x0  }
0x13: {  	[sflag:s10] =	ssyncadd.s32 $0xFFFFC000  }
0x14: {  	[hbm4b:s6+s2] =	stream.linear.scatter [tilespmem:s9], [sflag:$0x2], $0x4000, $0x38;
	[tilespmem:$0x5000] =	vst v63  }
0x15: {  	s13 =	simm.s32 $0x200;
	_ =	swait.ge [sflag:s7], $0x4000  }
0x16: {  	s14 =	simm.s32 $0x400;
	s12 =	sadd.s32 $0x800, s6;
	[sflag:s7] =	ssyncset.done $0x0  }
.LBB2_2:
0x17: {  	s15 =	sshra.s32 s13, $0x2  }
0x18: {  	[sflag:s7] =	ssyncadd.s32 $0xFFFFC000;
	s13 =	smov.u32 s14;
	s16 =	sadd.s32 $0x200, s14  }
0x19: {  	[tilespmem:s9], [sflag:$0x1] =	stream.indirect.gather [hbm4b:s3+s8], $0x80, s15, s8, $0xb8;
	[tilespmem:$0x5000] =	vst v63  }
0x1a: {  	p0 =	sne.s32 s14, $0x3E00;
	_ =	swait.ge [sflag:s10], $0x4000  }
.Ltmp0:
0x1b: {  	[sflag:s10] =	ssyncset.done $0x0;
	(pc) =	sbr.rel @p0 .LBB2_2-.Ltmp0, $4  }
0x1c: {  	[sflag:s10] =	ssyncadd.s32 $0xFFFFC000  }
0x1d: {  	[hbm4b:s12+s2] =	stream.linear.scatter [tilespmem:s9], [sflag:$0x2], $0x4000, $0x38;
	[tilespmem:$0x5000] =	vst v63  }
0x1e: {  	_ =	swait.ge [sflag:s7], $0x4000  }
0x1f: {  	s14 =	smov.u32 s16;
	s12 =	sadd.s32 $0x800, s12;
	[sflag:s7] =	ssyncset.done $0x0  }
0x20: {  	s13 =	sshra.s32 s13, $0x2;
	[sflag:s7] =	ssyncadd.s32 $0xFFFFC000  }
0x21: {  	[tilespmem:s9], [sflag:$0x1] =	stream.indirect.gather [hbm4b:s3+s8], $0x80, s13, s8, $0xb8;
	[tilespmem:$0x5000] =	vst v63  }
0x22: {  	s11 =	sadd.s32 $0x1, s11;
	_ =	swait.ge [sflag:s10], $0x4000  }
0x23: {  	p0 =	sne.s32 s11, s5;
	[sflag:s10] =	ssyncset.done $0x0  }
.Ltmp1:
0x24: {  	[sflag:s10] =	ssyncadd.s32 $0xFFFFC000;
	(pc) =	sbr.rel @p0 .LBB2_1-.Ltmp1, $4  }
0x25: {  	[hbm4b:s12+s2] =	stream.linear.scatter [tilespmem:s9], [sflag:$0x2], $0x4000, $0x38;
	[tilespmem:$0x5000] =	vst v63  }
0x26: {  	_ =	swait.ge [sflag:s7], $0x4000  }
0x27: {  	[sflag:s7] =	ssyncset.done $0x0  }
0x28: {  	[sflag:s7] =	ssyncadd.s32 $0xFFFFC000  }
0x29: {  	_ =	sfence.sel $0x180000  }
0x2a: {  	[bflag:$0x0] =	sbarrier.arrive $0xFFFF  }
0x2b: {  	p0 =	sne.s32 s1, $0x0;
	_ =	strace $0x90000047  }
0x2c: {  	s0 =	sadd.s32 @!p0 $0x100000, s0;
	[bflag:$0x2] =	sbarrier.arrive $0xFFFF  }
0x2d: {  	[sflag:s0] =	ssyncadd.tile.s32 @!p0 $0x1;
	_ =	shalt  }
.Lfunc_end2:
_tile_overlayer_lowered:
.L_overlay_start_2:
0x2e: {  	(tag) =	ssettag $0x2  }
0x2f: {  	s0 =	rddreg [dreg:$0x0];
	s2 =	stileid.u32  }
0x30: {  	s1 =	rddreg [dreg:$0x1];
	p0 =	sne.s32 s2, $0x0  }
0x31: {  	s3 =	rddreg [dreg:$0x2];
	[bflag:$0x3] =	sbarrier.arrive $0xFFFF;
	s2 =	simm.s32 @!p0 $0x1C02  }
0x32: {  	[timem:s3], [sflag:s2] =	dma.local @!p0 [hbm:s0], s1  }
0x33: {  	s0 =	simm.s32 @!p0 $0x2  }
0x34: {  	_ =	swait.ge @!p0 [sflag:s0], s1  }
0x35: {  	s1 =	ssub.s32 @!p0 $0x0, s1;
	[sflag:s0] =	ssyncset.done @!p0 $0x0  }
0x36: {  	[sflag:s0] =	ssyncadd.s32 @!p0 s1  }
0x37: {  	[bflag:$0x3] =	sbarrier.arrive $0xFFFF  }
0x38: {  	_ =	shalt  }

// kernel: kernel.20.cloned.1.call-start
scs
__scs_entry_jumppad:
0x0: {  	(pc) =	sbr.rel $0x88, $3  }
0x1: {  	(tag) =	ssettag $0x0;
	lr =	simm.s32 $0x1  }
0x2: {  	[smem:$0x3F9F] =	sst lr;
	_ =	strace $0xD0000000  }
0x3: {  	_ = 	snop  }
0x4: {  	_ = 	snop  }
0x5: {  	_ = 	snop  }
0x6: {  	_ = 	snop  }
0x7: {  	_ = 	snop  }
__scs_overlays_trampoline_lowered:
0x8: {  	[smem:$0x3FAE] =	sst s0  }
0x9: {  	[smem:$0x3FAF] =	sst s1  }
0xa: {  	[smem:$0x3FB0] =	sst s2  }
0xb: {  	[smem:$0x3FB1] =	sst s3  }
0xc: {  	[smem:$0x3FB2] =	sst s4  }
0xd: {  	[smem:$0x3FB3] =	sst s5  }
0xe: {  	[smem:$0x3FB4] =	sst s6  }
0xf: {  	[smem:$0x3FB5] =	sst s7  }
0x10: {  	[smem:$0x3FB6] =	sst s8  }
0x11: {  	[smem:$0x3FB7] =	sst s9;
	s0 =	simm.s32 @!p0 $0x0  }
0x12: {  	s1 =	sld [smem:$0x3F9D];
	s0 =	simm.s32 @p0 $0x1  }
0x13: {  	[smem:$0x3FB8] =	sst s0;
	s0 =	simm.s32 @!p1 $0x0  }
0x14: {  	s2 =	sld [smem:$0x3F9C];
	s0 =	simm.s32 @p1 $0x1  }
0x15: {  	[smem:$0x3FB9] =	sst s0;
	s0 =	simm.s32 @!p2 $0x0  }
0x16: {  	s3 =	sld [smem:$0x3FDB];
	s0 =	simm.s32 @p2 $0x1  }
0x17: {  	s4 =	simm.s32 $0x1BF5;
	[smem:$0x3FBB] =	sst s0  }
0x18: {  	s0 =	sld [smem:$0x3F9E];
	_ =	swait.ge [sflag:s4], $0x0  }
0x19: {  	s7 =	sld [smem:$0x3F9F]  }
0x1a: {  	s8 =	sadd.s32 $0xFFFFE003, lr  }
0x1b: {  	s9 =	sadd.s32 $0xFFFFFEF7, lr;
	s5 =	simm.s32 $0xFFFFFFFF;
	p2 =	slt.u32 s8, $0xFFFFF086  }
0x1c: {  	p1 =	slt.u32 s9, $0xF7A;
	s5 =	simm.s32 @!p2 $0x0  }
0x1d: {  	s5 =	simm.s32 @p1 $0x1;
	p0 =	seq.s32 s7, s2  }
0x1e: {  	s7 =	smul.u32 @!p0 $0xF7A, s2;
	p2 =	seq.s32 @!p0 s5, $0x0  }
0x1f: {  	s9 =	smul.u32 $0xF7A, s1;
	s8 =	simm.s32 @!p0 $0x1BF5;
	p2 =	por !p2, p0  }
0x20: {  	[sflag:s8] =	ssyncset.s32 @!p0 $0xFFFFF086;
	s6 =	sadd.s32 @!p0 s3, s7;
	s7 =	simm.s32 @!p0 $0x108  }
0x21: {  	s3 =	sadd.s32 s3, s9;
	s6 =	sadd.s32 @!p0 $0x88, s6;
	s7 =	simm.s32 @p2 $0x1082  }
0x22: {  	[simem:s7], [sflag:s8] =	dma.local @!p0 [hbm:s6], $0xF7A  }
0x23: {  	s9 =	sor.u32 $0xD0000000, s2;
	s6 =	simm.s32 $0x108;
	_ =	swait.ge @!p0 [sflag:s8], $0x0  }
0x24: {  	s3 =	sadd.s32 $0x88, s3;
	s6 =	simm.s32 @!p1 $0x1082;
	[sflag:s4] =	ssyncset.s32 $0xFFFFF086  }
0x25: {  	[simem:s6], [sflag:s4] =	dma.local [hbm:s3], $0xF7A  }
0x26: {  	[smem:$0x3F9F] =	sst s1;
	(tag) =	ssettag s2;
	_ =	strace s9  }
0x27: {  	s1 =	sld [smem:$0x3FAF]  }
0x28: {  	s2 =	sld [smem:$0x3FB0]  }
0x29: {  	s4 =	sld [smem:$0x3FB2]  }
0x2a: {  	p0 =	seq.s32 s5, $0x0;
	s5 =	sld [smem:$0x3FB3]  }
0x2b: {  	s6 =	sld [smem:$0x3FB4]  }
0x2c: {  	s7 =	sld [smem:$0x3FB5]  }
0x2d: {  	s3 =	simm.s32 $0x108;
	s8 =	sld [smem:$0x3FB6]  }
0x2e: {  	s3 =	simm.s32 @!p0 $0x1082;
	s9 =	sld [smem:$0x3FB7]  }
0x2f: {  	lr =	sadd.s32 s0, s3;
	s0 =	sld [smem:$0x3FAE]  }
0x30: {  	s3 =	sld [smem:$0x3FB1]  }
0x31: {  	[smem:$0x3FBA] =	sst s10  }
0x32: {  	s10 =	sld [smem:$0x3FB8];
	_ =	sdelay $0x3  }
0x33: {  	p0 =	seq.s32 s10, $0x1;
	s10 =	sld [smem:$0x3FBA];
	_ =	sdelay $0x3  }
0x34: {  	[smem:$0x3FBA] =	sst s10  }
0x35: {  	s10 =	sld [smem:$0x3FB9];
	_ =	sdelay $0x3  }
0x36: {  	p1 =	seq.s32 s10, $0x1;
	s10 =	sld [smem:$0x3FBA];
	_ =	sdelay $0x3  }
0x37: {  	[smem:$0x3FBA] =	sst s10  }
0x38: {  	s10 =	sld [smem:$0x3FBB]  }
0x39: {  	_ = 	snop;
	(pc) =	sbr.ind lr, $3  }
0x3a: {  	_ = 	snop  }
0x3b: {  	_ = 	snop  }
0x3c: {  	p2 =	seq.s32 s10, $0x1;
	s10 =	sld [smem:$0x3FBA]  }
0x3d: {  	_ =	shalt  }
0x3e: {  	_ =	shalt  }
0x3f: {  	_ =	shalt  }
0x40: {  	_ =	shalt  }
0x41: {  	_ =	shalt  }
0x42: {  	_ =	shalt  }
0x43: {  	_ =	shalt  }
0x44: {  	_ =	shalt  }
0x45: {  	_ =	shalt  }
0x46: {  	_ =	shalt  }
0x47: {  	_ =	shalt  }
0x48: {  	_ =	shalt  }
0x49: {  	_ =	shalt  }
0x4a: {  	_ =	shalt  }
0x4b: {  	_ =	shalt  }
0x4c: {  	_ =	shalt  }
0x4d: {  	_ =	shalt  }
0x4e: {  	_ =	shalt  }
0x4f: {  	_ =	shalt  }
0x50: {  	_ =	shalt  }
0x51: {  	_ =	shalt  }
0x52: {  	_ =	shalt  }
0x53: {  	_ =	shalt  }
0x54: {  	_ =	shalt  }
0x55: {  	_ =	shalt  }
0x56: {  	_ =	shalt  }
0x57: {  	_ =	shalt  }
0x58: {  	_ =	shalt  }
0x59: {  	_ =	shalt  }
0x5a: {  	_ =	shalt  }
0x5b: {  	_ =	shalt  }
0x5c: {  	_ =	shalt  }
0x5d: {  	_ =	shalt  }
0x5e: {  	_ =	shalt  }
0x5f: {  	_ =	shalt  }
0x60: {  	_ =	shalt  }
0x61: {  	_ =	shalt  }
0x62: {  	_ =	shalt  }
0x63: {  	_ =	shalt  }
0x64: {  	_ =	shalt  }
0x65: {  	_ =	shalt  }
0x66: {  	_ =	shalt  }
0x67: {  	_ =	shalt  }
0x68: {  	_ =	shalt  }
0x69: {  	_ =	shalt  }
0x6a: {  	_ =	shalt  }
0x6b: {  	_ =	shalt  }
0x6c: {  	_ =	shalt  }
0x6d: {  	_ =	shalt  }
0x6e: {  	_ =	shalt  }
0x6f: {  	_ =	shalt  }
0x70: {  	_ =	shalt  }
0x71: {  	_ =	shalt  }
0x72: {  	_ =	shalt  }
0x73: {  	_ =	shalt  }
0x74: {  	_ =	shalt  }
0x75: {  	_ =	shalt  }
0x76: {  	_ =	shalt  }
0x77: {  	_ =	shalt  }
0x78: {  	_ =	shalt  }
0x79: {  	_ =	shalt  }
0x7a: {  	_ =	shalt  }
0x7b: {  	_ =	shalt  }
0x7c: {  	_ =	shalt  }
0x7d: {  	_ =	shalt  }
0x7e: {  	_ =	shalt  }
0x7f: {  	_ =	shalt  }
0x80: {  	_ =	shalt  }
0x81: {  	_ =	shalt  }
0x82: {  	_ =	shalt  }
0x83: {  	_ =	shalt  }
0x84: {  	_ =	shalt  }
0x85: {  	_ =	shalt  }
0x86: {  	_ =	shalt  }
0x87: {  	_ =	shalt  }
.Lfunc_end0:
.L_simem_size_0:
called_computation.2_lowered:
.L_overlay_start_0:
0x88: {  	s2 =	sld [smem:$0x3FD9]  }
0x89: {  	s3 =	sld [smem:$0x3FFE];
	_ =	sdelay $0x1  }
0x8a: {  	s1 =	srdreg.scid  }
0x8b: {  	s0 =	sand.u32 $0x1, s1  }
0x8c: {  	s15 =	sshll.u32 s0, $0xA;
	s2 =	sadd.s32 s3, s2  }
0x8d: {  	s2 =	sadd.s32 s2, s15  }
0x8e: {  	[smem:$0x3FC6] =	sst s2  }
0x8f: {  	_ = 	snop  }
0x90: {  	s2 =	sld [smem:$0x3FD0];
	_ =	sdelay $0x2  }
0x91: {  	s4 =	simm.s32 $0xA;
	s5 =	simm.s32 $0x10;
	s16 =	sld [smem:$0x3FC8]  }
0x92: {  	[smem:s5], [sflag:s4] =	dma.local [hbm:s2], $0x1  }
0x93: {  	_ =	swait.eq [sflag:s4], $0x1  }
0x94: {  	[sflag:s4] =	ssyncset.done $0x0  }
0x95: {  	s17 =	sld [smem:$0x11];
	[sflag:s4] =	ssyncadd.s32 $0xFFFFFFFF  }
0x96: {  	s18 =	sld [smem:$0x12];
	(tm) =	ssettm $0x1  }
0x97: {  	s19 =	sld [smem:$0x3FFB];
	_ =	sdelay $0x3  }
0x98: {  	_ =	strace s19  }
0x99: {  	s5 =	sld [smem:$0x3FFC];
	_ =	sdelay $0x3  }
0x9a: {  	_ =	strace s5  }
0x9b: {  	s5 =	sld [smem:$0x3FFD];
	_ =	sdelay $0x3  }
0x9c: {  	_ =	strace s5  }
0x9d: {  	_ =	strace $0x8FFFFFFF  }
0x9e: {  	s20 =	sld [smem:$0x3FDB];
	_ =	sdelay $0x1  }
0x9f: {  	s6 =	simm.s32 $_scs_section_size  }
0xa0: {  	s7 =	simm.s32 $_size__tile_overlayer_lowered;
	s8 =	simm.s32 $_tile_overlayer_lowered  }
0xa1: {  	s23 =	simm.s32 $0x1BFF;
	s22 =	sshll.u32 s8, $0x1;
	s5 =	sadd.s32 s6, s20  }
0xa2: {  	s9 =	simm.s32 $0x0;
	s21 =	sshll.u32 s7, $0x1;
	s7 =	sadd.s32 s22, s5  }
0xa3: {  	[timem:s9], [sflag:s23] =	dma.local [hbm:s7], s21  }
0xa4: {  	_ =	swait.ge [sflag:s23], s21  }
0xa5: {  	s6 =	ssub.s32 $0x0, s21;
	[sflag:s23] =	ssyncset.done $0x0  }
0xa6: {  	[sflag:s23] =	ssyncadd.s32 s6;
	_ =	sdelay $0x1  }
0xa7: {  	s24 =	simm.s32 $0x1B8B  }
0xa8: {  	_ =	swait.ge [sflag:s24], $0x1  }
0xa9: {  	[sflag:s24] =	ssyncset.done $0x0  }
0xaa: {  	s25 =	simm.s32 $0x1B8E;
	[sflag:s24] =	ssyncadd.s32 $0xFFFFFFFF  }
0xab: {  	s26 =	simm.s32 $execute0_lowered;
	[smem:$0x3FD2] =	sst s25  }
0xac: {  	s6 =	sshll.u32 s26, $0x1;
	_ =	strace $0x80000049;
	[dreg:$0x1] =	wrdreg $0xFFFFFFFF  }
0xad: {  	s28 =	simm.s32 $_size_execute0_lowered;
	s5 =	sadd.s32 s5, s6;
	[dreg:$0x0] =	wrdreg $0x0  }
0xae: {  	s6 =	sshll.u32 s28, $0x1;
	[dreg:$0x2] =	wrdreg s5  }
0xaf: {  	[dreg:$0x3] =	wrdreg s6  }
0xb0: {  	[dreg:$0x4] =	wrdreg $0xC0  }
0xb1: {  	_ =	task [dreg:s9], $0x5FFFF  }
0xb2: {  	[dreg:$0x1] =	wrdreg $0xFFFFFFFF  }
0xb3: {  	[dreg:$0x0] =	wrdreg $0x60  }
0xb4: {  	[dreg:$0x2] =	wrdreg s16  }
0xb5: {  	[dreg:$0x3] =	wrdreg s17  }
0xb6: {  	[dreg:$0x4] =	wrdreg s18  }
0xb7: {  	[dreg:$0x5] =	wrdreg $0x9  }
0xb8: {  	_ =	task.clear_ibuf [dreg:s9], $0x6FFFF;
	_ =	strace $0x90000049  }
0xb9: {  	s29 =	simm.s32 $0x9;
	_ =	strace $0x8000004B  }
0xba: {  	_ =	swait.ge [sflag:s29], $0x1  }
0xbb: {  	[sflag:s29] =	ssyncadd.s32 $0xFFFFFFFF  }
0xbc: {  	_ =	strace $0x9000004B  }
0xbd: {  	_ =	sfence  }
0xbe: {  	s30 =	sld [smem:$0x0];
	_ =	sdelay $0x2  }
0xbf: {  	s31 =	sshll.u32 s1, $0xD;
	s1 =	sshrl.u32 s1, $0x2  }
0xc0: {  	s3 =	sand.u32 $0x4000, s31;
	s1 =	sadd.s32 s1, s30  }
0xc1: {  	s0 =	sor.u32 s3, s0;
	s1 =	sshll.u32 s1, $0x11  }
0xc2: {  	s0 =	sor.u32 s1, s0  }
0xc3: {  	s0 =	sadd.s32 $0x8F2B, s0  }
0xc4: {  	[sflag:s0] =	ssyncadd.remote.s32 $0x1  }
0xc5: {  	_ =	sfence.sel $0xFFFF  }
0xc6: {  	[dreg:$0x0] =	wrdreg $0xFFFFFFFF;
	(pc) =	sbr.abs _section_cstart, $3  }
0xc7: {  	[dreg:$0x1] =	wrdreg $0xFFFFFFFF  }
0xc8: {  	_ =	task.clear_ibuf [dreg:s9], $0x2FFFF;
	_ =	strace $0x9FFFFFFF  }
0xc9: {  	(tm) =	ssettm $0x7FFFFFFF  }
tec
execute0_lowered:
.L_overlay_start_1:
0x0: {  	(tag) =	ssettag $0x1  }
0x1: {  	s1 =	rddreg [dreg:$0x0]  }
0x2: {  	s4 =	rddreg [dreg:$0x1]  }
0x3: {  	s6 =	rddreg [dreg:$0x2]  }
0x4: {  	s0 =	rddreg [dreg:$0x3]  }
0x5: {  	s3 =	simm.s32 $0x0;
	s5 =	srdreg.scid;
	s2 =	stileid.u32  }
0x6: {  	s5 =	sand.u32 $0x1, s5;
	s7 =	sshll.u32 s2, $0x1;
	s8 =	smul.u32 $0xC8000, s2  }
0x7: {  	s9 =	ssub.s32 $0x2, s5;
	s7 =	sor.u32 s5, s7;
	s5 =	smul.u32 $0x64000, s5  }
0x8: {  	[smem:$0x7FF] =	sst s3;
	s10 =	sshrl.u32 s9, $0x1;
	s7 =	smul.u32 $0x190, s7  }
0x9: {  	s11 =	simm.s32 $0x0;
	_ =	strace $0x8000004A;
	s9 =	ssub.s32 s9, s10  }
0xa: {  	s8 =	sadd.s32 s5, s8;
	s10 =	simm.s32 $0x1;
	s4 =	sadd.s32 s4, s7  }
0xb: {  	s5 =	smax.u32 s9, $0x1;
	s31 =	sshrl.u32 s8, $0x3;
	s7 =	simm.s32 $0x2  }
0xc: {  	s8 =	simm.s32 $0x80;
	s9 =	simm.s32 $0xC80;
	s6 =	sadd.s32 s31, s6  }
.LBB2_1:
0xd: {  	[tilespmem:s3], [sflag:$0x2] =	stream.linear.gather [hbm4b:s4+s3], $0xC80, $0x38;
	[tilespmem:$0x4C80] =	vst v63  }
0xe: {  	_ =	swait.ge [sflag:s7], $0xC80  }
0xf: {  	[sflag:s7] =	ssyncset.done $0x0  }
0x10: {  	s12 =	simm.s32 $0x0;
	[sflag:s7] =	ssyncadd.s32 $0xFFFFF380  }
0x11: {  	[tilespmem:s9], [sflag:$0x1] =	stream.indirect.gather [hbm4b:s1+s8], $0x80, s12, s8, $0xb8;
	[tilespmem:$0x4C80] =	vst v63  }
0x12: {  	_ =	swait.ge [sflag:s10], $0x4000  }
0x13: {  	[sflag:s10] =	ssyncset.done $0x0  }
0x14: {  	[sflag:s10] =	ssyncadd.s32 $0xFFFFC000  }
0x15: {  	[hbm4b:s6+s3] =	stream.linear.scatter [tilespmem:s9], [sflag:$0x2], $0x4000, $0x38;
	[tilespmem:$0x4C80] =	vst v63  }
0x16: {  	s13 =	simm.s32 $0x200;
	_ =	swait.ge [sflag:s7], $0x4000  }
0x17: {  	s14 =	simm.s32 $0x400;
	s12 =	sadd.s32 $0x800, s6;
	[sflag:s7] =	ssyncset.done $0x0  }
.LBB2_2:
0x18: {  	s15 =	sshra.s32 s13, $0x2  }
0x19: {  	[sflag:s7] =	ssyncadd.s32 $0xFFFFC000;
	s13 =	smov.u32 s14;
	s16 =	sadd.s32 $0x200, s14  }
0x1a: {  	[tilespmem:s9], [sflag:$0x1] =	stream.indirect.gather [hbm4b:s1+s8], $0x80, s15, s8, $0xb8;
	[tilespmem:$0x4C80] =	vst v63  }
0x1b: {  	p0 =	sne.s32 s14, $0x3000;
	_ =	swait.ge [sflag:s10], $0x4000  }
.Ltmp0:
0x1c: {  	[sflag:s10] =	ssyncset.done $0x0;
	(pc) =	sbr.rel @p0 .LBB2_2-.Ltmp0, $4  }
0x1d: {  	[sflag:s10] =	ssyncadd.s32 $0xFFFFC000  }
0x1e: {  	[hbm4b:s12+s3] =	stream.linear.scatter [tilespmem:s9], [sflag:$0x2], $0x4000, $0x38;
	[tilespmem:$0x4C80] =	vst v63  }
0x1f: {  	_ =	swait.ge [sflag:s7], $0x4000  }
0x20: {  	s14 =	smov.u32 s16;
	s12 =	sadd.s32 $0x800, s12;
	[sflag:s7] =	ssyncset.done $0x0  }
0x21: {  	s13 =	sshra.s32 s13, $0x2;
	[sflag:s7] =	ssyncadd.s32 $0xFFFFC000  }
0x22: {  	[tilespmem:s9], [sflag:$0x1] =	stream.indirect.gather [hbm4b:s1+s8], $0x80, s13, s8, $0xb8;
	[tilespmem:$0x4C80] =	vst v63  }
0x23: {  	s11 =	sadd.s32 $0x1, s11;
	_ =	swait.ge [sflag:s10], $0x4000  }
0x24: {  	p0 =	sne.s32 s11, s5;
	[sflag:s10] =	ssyncset.done $0x0  }
.Ltmp1:
0x25: {  	[sflag:s10] =	ssyncadd.s32 $0xFFFFC000;
	(pc) =	sbr.rel @p0 .LBB2_1-.Ltmp1, $4  }
0x26: {  	[hbm4b:s12+s3] =	stream.linear.scatter [tilespmem:s9], [sflag:$0x2], $0x4000, $0x38;
	[tilespmem:$0x4C80] =	vst v63  }
0x27: {  	_ =	swait.ge [sflag:s7], $0x4000  }
0x28: {  	[sflag:s7] =	ssyncset.done $0x0  }
0x29: {  	[sflag:s7] =	ssyncadd.s32 $0xFFFFC000  }
0x2a: {  	_ =	sfence.sel $0x180000  }
0x2b: {  	[bflag:$0x0] =	sbarrier.arrive $0xFFFF  }
0x2c: {  	p0 =	sne.s32 s2, $0x0;
	_ =	strace $0x9000004A  }
0x2d: {  	s0 =	sadd.s32 @!p0 $0x100000, s0;
	[bflag:$0x2] =	sbarrier.arrive $0xFFFF  }
0x2e: {  	[sflag:s0] =	ssyncadd.tile.s32 @!p0 $0x1;
	_ =	shalt  }
.Lfunc_end2:
_tile_overlayer_lowered:
.L_overlay_start_2:
0x2f: {  	(tag) =	ssettag $0x2  }
0x30: {  	s0 =	rddreg [dreg:$0x0];
	s2 =	stileid.u32  }
0x31: {  	s1 =	rddreg [dreg:$0x1];
	p0 =	sne.s32 s2, $0x0  }
0x32: {  	s3 =	rddreg [dreg:$0x2];
	[bflag:$0x3] =	sbarrier.arrive $0xFFFF;
	s2 =	simm.s32 @!p0 $0x1C02  }
0x33: {  	[timem:s3], [sflag:s2] =	dma.local @!p0 [hbm:s0], s1  }
0x34: {  	s0 =	simm.s32 @!p0 $0x2  }
0x35: {  	_ =	swait.ge @!p0 [sflag:s0], s1  }
0x36: {  	s1 =	ssub.s32 @!p0 $0x0, s1;
	[sflag:s0] =	ssyncset.done @!p0 $0x0  }
0x37: {  	[sflag:s0] =	ssyncadd.s32 @!p0 s1  }
0x38: {  	[bflag:$0x3] =	sbarrier.arrive $0xFFFF  }
0x39: {  	_ =	shalt  }

// kernel: sparse-core-data-format-call.cloned.1.call-start
scs
called_computation_lowered:
.L_overlay_start_0:
0x0: {  	s2 =	sld [smem:$0x3FD9]  }
0x1: {  	s3 =	sld [smem:$0x3FFE];
	_ =	sdelay $0x1  }
0x2: {  	s1 =	srdreg.scid  }
0x3: {  	s0 =	sand.u32 $0x1, s1  }
0x4: {  	s15 =	sshll.u32 s0, $0xA;
	s2 =	sadd.s32 s3, s2  }
0x5: {  	s2 =	sadd.s32 s2, s15  }
0x6: {  	[smem:$0x3FC6] =	sst s2  }
0x7: {  	_ = 	snop  }
0x8: {  	s2 =	sld [smem:$0x3FD0];
	_ =	sdelay $0x2  }
0x9: {  	s16 =	simm.s32 $0xA;
	s4 =	simm.s32 $0x10  }
0xa: {  	[smem:s4], [sflag:s16] =	dma.local [hbm:s2], $0x1  }
0xb: {  	_ =	swait.eq [sflag:s16], $0x1  }
0xc: {  	[sflag:s16] =	ssyncset.done $0x0  }
0xd: {  	[sflag:s16] =	ssyncadd.s32 $0xFFFFFFFF  }
0xe: {  	s17 =	sld [smem:$0x12];
	(tm) =	ssettm $0x1  }
0xf: {  	s18 =	sld [smem:$0x3FFB];
	_ =	sdelay $0x3  }
0x10: {  	_ =	strace s18  }
0x11: {  	s3 =	sld [smem:$0x3FFC];
	_ =	sdelay $0x3  }
0x12: {  	_ =	strace s3  }
0x13: {  	s3 =	sld [smem:$0x3FFD];
	_ =	sdelay $0x3  }
0x14: {  	_ =	strace s3  }
0x15: {  	_ =	strace $0x8FFFFFFF  }
0x16: {  	s19 =	sld [smem:$0x3FDB];
	_ =	sdelay $0x1  }
0x17: {  	s20 =	simm.s32 $_scs_section_size  }
0x18: {  	s5 =	simm.s32 $_size__tile_overlayer_lowered;
	s6 =	simm.s32 $_tile_overlayer_lowered  }
0x19: {  	s23 =	simm.s32 $0x1BFF;
	s22 =	sshll.u32 s6, $0x1;
	s3 =	sadd.s32 s20, s19  }
0x1a: {  	s7 =	simm.s32 $0x0;
	s21 =	sshll.u32 s5, $0x1;
	s5 =	sadd.s32 s22, s3  }
0x1b: {  	[timem:s7], [sflag:s23] =	dma.local [hbm:s5], s21  }
0x1c: {  	_ =	swait.ge [sflag:s23], s21  }
0x1d: {  	s4 =	ssub.s32 $0x0, s21;
	[sflag:s23] =	ssyncset.done $0x0  }
0x1e: {  	[sflag:s23] =	ssyncadd.s32 s4;
	_ =	sdelay $0x1  }
0x1f: {  	s24 =	simm.s32 $0x1B8B  }
0x20: {  	_ =	swait.ge [sflag:s24], $0x1  }
0x21: {  	[sflag:s24] =	ssyncset.done $0x0  }
0x22: {  	s26 =	simm.s32 $0x1B8E;
	s25 =	sld [smem:$0x3FFE];
	[sflag:s24] =	ssyncadd.s32 $0xFFFFFFFF  }
0x23: {  	s27 =	simm.s32 $execute0_lowered;
	[smem:$0x3FD2] =	sst s26  }
0x24: {  	s5 =	sshll.u32 s27, $0x1;
	_ =	strace $0x8000004C;
	[dreg:$0x1] =	wrdreg $0xFFFFFFFF  }
0x25: {  	s28 =	simm.s32 $_size_execute0_lowered;
	s3 =	sadd.s32 s3, s5;
	[dreg:$0x0] =	wrdreg $0x0  }
0x26: {  	s5 =	sshll.u32 s28, $0x1;
	[dreg:$0x2] =	wrdreg s3  }
0x27: {  	[dreg:$0x3] =	wrdreg s5  }
0x28: {  	[dreg:$0x4] =	wrdreg $0xC0  }
0x29: {  	_ =	task [dreg:s7], $0x5FFFF  }
0x2a: {  	[dreg:$0x1] =	wrdreg $0xFFFFFFFF  }
0x2b: {  	[dreg:$0x0] =	wrdreg $0x60  }
0x2c: {  	[dreg:$0x2] =	wrdreg s25  }
0x2d: {  	[dreg:$0x3] =	wrdreg s17  }
0x2e: {  	[dreg:$0x4] =	wrdreg $0x9  }
0x2f: {  	_ =	task.clear_ibuf [dreg:s7], $0x5FFFF;
	_ =	strace $0x9000004C  }
0x30: {  	s29 =	simm.s32 $0x9;
	_ =	strace $0x8000004E  }
0x31: {  	_ =	swait.ge [sflag:s29], $0x1  }
0x32: {  	[sflag:s29] =	ssyncadd.s32 $0xFFFFFFFF  }
0x33: {  	_ =	strace $0x9000004E  }
0x34: {  	_ =	sfence  }
0x35: {  	s30 =	sld [smem:$0x0];
	_ =	sdelay $0x2  }
0x36: {  	s31 =	sshll.u32 s1, $0xD;
	s1 =	sshrl.u32 s1, $0x2  }
0x37: {  	s3 =	sand.u32 $0x4000, s31;
	s1 =	sadd.s32 s1, s30  }
0x38: {  	s0 =	sor.u32 s3, s0;
	s1 =	sshll.u32 s1, $0x11  }
0x39: {  	s0 =	sor.u32 s1, s0  }
0x3a: {  	s0 =	sadd.s32 $0x8F2B, s0  }
0x3b: {  	[sflag:s0] =	ssyncadd.remote.s32 $0x1  }
0x3c: {  	_ =	sfence.sel $0xFFFF  }
0x3d: {  	[dreg:$0x0] =	wrdreg $0xFFFFFFFF;
	(pc) =	sbr.abs _section_cstart, $3  }
0x3e: {  	[dreg:$0x1] =	wrdreg $0xFFFFFFFF  }
0x3f: {  	_ =	task.clear_ibuf [dreg:s7], $0x2FFFF;
	_ =	strace $0x9FFFFFFF  }
0x40: {  	(tm) =	ssettm $0x7FFFFFFF  }
0x41: {  	_ =	shalt  }
tec
execute0_lowered:
.L_overlay_start_1:
0x0: {  	(tag) =	ssettag $0x1  }
0x1: {  	s0 =	srdreg.scid  }
0x2: {  	s1 =	sshll.u32 s0, $0x4  }
0x3: {  	s0 =	stileid.u32;
	s1 =	sand.u32 $0x10, s1  }
0x4: {  	s6 =	rddreg [dreg:$0x0];
	s1 =	sor.u32 s0, s1  }
0x5: {  	s4 =	simm.s32 $0x1;
	s7 =	simm.s32 $0x2;
	s2 =	sshll.u32 s1, $0x5  }
0x6: {  	s14 =	simm.s32 $0x0;
	s8 =	simm.s32 $0x1000;
	s1 =	ssub.s32 $0x400, s2  }
0x7: {  	s9 =	simm.s32 $0x20000;
	s10 =	simm.s32 $0x0;
	s3 =	sand.u32 $0x3E0, s1  }
0x8: {  	s15 =	simm.s32 $0x0;
	s5 =	sshrl.u32 s1, $0xA;
	p0 =	sne.s32 s3, $0x0  }
.Ltmp0:
0x9: {  	s1 =	rddreg [dreg:$0x2];
	s4 =	simm.s32 @!p0 $0x0;
	(pc) =	sbr.rel .LBB1_1-.Ltmp0, $4  }
0xa: {  	s11 =	simm.s32 $0x0;
	s3 =	rddreg [dreg:$0x1];
	s5 =	sadd.s32 s4, s5  }
0xb: {  	_ =	strace $0x8000004D;
	s4 =	simm.s32 $0x1;
	s5 =	smul.u32 $0x19, s5  }
0xc: {  	s13 =	simm.s32 $0x0;
	s6 =	sadd.s32 $0xBA00, s6;
	[sflag:s4] =	ssyncpa.u1 $0x0  }
0xd: {  	s12 =	smov.u32 s2;
	[sflag:s7] =	ssyncpa.u1 $0x0;
	s7 =	sadd.s32 $0x1, s5  }
.LBB1_7:
0xe: {  	s16 =	sadd.s32 $0x4, s11  }
0xf: {  	s14 =	sadd.s32 $0x400, s12;
	s18 =	smov.u32 s12;
	p1 =	sgt.s32 s16, $0x63  }
0x10: {  	s18 =	smov.u32 @p1 s14  }
0x11: {  	s16 =	simm.s32 @p1 $0x0;
	p1 =	sgt.s32 s18, $0x3FF  }
0x12: {  	s18 =	smov.u32 @p1 s2;
	p1 =	sne.s32 s13, s7  }
.Ltmp1:
0x13: {  	p0 =	slt.u32 s13, $0x2;
	(pc) =	sbr.rel @!p1 .LBB1_8-.Ltmp1, $4  }
0x14: {  	s17 =	simm.s32 @!p0 $0x2  }
0x15: {  	s15 =	smov.u32 s12;
	s10 =	sadd.s32 $0x4000, s10;
	_ =	swait.ge @!p0 [sflag:s17], $0x4000  }
0x16: {  	s14 =	smov.u32 s11;
	[sflag:s17] =	ssyncset.done @!p0 $0x0;
	s11 =	smov.u32 s16  }
0x17: {  	s13 =	sadd.s32 $0x1, s13;
	[sflag:s17] =	ssyncadd.s32 @!p0 $0xFFFFC000;
	s12 =	smov.u32 s18  }
.LBB1_1:
0x18: {  	p0 =	sge.u32 s13, s5  }
0x19: {  	s16 =	sand.u32 @!p0 $0x1FFFFFF, s11  }
0x1a: {  	s17 =	smulhi.u32 @!p0 $0x2762763, s16;
	_ =	sdelay $0x1  }
0x1b: {  	s17 =	smul.u32 @!p0 $0x68, s17  }
0x1c: {  	s18 =	sxor.u32 @!p0 $0xFFFFFFFF, s13;
	s19 =	smul.u32 @!p0 $0x680, s12  }
0x1d: {  	s31 =	sadd.s32 $0xFFFFFFFF, s13;
	s18 =	sshll.u32 @!p0 s18, $0xE;
	s16 =	ssub.s32 @!p0 s16, s17  }
0x1e: {  	s17 =	sand.u32 @!p0 $0x4000, s18;
	s18 =	sadd.s32 @!p0 s6, s19;
	s16 =	sshll.u32 @!p0 s16, $0x4  }
0x1f: {  	s19 =	simm.s32 @!p0 $0x3400;
	s16 =	sadd.s32 @!p0 s16, s18;
	s18 =	simm.s32 @!p0 $0x200  }
0x20: {  	[tilespmem:s17], [sflag:$0x1] =	stream.strided.gather @!p0 [hbm4b:s16+s18], $0x4000, s19, s18, $0x38;
	[tilespmem:$0x10000] =	vst v63  }
0x21: {  	p0 =	sge.u32 s31, s5  }
.Ltmp2:
0x22: {  	_ = 	snop;
	(pc) =	sbr.rel @p0 .LBB1_7-.Ltmp2, $1  }
0x23: {  	_ =	sdelay $0x3  }
0x24: {  	s17 =	sand.u32 $0x4000, s10  }
0x25: {  	_ =	swait.ge [sflag:s4], $0x4000;
	s19 =	sshll.u32 s13, $0xE;
	s16 =	sor.u32 $0x8040, s17  }
0x26: {  	s18 =	sor.u32 $0x40, s17;
	[sflag:s4] =	ssyncset.done $0x0;
	s31 =	sand.u32 $0x4000, s19  }
0x27: {  	s19 =	simm.s32 $0x0;
	[sflag:s4] =	ssyncadd.s32 $0xFFFFC000;
	s17 =	sor.u32 $0x8000, s31  }
.LBB1_3:
0x28: {  	v0 =	vmov s18;
	_ =	sdelay $0x3  }
0x29: {  	s21 =	simm.s32 $0x0  }
0x2a: {  	v6 =	vld.idx.msk [tilespmem:v0+s21+$0x30 ss:$0x1], $0xffff  }
0x2b: {  	v7 =	vld.idx.msk [tilespmem:v0+s21+$0xFFFFFFC0 ss:$0x1], $0xffff  }
0x2c: {  	v5 =	vld.idx.msk [tilespmem:v0+s21+$0xFFFFFFD0 ss:$0x1], $0xffff  }
0x2d: {  	v4 =	vld.idx.msk [tilespmem:v0+s21+$0xFFFFFFE0 ss:$0x1], $0xffff  }
0x2e: {  	v3 =	vld.idx.msk [tilespmem:v0+s21+$0xFFFFFFF0 ss:$0x1], $0xffff  }
0x2f: {  	v1 =	vld.idx.msk [tilespmem:v0+s21+$0x0 ss:$0x1], $0xffff  }
0x30: {  	v2 =	vld.idx.msk [tilespmem:v0+s21+$0x10 ss:$0x1], $0xffff;
	[tilespmem:s16+$0x30] =	vst v6  }
0x31: {  	s20 =	simm.s32 $0x80;
	s22 =	simm.s32 $0x400;
	[tilespmem:s16+$0xFFFFFFC0] =	vst v7;
	v6 =	vld.idx.msk [tilespmem:v0+s21+$0x20 ss:$0x1], $0xffff;
	s21 =	smov.u32 s16  }
.LBB1_4:
0x32: {  	p0 =	sne.s32 s22, $0x600;
	v7 =	vld.idx.msk [tilespmem:v0+s20+$0x30 ss:$0x1], $0xffff;
	[tilespmem:s21+$0xFFFFFFD0] =	vst v5  }
0x33: {  	v8 =	vld.idx.msk [tilespmem:v0+s20+$0xFFFFFFC0 ss:$0x1], $0xffff;
	[tilespmem:s21+$0xFFFFFFE0] =	vst v4  }
0x34: {  	v5 =	vld.idx.msk [tilespmem:v0+s20+$0xFFFFFFD0 ss:$0x1], $0xffff;
	[tilespmem:s21+$0xFFFFFFF0] =	vst v3  }
.Ltmp3:
0x35: {  	v4 =	vld.idx.msk [tilespmem:v0+s20+$0xFFFFFFE0 ss:$0x1], $0xffff;
	[tilespmem:s21+$0x0] =	vst v1;
	(pc) =	sbr.rel @p0 .LBB1_4-.Ltmp3, $4  }
0x36: {  	v3 =	vld.idx.msk [tilespmem:v0+s20+$0xFFFFFFF0 ss:$0x1], $0xffff;
	[tilespmem:s21+$0x10] =	vst v2  }
0x37: {  	v1 =	vld.idx.msk [tilespmem:v0+s20+$0x0 ss:$0x1], $0xffff;
	[tilespmem:s21+$0x20] =	vst v6;
	s21 =	sadd.s32 $0x1000, s21  }
0x38: {  	v2 =	vld.idx.msk [tilespmem:v0+s20+$0x10 ss:$0x1], $0xffff;
	[tilespmem:s21+$0x30] =	vst v7  }
0x39: {  	[tilespmem:s21+$0xFFFFFFC0] =	vst v8;
	v6 =	vld.idx.msk [tilespmem:v0+s20+$0x20 ss:$0x1], $0xffff;
	s20 =	sshra.s32 s22, $0x2;
	s22 =	sadd.s32 $0x200, s22  }
0x3a: {  	_ =	sdelay $0x2  }
0x3b: {  	[tilespmem:s21+$0xFFFFFFD0] =	vst v5  }
0x3c: {  	v56 =	vld.idx.msk [tilespmem:v0+s20+$0x30 ss:$0x1], $0xffff;
	[tilespmem:s21+$0xFFFFFFE0] =	vst v4  }
0x3d: {  	v57 =	vld.idx.msk [tilespmem:v0+s20+$0xFFFFFFC0 ss:$0x1], $0xffff;
	[tilespmem:s21+$0xFFFFFFF0] =	vst v3  }
0x3e: {  	v58 =	vld.idx.msk [tilespmem:v0+s20+$0xFFFFFFD0 ss:$0x1], $0xffff;
	[tilespmem:s21+$0x0] =	vst v1  }
0x3f: {  	v59 =	vld.idx.msk [tilespmem:v0+s20+$0xFFFFFFE0 ss:$0x1], $0xffff;
	[tilespmem:s21+$0x10] =	vst v2  }
0x40: {  	v60 =	vld.idx.msk [tilespmem:v0+s20+$0xFFFFFFF0 ss:$0x1], $0xffff;
	s31 =	sadd.s32 $0x1000, s21;
	[tilespmem:s21+$0x20] =	vst v6  }
0x41: {  	v61 =	vld.idx.msk [tilespmem:v0+s20+$0x0 ss:$0x1], $0xffff;
	[tilespmem:s31+$0x30] =	vst v56  }
0x42: {  	v62 =	vld.idx.msk [tilespmem:v0+s20+$0x10 ss:$0x1], $0xffff;
	s19 =	sadd.s32 $0x1, s19;
	[tilespmem:s31+$0xFFFFFFC0] =	vst v57  }
0x43: {  	v63 =	vld.idx.msk [tilespmem:v0+s20+$0x20 ss:$0x1], $0xffff;
	p0 =	sne.s32 s19, $0x20;
	[tilespmem:s31+$0xFFFFFFD0] =	vst v58  }
.Ltmp4:
0x44: {  	[tilespmem:s31+$0xFFFFFFE0] =	vst v59;
	(pc) =	sbr.rel @p0 .LBB1_3-.Ltmp4, $4  }
0x45: {  	[tilespmem:s31+$0xFFFFFFF0] =	vst v60  }
0x46: {  	[tilespmem:s31+$0x0] =	vst v61  }
0x47: {  	[tilespmem:s31+$0x10] =	vst v62  }
0x48: {  	s16 =	sadd.s32 $0x80, s16;
	s18 =	sadd.s32 $0x200, s18;
	[tilespmem:s31+$0x20] =	vst v63  }
.Ltmp5:
0x49: {  	s15 =	sshll.u32 s15, $0x4;
	(pc) =	sbr.rel .LBB1_7-.Ltmp5, $4  }
0x4a: {  	s15 =	sand.u32 $0x3FF0, s15  }
0x4b: {  	s14 =	sshll.u32 s14, $0xE;
	s15 =	sadd.s32 s3, s15  }
0x4c: {  	s14 =	sadd.s32 s14, s15  }
0x4d: {  	[hbm4b:s14+s8] =	stream.strided.scatter [tilespmem:s17], [sflag:$0x2], $0x4000, s9, s8, $0x38;
	[tilespmem:$0x10000] =	vst v63  }
.LBB1_8:
0x4e: {  	_ =	sfence.sel $0x180000  }
0x4f: {  	s2 =	simm.s32 $0x1;
	[bflag:$0x0] =	sbarrier.arrive $0xFFFF  }
0x50: {  	s31 =	simm.s32 $0x2;
	[sflag:s2] =	ssyncpa.u1 $0x1  }
0x51: {  	[sflag:s31] =	ssyncpa.u1 $0x1  }
0x52: {  	p0 =	sne.s32 s0, $0x0;
	_ =	strace $0x9000004D  }
0x53: {  	s0 =	sadd.s32 @!p0 $0x100000, s1;
	[bflag:$0x2] =	sbarrier.arrive $0xFFFF  }
0x54: {  	[sflag:s0] =	ssyncadd.tile.s32 @!p0 $0x1;
	_ =	shalt  }
.Lfunc_end1:
_tile_overlayer_lowered:
.L_overlay_start_2:
0x55: {  	(tag) =	ssettag $0x2  }
0x56: {  	s0 =	rddreg [dreg:$0x0];
	s2 =	stileid.u32  }
0x57: {  	s1 =	rddreg [dreg:$0x1];
	p0 =	sne.s32 s2, $0x0  }
0x58: {  	s3 =	rddreg [dreg:$0x2];
	[bflag:$0x3] =	sbarrier.arrive $0xFFFF;
	s2 =	simm.s32 @!p0 $0x1C01  }
0x59: {  	[timem:s3], [sflag:s2] =	dma.local @!p0 [hbm:s0], s1  }
0x5a: {  	s0 =	simm.s32 @!p0 $0x1  }
0x5b: {  	_ =	swait.ge @!p0 [sflag:s0], s1  }
0x5c: {  	s1 =	ssub.s32 @!p0 $0x0, s1;
	[sflag:s0] =	ssyncset.done @!p0 $0x0  }
0x5d: {  	[sflag:s0] =	ssyncadd.s32 @!p0 s1  }
0x5e: {  	[bflag:$0x3] =	sbarrier.arrive $0xFFFF  }
0x5f: {  	_ =	shalt  }

</sc_bundles>
